<compile_context>
chip_gen: v7x
topology: tpu7x:2x2x1
jax: 0.10.2.dev20260603
libtpu: 0.0.44.dev20260713+nightly
codegen_flags: <defaults>
</compile_context>

<pallas_src>
import functools

import jax
import jax.numpy as jnp
from jax import lax
from jax.experimental import pallas as pl
from jax.experimental.pallas import tpu as pltpu
from jax.experimental.pallas import tpu_sc as plsc

DIM = 32
LANES = 16
NUM_CORES = 2
NUM_SUBCORES = 16
NW = NUM_CORES * NUM_SUBCORES


def kernel(users, items, user_emb, item_emb):
    batch = users.shape[0]
    b_per_w = batch // NW
    mesh = plsc.VectorSubcoreMesh(core_axis_name="c", subcore_axis_name="s")
    cp = pltpu.CompilerParams(
        needs_layout_passes=False, use_tc_tiling_on_sc=False
    )

    @functools.partial(
        pl.kernel,
        compiler_params=cp,
        out_type=jax.ShapeDtypeStruct((batch,), jnp.float32),
        mesh=mesh,
        scratch_types=[
            pltpu.VMEM((b_per_w,), jnp.int32),
            pltpu.VMEM((b_per_w,), jnp.int32),
            pltpu.VMEM((DIM, b_per_w), jnp.float32),
            pltpu.VMEM((DIM, b_per_w), jnp.float32),
            pltpu.VMEM((b_per_w,), jnp.float32),
            pltpu.SemaphoreType.DMA,
        ],
    )
    def sc_kernel(users_hbm, items_hbm, uembt_hbm, vembt_hbm, out_hbm,
                  uidx_v, iidx_v, ug_v, vg_v, out_v, sem):
        wid = lax.axis_index("s") * NUM_CORES + lax.axis_index("c")
        base = wid * b_per_w
        pltpu.sync_copy(users_hbm.at[pl.ds(base, b_per_w)], uidx_v)
        pltpu.sync_copy(items_hbm.at[pl.ds(base, b_per_w)], iidx_v)

        for w in range(4):
            copies = []
            for k in range(w * 8, (w + 1) * 8):
                copies.append(pltpu.async_copy(
                    uembt_hbm.at[k].at[uidx_v], ug_v.at[k], sem))
                copies.append(pltpu.async_copy(
                    vembt_hbm.at[k].at[iidx_v], vg_v.at[k], sem))
            for c in copies:
                c.wait()

        @pl.loop(0, b_per_w // LANES)
        def _(g):
            j0 = g * LANES
            acc = None
            for k in range(DIM):
                u = ug_v[k, pl.ds(j0, LANES)]
                v = vg_v[k, pl.ds(j0, LANES)]
                acc = u * v if acc is None else acc + u * v
            out_v[pl.ds(j0, LANES)] = acc

        pltpu.sync_copy(out_v, out_hbm.at[pl.ds(base, b_per_w)])

    return sc_kernel(users, items, user_emb.T, item_emb.T)

# --- scband reference (transcript-rebuilt; emitter-appended) ---
"""Pipeline reference for scband-matrix-factorization-32427003085011 (READ-ONLY COPY).

The authoritative reference and input builder live on the scoring server;
editing this copy changes nothing except your own understanding.
"""

import jax, jax.numpy as jnp
import numpy as np

N_USERS = 1000000
N_ITEMS = 1000000
DIM = 32
BATCH = 16384

def setup_inputs(seed: int = 0) -> dict:
    key = jax.random.key(seed)
    k1, k2, k3, k4 = jax.random.split(key, 4)
    users = jax.random.randint(k1, (BATCH,), 0, N_USERS, dtype=jnp.int64 if jax.config.jax_enable_x64 else jnp.int32)
    items = jax.random.randint(k2, (BATCH,), 0, N_ITEMS, dtype=jnp.int64 if jax.config.jax_enable_x64 else jnp.int32)
    user_emb = jax.random.normal(k3, (N_USERS, DIM), dtype=jnp.float32) * 0.01
    item_emb = jax.random.normal(k4, (N_ITEMS, DIM), dtype=jnp.float32) * 0.01
    return {"users": users, "items": items, "user_emb": user_emb, "item_emb": item_emb}

def reference(users, items, user_emb, item_emb):
    u = jnp.take(user_emb, users, axis=0)
    v = jnp.take(item_emb, items, axis=0)
    return (u * v).sum(axis=1)

if __name__ == "__main__":
    import jax
    _d = setup_inputs()
    print(jax.jit(kernel)(*tuple(_d.values())))

</pallas_src>

<mosaic_0001>
#map = affine_map<(d0, d1) -> (0)>
#map1 = affine_map<(d0, d1) -> (0, 0)>
module attributes {stable_mosaic.version = 14 : i64} {
  func.func @sc_kernel(%arg0: i32, %arg1: i32, %arg2: memref<16384xi32, #tpu.memory_space<hbm>>, %arg3: memref<16384xi32, #tpu.memory_space<hbm>>, %arg4: memref<32x1000000xf32, #tpu.memory_space<hbm>>, %arg5: memref<32x1000000xf32, #tpu.memory_space<hbm>>, %arg6: memref<16384xf32, #tpu.memory_space<hbm>>, %arg7: memref<512xi32, #tpu.memory_space<vmem>>, %arg8: memref<512xi32, #tpu.memory_space<vmem>>, %arg9: memref<32x512xf32, #tpu.memory_space<vmem>>, %arg10: memref<32x512xf32, #tpu.memory_space<vmem>>, %arg11: memref<512xf32, #tpu.memory_space<vmem>>, %arg12: memref<!tpu.dma_semaphore, #tpu.memory_space<semaphore_mem>>) attributes {dimension_semantics = [#tpu.dimension_semantics<core_parallel>, #tpu.dimension_semantics<subcore_parallel>], iteration_bounds = array<i64: 2, 16>, scalar_prefetch = 0 : i64, scratch_operands = 6 : i64, tpu.core_type = #tpu.core_type<sc_vector_subcore>, window_params = [{transform_indices = #map}, {transform_indices = #map}, {transform_indices = #map1}, {transform_indices = #map1}, {transform_indices = #map}]} {
    %mul3A = arith.constant 2 : i32
    %mul3A_0 = arith.muli %arg1, %mul3A : i32
    %add3A = arith.addi %mul3A_0, %arg0 : i32
    %mul3A_1 = arith.constant 512 : i32
    %mul3A_2 = arith.muli %add3A, %mul3A_1 : i32
    "tpu.region"() ({
      %run_scoped3A = tpu.sem_alloc : memref<!tpu.dma_semaphore, #tpu.memory_space<semaphore_mem>>
      %dma_start3A_1285 = tpu.memref_slice %arg2[%mul3A_2] : memref<16384xi32, #tpu.memory_space<hbm>> -> memref<512xi32, #tpu.memory_space<hbm>>
      %dma_start3A_1286 = tpu.memref_slice %arg2[%mul3A_2] : memref<16384xi32, #tpu.memory_space<hbm>> -> memref<512xi32, #tpu.memory_space<hbm>>
      tpu.enqueue_dma source(%dma_start3A_1286 : memref<512xi32, #tpu.memory_space<hbm>>) target(%arg7 : memref<512xi32, #tpu.memory_space<vmem>>) target_semaphore(%run_scoped3A : memref<!tpu.dma_semaphore, #tpu.memory_space<semaphore_mem>>)
      %dma_wait3A_1287 = tpu.memref_slice %arg2[%mul3A_2] : memref<16384xi32, #tpu.memory_space<hbm>> -> memref<512xi32, #tpu.memory_space<hbm>>
      %dma_wait3A_1288 = tpu.memref_slice %arg2[%mul3A_2] : memref<16384xi32, #tpu.memory_space<hbm>> -> memref<512xi32, #tpu.memory_space<hbm>>
      tpu.wait_dma2 semaphore(%run_scoped3A : memref<!tpu.dma_semaphore, #tpu.memory_space<semaphore_mem>>) src(%dma_wait3A_1288 : memref<512xi32, #tpu.memory_space<hbm>>) dst(%arg7 : memref<512xi32, #tpu.memory_space<vmem>>)
      tpu.yield
    }) : () -> ()
    "tpu.region"() ({
      %run_scoped3A = tpu.sem_alloc : memref<!tpu.dma_semaphore, #tpu.memory_space<semaphore_mem>>
      %dma_start3A_1285 = tpu.memref_slice %arg3[%mul3A_2] : memref<16384xi32, #tpu.memory_space<hbm>> -> memref<512xi32, #tpu.memory_space<hbm>>
      %dma_start3A_1286 = tpu.memref_slice %arg3[%mul3A_2] : memref<16384xi32, #tpu.memory_space<hbm>> -> memref<512xi32, #tpu.memory_space<hbm>>
      tpu.enqueue_dma source(%dma_start3A_1286 : memref<512xi32, #tpu.memory_space<hbm>>) target(%arg8 : memref<512xi32, #tpu.memory_space<vmem>>) target_semaphore(%run_scoped3A : memref<!tpu.dma_semaphore, #tpu.memory_space<semaphore_mem>>)
      %dma_wait3A_1287 = tpu.memref_slice %arg3[%mul3A_2] : memref<16384xi32, #tpu.memory_space<hbm>> -> memref<512xi32, #tpu.memory_space<hbm>>
      %dma_wait3A_1288 = tpu.memref_slice %arg3[%mul3A_2] : memref<16384xi32, #tpu.memory_space<hbm>> -> memref<512xi32, #tpu.memory_space<hbm>>
      tpu.wait_dma2 semaphore(%run_scoped3A : memref<!tpu.dma_semaphore, #tpu.memory_space<semaphore_mem>>) src(%dma_wait3A_1288 : memref<512xi32, #tpu.memory_space<hbm>>) dst(%arg8 : memref<512xi32, #tpu.memory_space<vmem>>)
      tpu.yield
    }) : () -> ()
    %dma_start3A = arith.constant 0 : i32
    %dma_start3A_3 = arith.constant 0 : i32
    %dma_start3A_4 = arith.constant 0 : i32
    %dma_start3A_5 = tpu.memref_slice %arg9[%dma_start3A_3, %dma_start3A_4] : memref<32x512xf32, #tpu.memory_space<vmem>> -> memref<1x512xf32, #tpu.memory_space<vmem>>
    %dma_start3A_6 = tpu.memref_squeeze %dma_start3A_5 : memref<1x512xf32, #tpu.memory_space<vmem>> -> memref<512xf32, #tpu.memory_space<vmem>>
    %dma_start3A_7 = arith.constant 0 : i32
    %dma_start3A_8 = tpu.memref_slice %arg4[%dma_start3A, %dma_start3A_7] : memref<32x1000000xf32, #tpu.memory_space<hbm>> -> memref<1x1000000xf32, #tpu.memory_space<hbm>>
    %dma_start3A_9 = tpu.memref_squeeze %dma_start3A_8 : memref<1x1000000xf32, #tpu.memory_space<hbm>> -> memref<1000000xf32, #tpu.memory_space<hbm>>
    %dma_start3A_10 = arith.constant 0 : i32
    %dma_start3A_11 = tpu.memref_slice %dma_start3A_9[%dma_start3A_10] : memref<1000000xf32, #tpu.memory_space<hbm>> -> memref<1000000xf32, #tpu.memory_space<hbm>>
    tpu.enqueue_indirect_dma source(%dma_start3A_11 : memref<1000000xf32, #tpu.memory_space<hbm>>) target(%dma_start3A_6 : memref<512xf32, #tpu.memory_space<vmem>>) offsets(%arg7 : memref<512xi32, #tpu.memory_space<vmem>>) semaphore(%arg12 : memref<!tpu.dma_semaphore, #tpu.memory_space<semaphore_mem>>)
    %dma_start3A_12 = arith.constant 0 : i32
    %dma_start3A_13 = arith.constant 0 : i32
    %dma_start3A_14 = arith.constant 0 : i32
    %dma_start3A_15 = tpu.memref_slice %arg10[%dma_start3A_13, %dma_start3A_14] : memref<32x512xf32, #tpu.memory_space<vmem>> -> memref<1x512xf32, #tpu.memory_space<vmem>>
    %dma_start3A_16 = tpu.memref_squeeze %dma_start3A_15 : memref<1x512xf32, #tpu.memory_space<vmem>> -> memref<512xf32, #tpu.memory_space<vmem>>
    %dma_start3A_17 = arith.constant 0 : i32
    %dma_start3A_18 = tpu.memref_slice %arg5[%dma_start3A_12, %dma_start3A_17] : memref<32x1000000xf32, #tpu.memory_space<hbm>> -> memref<1x1000000xf32, #tpu.memory_space<hbm>>
    %dma_start3A_19 = tpu.memref_squeeze %dma_start3A_18 : memref<1x1000000xf32, #tpu.memory_space<hbm>> -> memref<1000000xf32, #tpu.memory_space<hbm>>
    %dma_start3A_20 = arith.constant 0 : i32
    %dma_start3A_21 = tpu.memref_slice %dma_start3A_19[%dma_start3A_20] : memref<1000000xf32, #tpu.memory_space<hbm>> -> memref<1000000xf32, #tpu.memory_space<hbm>>
    tpu.enqueue_indirect_dma source(%dma_start3A_21 : memref<1000000xf32, #tpu.memory_space<hbm>>) target(%dma_start3A_16 : memref<512xf32, #tpu.memory_space<vmem>>) offsets(%arg8 : memref<512xi32, #tpu.memory_space<vmem>>) semaphore(%arg12 : memref<!tpu.dma_semaphore, #tpu.memory_space<semaphore_mem>>)
    %dma_start3A_22 = arith.constant 1 : i32
    %dma_start3A_23 = arith.constant 1 : i32
    %dma_start3A_24 = arith.constant 0 : i32
    %dma_start3A_25 = tpu.memref_slice %arg9[%dma_start3A_23, %dma_start3A_24] : memref<32x512xf32, #tpu.memory_space<vmem>> -> memref<1x512xf32, #tpu.memory_space<vmem>>
    %dma_start3A_26 = tpu.memref_squeeze %dma_start3A_25 : memref<1x512xf32, #tpu.memory_space<vmem>> -> memref<512xf32, #tpu.memory_space<vmem>>
    %dma_start3A_27 = arith.constant 0 : i32
    %dma_start3A_28 = tpu.memref_slice %arg4[%dma_start3A_22, %dma_start3A_27] : memref<32x1000000xf32, #tpu.memory_space<hbm>> -> memref<1x1000000xf32, #tpu.memory_space<hbm>>
    %dma_start3A_29 = tpu.memref_squeeze %dma_start3A_28 : memref<1x1000000xf32, #tpu.memory_space<hbm>> -> memref<1000000xf32, #tpu.memory_space<hbm>>
    %dma_start3A_30 = arith.constant 0 : i32
    %dma_start3A_31 = tpu.memref_slice %dma_start3A_29[%dma_start3A_30] : memref<1000000xf32, #tpu.memory_space<hbm>> -> memref<1000000xf32, #tpu.memory_space<hbm>>
    tpu.enqueue_indirect_dma source(%dma_start3A_31 : memref<1000000xf32, #tpu.memory_space<hbm>>) target(%dma_start3A_26 : memref<512xf32, #tpu.memory_space<vmem>>) offsets(%arg7 : memref<512xi32, #tpu.memory_space<vmem>>) semaphore(%arg12 : memref<!tpu.dma_semaphore, #tpu.memory_space<semaphore_mem>>)
    %dma_start3A_32 = arith.constant 1 : i32
    %dma_start3A_33 = arith.constant 1 : i32
    %dma_start3A_34 = arith.constant 0 : i32
    %dma_start3A_35 = tpu.memref_slice %arg10[%dma_start3A_33, %dma_start3A_34] : memref<32x512xf32, #tpu.memory_space<vmem>> -> memref<1x512xf32, #tpu.memory_space<vmem>>
    %dma_start3A_36 = tpu.memref_squeeze %dma_start3A_35 : memref<1x512xf32, #tpu.memory_space<vmem>> -> memref<512xf32, #tpu.memory_space<vmem>>
    %dma_start3A_37 = arith.constant 0 : i32
    %dma_start3A_38 = tpu.memref_slice %arg5[%dma_start3A_32, %dma_start3A_37] : memref<32x1000000xf32, #tpu.memory_space<hbm>> -> memref<1x1000000xf32, #tpu.memory_space<hbm>>
    %dma_start3A_39 = tpu.memref_squeeze %dma_start3A_38 : memref<1x1000000xf32, #tpu.memory_space<hbm>> -> memref<1000000xf32, #tpu.memory_space<hbm>>
    %dma_start3A_40 = arith.constant 0 : i32
    %dma_start3A_41 = tpu.memref_slice %dma_start3A_39[%dma_start3A_40] : memref<1000000xf32, #tpu.memory_space<hbm>> -> memref<1000000xf32, #tpu.memory_space<hbm>>
    tpu.enqueue_indirect_dma source(%dma_start3A_41 : memref<1000000xf32, #tpu.memory_space<hbm>>) target(%dma_start3A_36 : memref<512xf32, #tpu.memory_space<vmem>>) offsets(%arg8 : memref<512xi32, #tpu.memory_space<vmem>>) semaphore(%arg12 : memref<!tpu.dma_semaphore, #tpu.memory_space<semaphore_mem>>)
    %dma_start3A_42 = arith.constant 2 : i32
    %dma_start3A_43 = arith.constant 2 : i32
    %dma_start3A_44 = arith.constant 0 : i32
    %dma_start3A_45 = tpu.memref_slice %arg9[%dma_start3A_43, %dma_start3A_44] : memref<32x512xf32, #tpu.memory_space<vmem>> -> memref<1x512xf32, #tpu.memory_space<vmem>>
    %dma_start3A_46 = tpu.memref_squeeze %dma_start3A_45 : memref<1x512xf32, #tpu.memory_space<vmem>> -> memref<512xf32, #tpu.memory_space<vmem>>
    %dma_start3A_47 = arith.constant 0 : i32
    %dma_start3A_48 = tpu.memref_slice %arg4[%dma_start3A_42, %dma_start3A_47] : memref<32x1000000xf32, #tpu.memory_space<hbm>> -> memref<1x1000000xf32, #tpu.memory_space<hbm>>
    %dma_start3A_49 = tpu.memref_squeeze %dma_start3A_48 : memref<1x1000000xf32, #tpu.memory_space<hbm>> -> memref<1000000xf32, #tpu.memory_space<hbm>>
    %dma_start3A_50 = arith.constant 0 : i32
    %dma_start3A_51 = tpu.memref_slice %dma_start3A_49[%dma_start3A_50] : memref<1000000xf32, #tpu.memory_space<hbm>> -> memref<1000000xf32, #tpu.memory_space<hbm>>
    tpu.enqueue_indirect_dma source(%dma_start3A_51 : memref<1000000xf32, #tpu.memory_space<hbm>>) target(%dma_start3A_46 : memref<512xf32, #tpu.memory_space<vmem>>) offsets(%arg7 : memref<512xi32, #tpu.memory_space<vmem>>) semaphore(%arg12 : memref<!tpu.dma_semaphore, #tpu.memory_space<semaphore_mem>>)
    %dma_start3A_52 = arith.constant 2 : i32
    %dma_start3A_53 = arith.constant 2 : i32
    %dma_start3A_54 = arith.constant 0 : i32
    %dma_start3A_55 = tpu.memref_slice %arg10[%dma_start3A_53, %dma_start3A_54] : memref<32x512xf32, #tpu.memory_space<vmem>> -> memref<1x512xf32, #tpu.memory_space<vmem>>
    %dma_start3A_56 = tpu.memref_squeeze %dma_start3A_55 : memref<1x512xf32, #tpu.memory_space<vmem>> -> memref<512xf32, #tpu.memory_space<vmem>>
    %dma_start3A_57 = arith.constant 0 : i32
    %dma_start3A_58 = tpu.memref_slice %arg5[%dma_start3A_52, %dma_start3A_57] : memref<32x1000000xf32, #tpu.memory_space<hbm>> -> memref<1x1000000xf32, #tpu.memory_space<hbm>>
    %dma_start3A_59 = tpu.memref_squeeze %dma_start3A_58 : memref<1x1000000xf32, #tpu.memory_space<hbm>> -> memref<1000000xf32, #tpu.memory_space<hbm>>
    %dma_start3A_60 = arith.constant 0 : i32
    %dma_start3A_61 = tpu.memref_slice %dma_start3A_59[%dma_start3A_60] : memref<1000000xf32, #tpu.memory_space<hbm>> -> memref<1000000xf32, #tpu.memory_space<hbm>>
    tpu.enqueue_indirect_dma source(%dma_start3A_61 : memref<1000000xf32, #tpu.memory_space<hbm>>) target(%dma_start3A_56 : memref<512xf32, #tpu.memory_space<vmem>>) offsets(%arg8 : memref<512xi32, #tpu.memory_space<vmem>>) semaphore(%arg12 : memref<!tpu.dma_semaphore, #tpu.memory_space<semaphore_mem>>)
    %dma_start3A_62 = arith.constant 3 : i32
    %dma_start3A_63 = arith.constant 3 : i32
    %dma_start3A_64 = arith.constant 0 : i32
    %dma_start3A_65 = tpu.memref_slice %arg9[%dma_start3A_63, %dma_start3A_64] : memref<32x512xf32, #tpu.memory_space<vmem>> -> memref<1x512xf32, #tpu.memory_space<vmem>>
    %dma_start3A_66 = tpu.memref_squeeze %dma_start3A_65 : memref<1x512xf32, #tpu.memory_space<vmem>> -> memref<512xf32, #tpu.memory_space<vmem>>
    %dma_start3A_67 = arith.constant 0 : i32
    %dma_start3A_68 = tpu.memref_slice %arg4[%dma_start3A_62, %dma_start3A_67] : memref<32x1000000xf32, #tpu.memory_space<hbm>> -> memref<1x1000000xf32, #tpu.memory_space<hbm>>
    %dma_start3A_69 = tpu.memref_squeeze %dma_start3A_68 : memref<1x1000000xf32, #tpu.memory_space<hbm>> -> memref<1000000xf32, #tpu.memory_space<hbm>>
    %dma_start3A_70 = arith.constant 0 : i32
    %dma_start3A_71 = tpu.memref_slice %dma_start3A_69[%dma_start3A_70] : memref<1000000xf32, #tpu.memory_space<hbm>> -> memref<1000000xf32, #tpu.memory_space<hbm>>
    tpu.enqueue_indirect_dma source(%dma_start3A_71 : memref<1000000xf32, #tpu.memory_space<hbm>>) target(%dma_start3A_66 : memref<512xf32, #tpu.memory_space<vmem>>) offsets(%arg7 : memref<512xi32, #tpu.memory_space<vmem>>) semaphore(%arg12 : memref<!tpu.dma_semaphore, #tpu.memory_space<semaphore_mem>>)
    %dma_start3A_72 = arith.constant 3 : i32
    %dma_start3A_73 = arith.constant 3 : i32
    %dma_start3A_74 = arith.constant 0 : i32
    %dma_start3A_75 = tpu.memref_slice %arg10[%dma_start3A_73, %dma_start3A_74] : memref<32x512xf32, #tpu.memory_space<vmem>> -> memref<1x512xf32, #tpu.memory_space<vmem>>
    %dma_start3A_76 = tpu.memref_squeeze %dma_start3A_75 : memref<1x512xf32, #tpu.memory_space<vmem>> -> memref<512xf32, #tpu.memory_space<vmem>>
    %dma_start3A_77 = arith.constant 0 : i32
    %dma_start3A_78 = tpu.memref_slice %arg5[%dma_start3A_72, %dma_start3A_77] : memref<32x1000000xf32, #tpu.memory_space<hbm>> -> memref<1x1000000xf32, #tpu.memory_space<hbm>>
    %dma_start3A_79 = tpu.memref_squeeze %dma_start3A_78 : memref<1x1000000xf32, #tpu.memory_space<hbm>> -> memref<1000000xf32, #tpu.memory_space<hbm>>
    %dma_start3A_80 = arith.constant 0 : i32
    %dma_start3A_81 = tpu.memref_slice %dma_start3A_79[%dma_start3A_80] : memref<1000000xf32, #tpu.memory_space<hbm>> -> memref<1000000xf32, #tpu.memory_space<hbm>>
    tpu.enqueue_indirect_dma source(%dma_start3A_81 : memref<1000000xf32, #tpu.memory_space<hbm>>) target(%dma_start3A_76 : memref<512xf32, #tpu.memory_space<vmem>>) offsets(%arg8 : memref<512xi32, #tpu.memory_space<vmem>>) semaphore(%arg12 : memref<!tpu.dma_semaphore, #tpu.memory_space<semaphore_mem>>)
    %dma_start3A_82 = arith.constant 4 : i32
    %dma_start3A_83 = arith.constant 4 : i32
    %dma_start3A_84 = arith.constant 0 : i32
    %dma_start3A_85 = tpu.memref_slice %arg9[%dma_start3A_83, %dma_start3A_84] : memref<32x512xf32, #tpu.memory_space<vmem>> -> memref<1x512xf32, #tpu.memory_space<vmem>>
    %dma_start3A_86 = tpu.memref_squeeze %dma_start3A_85 : memref<1x512xf32, #tpu.memory_space<vmem>> -> memref<512xf32, #tpu.memory_space<vmem>>
    %dma_start3A_87 = arith.constant 0 : i32
    %dma_start3A_88 = tpu.memref_slice %arg4[%dma_start3A_82, %dma_start3A_87] : memref<32x1000000xf32, #tpu.memory_space<hbm>> -> memref<1x1000000xf32, #tpu.memory_space<hbm>>
    %dma_start3A_89 = tpu.memref_squeeze %dma_start3A_88 : memref<1x1000000xf32, #tpu.memory_space<hbm>> -> memref<1000000xf32, #tpu.memory_space<hbm>>
    %dma_start3A_90 = arith.constant 0 : i32
    %dma_start3A_91 = tpu.memref_slice %dma_start3A_89[%dma_start3A_90] : memref<1000000xf32, #tpu.memory_space<hbm>> -> memref<1000000xf32, #tpu.memory_space<hbm>>
    tpu.enqueue_indirect_dma source(%dma_start3A_91 : memref<1000000xf32, #tpu.memory_space<hbm>>) target(%dma_start3A_86 : memref<512xf32, #tpu.memory_space<vmem>>) offsets(%arg7 : memref<512xi32, #tpu.memory_space<vmem>>) semaphore(%arg12 : memref<!tpu.dma_semaphore, #tpu.memory_space<semaphore_mem>>)
    %dma_start3A_92 = arith.constant 4 : i32
    %dma_start3A_93 = arith.constant 4 : i32
    %dma_start3A_94 = arith.constant 0 : i32
    %dma_start3A_95 = tpu.memref_slice %arg10[%dma_start3A_93, %dma_start3A_94] : memref<32x512xf32, #tpu.memory_space<vmem>> -> memref<1x512xf32, #tpu.memory_space<vmem>>
    %dma_start3A_96 = tpu.memref_squeeze %dma_start3A_95 : memref<1x512xf32, #tpu.memory_space<vmem>> -> memref<512xf32, #tpu.memory_space<vmem>>
    %dma_start3A_97 = arith.constant 0 : i32
    %dma_start3A_98 = tpu.memref_slice %arg5[%dma_start3A_92, %dma_start3A_97] : memref<32x1000000xf32, #tpu.memory_space<hbm>> -> memref<1x1000000xf32, #tpu.memory_space<hbm>>
    %dma_start3A_99 = tpu.memref_squeeze %dma_start3A_98 : memref<1x1000000xf32, #tpu.memory_space<hbm>> -> memref<1000000xf32, #tpu.memory_space<hbm>>
    %dma_start3A_100 = arith.constant 0 : i32
    %dma_start3A_101 = tpu.memref_slice %dma_start3A_99[%dma_start3A_100] : memref<1000000xf32, #tpu.memory_space<hbm>> -> memref<1000000xf32, #tpu.memory_space<hbm>>
    tpu.enqueue_indirect_dma source(%dma_start3A_101 : memref<1000000xf32, #tpu.memory_space<hbm>>) target(%dma_start3A_96 : memref<512xf32, #tpu.memory_space<vmem>>) offsets(%arg8 : memref<512xi32, #tpu.memory_space<vmem>>) semaphore(%arg12 : memref<!tpu.dma_semaphore, #tpu.memory_space<semaphore_mem>>)
    %dma_start3A_102 = arith.constant 5 : i32
    %dma_start3A_103 = arith.constant 5 : i32
    %dma_start3A_104 = arith.constant 0 : i32
    %dma_start3A_105 = tpu.memref_slice %arg9[%dma_start3A_103, %dma_start3A_104] : memref<32x512xf32, #tpu.memory_space<vmem>> -> memref<1x512xf32, #tpu.memory_space<vmem>>
    %dma_start3A_106 = tpu.memref_squeeze %dma_start3A_105 : memref<1x512xf32, #tpu.memory_space<vmem>> -> memref<512xf32, #tpu.memory_space<vmem>>
    %dma_start3A_107 = arith.constant 0 : i32
    %dma_start3A_108 = tpu.memref_slice %arg4[%dma_start3A_102, %dma_start3A_107] : memref<32x1000000xf32, #tpu.memory_space<hbm>> -> memref<1x1000000xf32, #tpu.memory_space<hbm>>
    %dma_start3A_109 = tpu.memref_squeeze %dma_start3A_108 : memref<1x1000000xf32, #tpu.memory_space<hbm>> -> memref<1000000xf32, #tpu.memory_space<hbm>>
    %dma_start3A_110 = arith.constant 0 : i32
    %dma_start3A_111 = tpu.memref_slice %dma_start3A_109[%dma_start3A_110] : memref<1000000xf32, #tpu.memory_space<hbm>> -> memref<1000000xf32, #tpu.memory_space<hbm>>
    tpu.enqueue_indirect_dma source(%dma_start3A_111 : memref<1000000xf32, #tpu.memory_space<hbm>>) target(%dma_start3A_106 : memref<512xf32, #tpu.memory_space<vmem>>) offsets(%arg7 : memref<512xi32, #tpu.memory_space<vmem>>) semaphore(%arg12 : memref<!tpu.dma_semaphore, #tpu.memory_space<semaphore_mem>>)
    %dma_start3A_112 = arith.constant 5 : i32
    %dma_start3A_113 = arith.constant 5 : i32
    %dma_start3A_114 = arith.constant 0 : i32
    %dma_start3A_115 = tpu.memref_slice %arg10[%dma_start3A_113, %dma_start3A_114] : memref<32x512xf32, #tpu.memory_space<vmem>> -> memref<1x512xf32, #tpu.memory_space<vmem>>
    %dma_start3A_116 = tpu.memref_squeeze %dma_start3A_115 : memref<1x512xf32, #tpu.memory_space<vmem>> -> memref<512xf32, #tpu.memory_space<vmem>>
    %dma_start3A_117 = arith.constant 0 : i32
    %dma_start3A_118 = tpu.memref_slice %arg5[%dma_start3A_112, %dma_start3A_117] : memref<32x1000000xf32, #tpu.memory_space<hbm>> -> memref<1x1000000xf32, #tpu.memory_space<hbm>>
    %dma_start3A_119 = tpu.memref_squeeze %dma_start3A_118 : memref<1x1000000xf32, #tpu.memory_space<hbm>> -> memref<1000000xf32, #tpu.memory_space<hbm>>
    %dma_start3A_120 = arith.constant 0 : i32
    %dma_start3A_121 = tpu.memref_slice %dma_start3A_119[%dma_start3A_120] : memref<1000000xf32, #tpu.memory_space<hbm>> -> memref<1000000xf32, #tpu.memory_space<hbm>>
    tpu.enqueue_indirect_dma source(%dma_start3A_121 : memref<1000000xf32, #tpu.memory_space<hbm>>) target(%dma_start3A_116 : memref<512xf32, #tpu.memory_space<vmem>>) offsets(%arg8 : memref<512xi32, #tpu.memory_space<vmem>>) semaphore(%arg12 : memref<!tpu.dma_semaphore, #tpu.memory_space<semaphore_mem>>)
    %dma_start3A_122 = arith.constant 6 : i32
    %dma_start3A_123 = arith.constant 6 : i32
    %dma_start3A_124 = arith.constant 0 : i32
    %dma_start3A_125 = tpu.memref_slice %arg9[%dma_start3A_123, %dma_start3A_124] : memref<32x512xf32, #tpu.memory_space<vmem>> -> memref<1x512xf32, #tpu.memory_space<vmem>>
    %dma_start3A_126 = tpu.memref_squeeze %dma_start3A_125 : memref<1x512xf32, #tpu.memory_space<vmem>> -> memref<512xf32, #tpu.memory_space<vmem>>
    %dma_start3A_127 = arith.constant 0 : i32
    %dma_start3A_128 = tpu.memref_slice %arg4[%dma_start3A_122, %dma_start3A_127] : memref<32x1000000xf32, #tpu.memory_space<hbm>> -> memref<1x1000000xf32, #tpu.memory_space<hbm>>
    %dma_start3A_129 = tpu.memref_squeeze %dma_start3A_128 : memref<1x1000000xf32, #tpu.memory_space<hbm>> -> memref<1000000xf32, #tpu.memory_space<hbm>>
    %dma_start3A_130 = arith.constant 0 : i32
    %dma_start3A_131 = tpu.memref_slice %dma_start3A_129[%dma_start3A_130] : memref<1000000xf32, #tpu.memory_space<hbm>> -> memref<1000000xf32, #tpu.memory_space<hbm>>
    tpu.enqueue_indirect_dma source(%dma_start3A_131 : memref<1000000xf32, #tpu.memory_space<hbm>>) target(%dma_start3A_126 : memref<512xf32, #tpu.memory_space<vmem>>) offsets(%arg7 : memref<512xi32, #tpu.memory_space<vmem>>) semaphore(%arg12 : memref<!tpu.dma_semaphore, #tpu.memory_space<semaphore_mem>>)
    %dma_start3A_132 = arith.constant 6 : i32
    %dma_start3A_133 = arith.constant 6 : i32
    %dma_start3A_134 = arith.constant 0 : i32
    %dma_start3A_135 = tpu.memref_slice %arg10[%dma_start3A_133, %dma_start3A_134] : memref<32x512xf32, #tpu.memory_space<vmem>> -> memref<1x512xf32, #tpu.memory_space<vmem>>
    %dma_start3A_136 = tpu.memref_squeeze %dma_start3A_135 : memref<1x512xf32, #tpu.memory_space<vmem>> -> memref<512xf32, #tpu.memory_space<vmem>>
    %dma_start3A_137 = arith.constant 0 : i32
    %dma_start3A_138 = tpu.memref_slice %arg5[%dma_start3A_132, %dma_start3A_137] : memref<32x1000000xf32, #tpu.memory_space<hbm>> -> memref<1x1000000xf32, #tpu.memory_space<hbm>>
    %dma_start3A_139 = tpu.memref_squeeze %dma_start3A_138 : memref<1x1000000xf32, #tpu.memory_space<hbm>> -> memref<1000000xf32, #tpu.memory_space<hbm>>
    %dma_start3A_140 = arith.constant 0 : i32
    %dma_start3A_141 = tpu.memref_slice %dma_start3A_139[%dma_start3A_140] : memref<1000000xf32, #tpu.memory_space<hbm>> -> memref<1000000xf32, #tpu.memory_space<hbm>>
    tpu.enqueue_indirect_dma source(%dma_start3A_141 : memref<1000000xf32, #tpu.memory_space<hbm>>) target(%dma_start3A_136 : memref<512xf32, #tpu.memory_space<vmem>>) offsets(%arg8 : memref<512xi32, #tpu.memory_space<vmem>>) semaphore(%arg12 : memref<!tpu.dma_semaphore, #tpu.memory_space<semaphore_mem>>)
    %dma_start3A_142 = arith.constant 7 : i32
    %dma_start3A_143 = arith.constant 7 : i32
    %dma_start3A_144 = arith.constant 0 : i32
    %dma_start3A_145 = tpu.memref_slice %arg9[%dma_start3A_143, %dma_start3A_144] : memref<32x512xf32, #tpu.memory_space<vmem>> -> memref<1x512xf32, #tpu.memory_space<vmem>>
    %dma_start3A_146 = tpu.memref_squeeze %dma_start3A_145 : memref<1x512xf32, #tpu.memory_space<vmem>> -> memref<512xf32, #tpu.memory_space<vmem>>
    %dma_start3A_147 = arith.constant 0 : i32
    %dma_start3A_148 = tpu.memref_slice %arg4[%dma_start3A_142, %dma_start3A_147] : memref<32x1000000xf32, #tpu.memory_space<hbm>> -> memref<1x1000000xf32, #tpu.memory_space<hbm>>
    %dma_start3A_149 = tpu.memref_squeeze %dma_start3A_148 : memref<1x1000000xf32, #tpu.memory_space<hbm>> -> memref<1000000xf32, #tpu.memory_space<hbm>>
    %dma_start3A_150 = arith.constant 0 : i32
    %dma_start3A_151 = tpu.memref_slice %dma_start3A_149[%dma_start3A_150] : memref<1000000xf32, #tpu.memory_space<hbm>> -> memref<1000000xf32, #tpu.memory_space<hbm>>
    tpu.enqueue_indirect_dma source(%dma_start3A_151 : memref<1000000xf32, #tpu.memory_space<hbm>>) target(%dma_start3A_146 : memref<512xf32, #tpu.memory_space<vmem>>) offsets(%arg7 : memref<512xi32, #tpu.memory_space<vmem>>) semaphore(%arg12 : memref<!tpu.dma_semaphore, #tpu.memory_space<semaphore_mem>>)
    %dma_start3A_152 = arith.constant 7 : i32
    %dma_start3A_153 = arith.constant 7 : i32
    %dma_start3A_154 = arith.constant 0 : i32
    %dma_start3A_155 = tpu.memref_slice %arg10[%dma_start3A_153, %dma_start3A_154] : memref<32x512xf32, #tpu.memory_space<vmem>> -> memref<1x512xf32, #tpu.memory_space<vmem>>
    %dma_start3A_156 = tpu.memref_squeeze %dma_start3A_155 : memref<1x512xf32, #tpu.memory_space<vmem>> -> memref<512xf32, #tpu.memory_space<vmem>>
    %dma_start3A_157 = arith.constant 0 : i32
    %dma_start3A_158 = tpu.memref_slice %arg5[%dma_start3A_152, %dma_start3A_157] : memref<32x1000000xf32, #tpu.memory_space<hbm>> -> memref<1x1000000xf32, #tpu.memory_space<hbm>>
    %dma_start3A_159 = tpu.memref_squeeze %dma_start3A_158 : memref<1x1000000xf32, #tpu.memory_space<hbm>> -> memref<1000000xf32, #tpu.memory_space<hbm>>
    %dma_start3A_160 = arith.constant 0 : i32
    %dma_start3A_161 = tpu.memref_slice %dma_start3A_159[%dma_start3A_160] : memref<1000000xf32, #tpu.memory_space<hbm>> -> memref<1000000xf32, #tpu.memory_space<hbm>>
    tpu.enqueue_indirect_dma source(%dma_start3A_161 : memref<1000000xf32, #tpu.memory_space<hbm>>) target(%dma_start3A_156 : memref<512xf32, #tpu.memory_space<vmem>>) offsets(%arg8 : memref<512xi32, #tpu.memory_space<vmem>>) semaphore(%arg12 : memref<!tpu.dma_semaphore, #tpu.memory_space<semaphore_mem>>)
    %dma_wait3A = arith.constant 0 : i32
    %dma_wait3A_162 = arith.constant 0 : i32
    %dma_wait3A_163 = arith.constant 0 : i32
    %dma_wait3A_164 = tpu.memref_slice %arg9[%dma_wait3A_162, %dma_wait3A_163] : memref<32x512xf32, #tpu.memory_space<vmem>> -> memref<1x512xf32, #tpu.memory_space<vmem>>
    %dma_wait3A_165 = tpu.memref_squeeze %dma_wait3A_164 : memref<1x512xf32, #tpu.memory_space<vmem>> -> memref<512xf32, #tpu.memory_space<vmem>>
    %dma_wait3A_166 = arith.constant 0 : i32
    %dma_wait3A_167 = tpu.memref_slice %arg4[%dma_wait3A, %dma_wait3A_166] : memref<32x1000000xf32, #tpu.memory_space<hbm>> -> memref<1x1000000xf32, #tpu.memory_space<hbm>>
    %dma_wait3A_168 = tpu.memref_squeeze %dma_wait3A_167 : memref<1x1000000xf32, #tpu.memory_space<hbm>> -> memref<1000000xf32, #tpu.memory_space<hbm>>
    %dma_wait3A_169 = arith.constant 0 : i32
    %dma_wait3A_170 = tpu.memref_slice %dma_wait3A_168[%dma_wait3A_169] : memref<1000000xf32, #tpu.memory_space<hbm>> -> memref<1000000xf32, #tpu.memory_space<hbm>>
    tpu.wait_indirect_dma semaphore(%arg12 : memref<!tpu.dma_semaphore, #tpu.memory_space<semaphore_mem>>) src(%dma_wait3A_170 : memref<1000000xf32, #tpu.memory_space<hbm>>) dst(%dma_wait3A_165 : memref<512xf32, #tpu.memory_space<vmem>>)
    %dma_wait3A_171 = arith.constant 0 : i32
    %dma_wait3A_172 = arith.constant 0 : i32
    %dma_wait3A_173 = arith.constant 0 : i32
    %dma_wait3A_174 = tpu.memref_slice %arg10[%dma_wait3A_172, %dma_wait3A_173] : memref<32x512xf32, #tpu.memory_space<vmem>> -> memref<1x512xf32, #tpu.memory_space<vmem>>
    %dma_wait3A_175 = tpu.memref_squeeze %dma_wait3A_174 : memref<1x512xf32, #tpu.memory_space<vmem>> -> memref<512xf32, #tpu.memory_space<vmem>>
    %dma_wait3A_176 = arith.constant 0 : i32
    %dma_wait3A_177 = tpu.memref_slice %arg5[%dma_wait3A_171, %dma_wait3A_176] : memref<32x1000000xf32, #tpu.memory_space<hbm>> -> memref<1x1000000xf32, #tpu.memory_space<hbm>>
    %dma_wait3A_178 = tpu.memref_squeeze %dma_wait3A_177 : memref<1x1000000xf32, #tpu.memory_space<hbm>> -> memref<1000000xf32, #tpu.memory_space<hbm>>
    %dma_wait3A_179 = arith.constant 0 : i32
    %dma_wait3A_180 = tpu.memref_slice %dma_wait3A_178[%dma_wait3A_179] : memref<1000000xf32, #tpu.memory_space<hbm>> -> memref<1000000xf32, #tpu.memory_space<hbm>>
    tpu.wait_indirect_dma semaphore(%arg12 : memref<!tpu.dma_semaphore, #tpu.memory_space<semaphore_mem>>) src(%dma_wait3A_180 : memref<1000000xf32, #tpu.memory_space<hbm>>) dst(%dma_wait3A_175 : memref<512xf32, #tpu.memory_space<vmem>>)
    %dma_wait3A_181 = arith.constant 1 : i32
    %dma_wait3A_182 = arith.constant 1 : i32
    %dma_wait3A_183 = arith.constant 0 : i32
    %dma_wait3A_184 = tpu.memref_slice %arg9[%dma_wait3A_182, %dma_wait3A_183] : memref<32x512xf32, #tpu.memory_space<vmem>> -> memref<1x512xf32, #tpu.memory_space<vmem>>
    %dma_wait3A_185 = tpu.memref_squeeze %dma_wait3A_184 : memref<1x512xf32, #tpu.memory_space<vmem>> -> memref<512xf32, #tpu.memory_space<vmem>>
    %dma_wait3A_186 = arith.constant 0 : i32
    %dma_wait3A_187 = tpu.memref_slice %arg4[%dma_wait3A_181, %dma_wait3A_186] : memref<32x1000000xf32, #tpu.memory_space<hbm>> -> memref<1x1000000xf32, #tpu.memory_space<hbm>>
    %dma_wait3A_188 = tpu.memref_squeeze %dma_wait3A_187 : memref<1x1000000xf32, #tpu.memory_space<hbm>> -> memref<1000000xf32, #tpu.memory_space<hbm>>
    %dma_wait3A_189 = arith.constant 0 : i32
    %dma_wait3A_190 = tpu.memref_slice %dma_wait3A_188[%dma_wait3A_189] : memref<1000000xf32, #tpu.memory_space<hbm>> -> memref<1000000xf32, #tpu.memory_space<hbm>>
    tpu.wait_indirect_dma semaphore(%arg12 : memref<!tpu.dma_semaphore, #tpu.memory_space<semaphore_mem>>) src(%dma_wait3A_190 : memref<1000000xf32, #tpu.memory_space<hbm>>) dst(%dma_wait3A_185 : memref<512xf32, #tpu.memory_space<vmem>>)
    %dma_wait3A_191 = arith.constant 1 : i32
    %dma_wait3A_192 = arith.constant 1 : i32
    %dma_wait3A_193 = arith.constant 0 : i32
    %dma_wait3A_194 = tpu.memref_slice %arg10[%dma_wait3A_192, %dma_wait3A_193] : memref<32x512xf32, #tpu.memory_space<vmem>> -> memref<1x512xf32, #tpu.memory_space<vmem>>
    %dma_wait3A_195 = tpu.memref_squeeze %dma_wait3A_194 : memref<1x512xf32, #tpu.memory_space<vmem>> -> memref<512xf32, #tpu.memory_space<vmem>>
    %dma_wait3A_196 = arith.constant 0 : i32
    %dma_wait3A_197 = tpu.memref_slice %arg5[%dma_wait3A_191, %dma_wait3A_196] : memref<32x1000000xf32, #tpu.memory_space<hbm>> -> memref<1x1000000xf32, #tpu.memory_space<hbm>>
    %dma_wait3A_198 = tpu.memref_squeeze %dma_wait3A_197 : memref<1x1000000xf32, #tpu.memory_space<hbm>> -> memref<1000000xf32, #tpu.memory_space<hbm>>
    %dma_wait3A_199 = arith.constant 0 : i32
    %dma_wait3A_200 = tpu.memref_slice %dma_wait3A_198[%dma_wait3A_199] : memref<1000000xf32, #tpu.memory_space<hbm>> -> memref<1000000xf32, #tpu.memory_space<hbm>>
    tpu.wait_indirect_dma semaphore(%arg12 : memref<!tpu.dma_semaphore, #tpu.memory_space<semaphore_mem>>) src(%dma_wait3A_200 : memref<1000000xf32, #tpu.memory_space<hbm>>) dst(%dma_wait3A_195 : memref<512xf32, #tpu.memory_space<vmem>>)
    %dma_wait3A_201 = arith.constant 2 : i32
    %dma_wait3A_202 = arith.constant 2 : i32
    %dma_wait3A_203 = arith.constant 0 : i32
    %dma_wait3A_204 = tpu.memref_slice %arg9[%dma_wait3A_202, %dma_wait3A_203] : memref<32x512xf32, #tpu.memory_space<vmem>> -> memref<1x512xf32, #tpu.memory_space<vmem>>
    %dma_wait3A_205 = tpu.memref_squeeze %dma_wait3A_204 : memref<1x512xf32, #tpu.memory_space<vmem>> -> memref<512xf32, #tpu.memory_space<vmem>>
    %dma_wait3A_206 = arith.constant 0 : i32
    %dma_wait3A_207 = tpu.memref_slice %arg4[%dma_wait3A_201, %dma_wait3A_206] : memref<32x1000000xf32, #tpu.memory_space<hbm>> -> memref<1x1000000xf32, #tpu.memory_space<hbm>>
    %dma_wait3A_208 = tpu.memref_squeeze %dma_wait3A_207 : memref<1x1000000xf32, #tpu.memory_space<hbm>> -> memref<1000000xf32, #tpu.memory_space<hbm>>
    %dma_wait3A_209 = arith.constant 0 : i32
    %dma_wait3A_210 = tpu.memref_slice %dma_wait3A_208[%dma_wait3A_209] : memref<1000000xf32, #tpu.memory_space<hbm>> -> memref<1000000xf32, #tpu.memory_space<hbm>>
    tpu.wait_indirect_dma semaphore(%arg12 : memref<!tpu.dma_semaphore, #tpu.memory_space<semaphore_mem>>) src(%dma_wait3A_210 : memref<1000000xf32, #tpu.memory_space<hbm>>) dst(%dma_wait3A_205 : memref<512xf32, #tpu.memory_space<vmem>>)
    %dma_wait3A_211 = arith.constant 2 : i32
    %dma_wait3A_212 = arith.constant 2 : i32
    %dma_wait3A_213 = arith.constant 0 : i32
    %dma_wait3A_214 = tpu.memref_slice %arg10[%dma_wait3A_212, %dma_wait3A_213] : memref<32x512xf32, #tpu.memory_space<vmem>> -> memref<1x512xf32, #tpu.memory_space<vmem>>
    %dma_wait3A_215 = tpu.memref_squeeze %dma_wait3A_214 : memref<1x512xf32, #tpu.memory_space<vmem>> -> memref<512xf32, #tpu.memory_space<vmem>>
    %dma_wait3A_216 = arith.constant 0 : i32
    %dma_wait3A_217 = tpu.memref_slice %arg5[%dma_wait3A_211, %dma_wait3A_216] : memref<32x1000000xf32, #tpu.memory_space<hbm>> -> memref<1x1000000xf32, #tpu.memory_space<hbm>>
    %dma_wait3A_218 = tpu.memref_squeeze %dma_wait3A_217 : memref<1x1000000xf32, #tpu.memory_space<hbm>> -> memref<1000000xf32, #tpu.memory_space<hbm>>
    %dma_wait3A_219 = arith.constant 0 : i32
    %dma_wait3A_220 = tpu.memref_slice %dma_wait3A_218[%dma_wait3A_219] : memref<1000000xf32, #tpu.memory_space<hbm>> -> memref<1000000xf32, #tpu.memory_space<hbm>>
    tpu.wait_indirect_dma semaphore(%arg12 : memref<!tpu.dma_semaphore, #tpu.memory_space<semaphore_mem>>) src(%dma_wait3A_220 : memref<1000000xf32, #tpu.memory_space<hbm>>) dst(%dma_wait3A_215 : memref<512xf32, #tpu.memory_space<vmem>>)
    %dma_wait3A_221 = arith.constant 3 : i32
    %dma_wait3A_222 = arith.constant 3 : i32
    %dma_wait3A_223 = arith.constant 0 : i32
    %dma_wait3A_224 = tpu.memref_slice %arg9[%dma_wait3A_222, %dma_wait3A_223] : memref<32x512xf32, #tpu.memory_space<vmem>> -> memref<1x512xf32, #tpu.memory_space<vmem>>
    %dma_wait3A_225 = tpu.memref_squeeze %dma_wait3A_224 : memref<1x512xf32, #tpu.memory_space<vmem>> -> memref<512xf32, #tpu.memory_space<vmem>>
    %dma_wait3A_226 = arith.constant 0 : i32
    %dma_wait3A_227 = tpu.memref_slice %arg4[%dma_wait3A_221, %dma_wait3A_226] : memref<32x1000000xf32, #tpu.memory_space<hbm>> -> memref<1x1000000xf32, #tpu.memory_space<hbm>>
    %dma_wait3A_228 = tpu.memref_squeeze %dma_wait3A_227 : memref<1x1000000xf32, #tpu.memory_space<hbm>> -> memref<1000000xf32, #tpu.memory_space<hbm>>
    %dma_wait3A_229 = arith.constant 0 : i32
    %dma_wait3A_230 = tpu.memref_slice %dma_wait3A_228[%dma_wait3A_229] : memref<1000000xf32, #tpu.memory_space<hbm>> -> memref<1000000xf32, #tpu.memory_space<hbm>>
    tpu.wait_indirect_dma semaphore(%arg12 : memref<!tpu.dma_semaphore, #tpu.memory_space<semaphore_mem>>) src(%dma_wait3A_230 : memref<1000000xf32, #tpu.memory_space<hbm>>) dst(%dma_wait3A_225 : memref<512xf32, #tpu.memory_space<vmem>>)
    %dma_wait3A_231 = arith.constant 3 : i32
    %dma_wait3A_232 = arith.constant 3 : i32
    %dma_wait3A_233 = arith.constant 0 : i32
    %dma_wait3A_234 = tpu.memref_slice %arg10[%dma_wait3A_232, %dma_wait3A_233] : memref<32x512xf32, #tpu.memory_space<vmem>> -> memref<1x512xf32, #tpu.memory_space<vmem>>
    %dma_wait3A_235 = tpu.memref_squeeze %dma_wait3A_234 : memref<1x512xf32, #tpu.memory_space<vmem>> -> memref<512xf32, #tpu.memory_space<vmem>>
    %dma_wait3A_236 = arith.constant 0 : i32
    %dma_wait3A_237 = tpu.memref_slice %arg5[%dma_wait3A_231, %dma_wait3A_236] : memref<32x1000000xf32, #tpu.memory_space<hbm>> -> memref<1x1000000xf32, #tpu.memory_space<hbm>>
    %dma_wait3A_238 = tpu.memref_squeeze %dma_wait3A_237 : memref<1x1000000xf32, #tpu.memory_space<hbm>> -> memref<1000000xf32, #tpu.memory_space<hbm>>
    %dma_wait3A_239 = arith.constant 0 : i32
    %dma_wait3A_240 = tpu.memref_slice %dma_wait3A_238[%dma_wait3A_239] : memref<1000000xf32, #tpu.memory_space<hbm>> -> memref<1000000xf32, #tpu.memory_space<hbm>>
    tpu.wait_indirect_dma semaphore(%arg12 : memref<!tpu.dma_semaphore, #tpu.memory_space<semaphore_mem>>) src(%dma_wait3A_240 : memref<1000000xf32, #tpu.memory_space<hbm>>) dst(%dma_wait3A_235 : memref<512xf32, #tpu.memory_space<vmem>>)
    %dma_wait3A_241 = arith.constant 4 : i32
    %dma_wait3A_242 = arith.constant 4 : i32
    %dma_wait3A_243 = arith.constant 0 : i32
    %dma_wait3A_244 = tpu.memref_slice %arg9[%dma_wait3A_242, %dma_wait3A_243] : memref<32x512xf32, #tpu.memory_space<vmem>> -> memref<1x512xf32, #tpu.memory_space<vmem>>
    %dma_wait3A_245 = tpu.memref_squeeze %dma_wait3A_244 : memref<1x512xf32, #tpu.memory_space<vmem>> -> memref<512xf32, #tpu.memory_space<vmem>>
    %dma_wait3A_246 = arith.constant 0 : i32
    %dma_wait3A_247 = tpu.memref_slice %arg4[%dma_wait3A_241, %dma_wait3A_246] : memref<32x1000000xf32, #tpu.memory_space<hbm>> -> memref<1x1000000xf32, #tpu.memory_space<hbm>>
    %dma_wait3A_248 = tpu.memref_squeeze %dma_wait3A_247 : memref<1x1000000xf32, #tpu.memory_space<hbm>> -> memref<1000000xf32, #tpu.memory_space<hbm>>
    %dma_wait3A_249 = arith.constant 0 : i32
    %dma_wait3A_250 = tpu.memref_slice %dma_wait3A_248[%dma_wait3A_249] : memref<1000000xf32, #tpu.memory_space<hbm>> -> memref<1000000xf32, #tpu.memory_space<hbm>>
    tpu.wait_indirect_dma semaphore(%arg12 : memref<!tpu.dma_semaphore, #tpu.memory_space<semaphore_mem>>) src(%dma_wait3A_250 : memref<1000000xf32, #tpu.memory_space<hbm>>) dst(%dma_wait3A_245 : memref<512xf32, #tpu.memory_space<vmem>>)
    %dma_wait3A_251 = arith.constant 4 : i32
    %dma_wait3A_252 = arith.constant 4 : i32
    %dma_wait3A_253 = arith.constant 0 : i32
    %dma_wait3A_254 = tpu.memref_slice %arg10[%dma_wait3A_252, %dma_wait3A_253] : memref<32x512xf32, #tpu.memory_space<vmem>> -> memref<1x512xf32, #tpu.memory_space<vmem>>
    %dma_wait3A_255 = tpu.memref_squeeze %dma_wait3A_254 : memref<1x512xf32, #tpu.memory_space<vmem>> -> memref<512xf32, #tpu.memory_space<vmem>>
    %dma_wait3A_256 = arith.constant 0 : i32
    %dma_wait3A_257 = tpu.memref_slice %arg5[%dma_wait3A_251, %dma_wait3A_256] : memref<32x1000000xf32, #tpu.memory_space<hbm>> -> memref<1x1000000xf32, #tpu.memory_space<hbm>>
    %dma_wait3A_258 = tpu.memref_squeeze %dma_wait3A_257 : memref<1x1000000xf32, #tpu.memory_space<hbm>> -> memref<1000000xf32, #tpu.memory_space<hbm>>
    %dma_wait3A_259 = arith.constant 0 : i32
    %dma_wait3A_260 = tpu.memref_slice %dma_wait3A_258[%dma_wait3A_259] : memref<1000000xf32, #tpu.memory_space<hbm>> -> memref<1000000xf32, #tpu.memory_space<hbm>>
    tpu.wait_indirect_dma semaphore(%arg12 : memref<!tpu.dma_semaphore, #tpu.memory_space<semaphore_mem>>) src(%dma_wait3A_260 : memref<1000000xf32, #tpu.memory_space<hbm>>) dst(%dma_wait3A_255 : memref<512xf32, #tpu.memory_space<vmem>>)
    %dma_wait3A_261 = arith.constant 5 : i32
    %dma_wait3A_262 = arith.constant 5 : i32
    %dma_wait3A_263 = arith.constant 0 : i32
    %dma_wait3A_264 = tpu.memref_slice %arg9[%dma_wait3A_262, %dma_wait3A_263] : memref<32x512xf32, #tpu.memory_space<vmem>> -> memref<1x512xf32, #tpu.memory_space<vmem>>
    %dma_wait3A_265 = tpu.memref_squeeze %dma_wait3A_264 : memref<1x512xf32, #tpu.memory_space<vmem>> -> memref<512xf32, #tpu.memory_space<vmem>>
    %dma_wait3A_266 = arith.constant 0 : i32
    %dma_wait3A_267 = tpu.memref_slice %arg4[%dma_wait3A_261, %dma_wait3A_266] : memref<32x1000000xf32, #tpu.memory_space<hbm>> -> memref<1x1000000xf32, #tpu.memory_space<hbm>>
    %dma_wait3A_268 = tpu.memref_squeeze %dma_wait3A_267 : memref<1x1000000xf32, #tpu.memory_space<hbm>> -> memref<1000000xf32, #tpu.memory_space<hbm>>
    %dma_wait3A_269 = arith.constant 0 : i32
    %dma_wait3A_270 = tpu.memref_slice %dma_wait3A_268[%dma_wait3A_269] : memref<1000000xf32, #tpu.memory_space<hbm>> -> memref<1000000xf32, #tpu.memory_space<hbm>>
    tpu.wait_indirect_dma semaphore(%arg12 : memref<!tpu.dma_semaphore, #tpu.memory_space<semaphore_mem>>) src(%dma_wait3A_270 : memref<1000000xf32, #tpu.memory_space<hbm>>) dst(%dma_wait3A_265 : memref<512xf32, #tpu.memory_space<vmem>>)
    %dma_wait3A_271 = arith.constant 5 : i32
    %dma_wait3A_272 = arith.constant 5 : i32
    %dma_wait3A_273 = arith.constant 0 : i32
    %dma_wait3A_274 = tpu.memref_slice %arg10[%dma_wait3A_272, %dma_wait3A_273] : memref<32x512xf32, #tpu.memory_space<vmem>> -> memref<1x512xf32, #tpu.memory_space<vmem>>
    %dma_wait3A_275 = tpu.memref_squeeze %dma_wait3A_274 : memref<1x512xf32, #tpu.memory_space<vmem>> -> memref<512xf32, #tpu.memory_space<vmem>>
    %dma_wait3A_276 = arith.constant 0 : i32
    %dma_wait3A_277 = tpu.memref_slice %arg5[%dma_wait3A_271, %dma_wait3A_276] : memref<32x1000000xf32, #tpu.memory_space<hbm>> -> memref<1x1000000xf32, #tpu.memory_space<hbm>>
    %dma_wait3A_278 = tpu.memref_squeeze %dma_wait3A_277 : memref<1x1000000xf32, #tpu.memory_space<hbm>> -> memref<1000000xf32, #tpu.memory_space<hbm>>
    %dma_wait3A_279 = arith.constant 0 : i32
    %dma_wait3A_280 = tpu.memref_slice %dma_wait3A_278[%dma_wait3A_279] : memref<1000000xf32, #tpu.memory_space<hbm>> -> memref<1000000xf32, #tpu.memory_space<hbm>>
    tpu.wait_indirect_dma semaphore(%arg12 : memref<!tpu.dma_semaphore, #tpu.memory_space<semaphore_mem>>) src(%dma_wait3A_280 : memref<1000000xf32, #tpu.memory_space<hbm>>) dst(%dma_wait3A_275 : memref<512xf32, #tpu.memory_space<vmem>>)
    %dma_wait3A_281 = arith.constant 6 : i32
    %dma_wait3A_282 = arith.constant 6 : i32
    %dma_wait3A_283 = arith.constant 0 : i32
    %dma_wait3A_284 = tpu.memref_slice %arg9[%dma_wait3A_282, %dma_wait3A_283] : memref<32x512xf32, #tpu.memory_space<vmem>> -> memref<1x512xf32, #tpu.memory_space<vmem>>
    %dma_wait3A_285 = tpu.memref_squeeze %dma_wait3A_284 : memref<1x512xf32, #tpu.memory_space<vmem>> -> memref<512xf32, #tpu.memory_space<vmem>>
    %dma_wait3A_286 = arith.constant 0 : i32
    %dma_wait3A_287 = tpu.memref_slice %arg4[%dma_wait3A_281, %dma_wait3A_286] : memref<32x1000000xf32, #tpu.memory_space<hbm>> -> memref<1x1000000xf32, #tpu.memory_space<hbm>>
    %dma_wait3A_288 = tpu.memref_squeeze %dma_wait3A_287 : memref<1x1000000xf32, #tpu.memory_space<hbm>> -> memref<1000000xf32, #tpu.memory_space<hbm>>
    %dma_wait3A_289 = arith.constant 0 : i32
    %dma_wait3A_290 = tpu.memref_slice %dma_wait3A_288[%dma_wait3A_289] : memref<1000000xf32, #tpu.memory_space<hbm>> -> memref<1000000xf32, #tpu.memory_space<hbm>>
    tpu.wait_indirect_dma semaphore(%arg12 : memref<!tpu.dma_semaphore, #tpu.memory_space<semaphore_mem>>) src(%dma_wait3A_290 : memref<1000000xf32, #tpu.memory_space<hbm>>) dst(%dma_wait3A_285 : memref<512xf32, #tpu.memory_space<vmem>>)
    %dma_wait3A_291 = arith.constant 6 : i32
    %dma_wait3A_292 = arith.constant 6 : i32
    %dma_wait3A_293 = arith.constant 0 : i32
    %dma_wait3A_294 = tpu.memref_slice %arg10[%dma_wait3A_292, %dma_wait3A_293] : memref<32x512xf32, #tpu.memory_space<vmem>> -> memref<1x512xf32, #tpu.memory_space<vmem>>
    %dma_wait3A_295 = tpu.memref_squeeze %dma_wait3A_294 : memref<1x512xf32, #tpu.memory_space<vmem>> -> memref<512xf32, #tpu.memory_space<vmem>>
    %dma_wait3A_296 = arith.constant 0 : i32
    %dma_wait3A_297 = tpu.memref_slice %arg5[%dma_wait3A_291, %dma_wait3A_296] : memref<32x1000000xf32, #tpu.memory_space<hbm>> -> memref<1x1000000xf32, #tpu.memory_space<hbm>>
    %dma_wait3A_298 = tpu.memref_squeeze %dma_wait3A_297 : memref<1x1000000xf32, #tpu.memory_space<hbm>> -> memref<1000000xf32, #tpu.memory_space<hbm>>
    %dma_wait3A_299 = arith.constant 0 : i32
    %dma_wait3A_300 = tpu.memref_slice %dma_wait3A_298[%dma_wait3A_299] : memref<1000000xf32, #tpu.memory_space<hbm>> -> memref<1000000xf32, #tpu.memory_space<hbm>>
    tpu.wait_indirect_dma semaphore(%arg12 : memref<!tpu.dma_semaphore, #tpu.memory_space<semaphore_mem>>) src(%dma_wait3A_300 : memref<1000000xf32, #tpu.memory_space<hbm>>) dst(%dma_wait3A_295 : memref<512xf32, #tpu.memory_space<vmem>>)
    %dma_wait3A_301 = arith.constant 7 : i32
    %dma_wait3A_302 = arith.constant 7 : i32
    %dma_wait3A_303 = arith.constant 0 : i32
    %dma_wait3A_304 = tpu.memref_slice %arg9[%dma_wait3A_302, %dma_wait3A_303] : memref<32x512xf32, #tpu.memory_space<vmem>> -> memref<1x512xf32, #tpu.memory_space<vmem>>
    %dma_wait3A_305 = tpu.memref_squeeze %dma_wait3A_304 : memref<1x512xf32, #tpu.memory_space<vmem>> -> memref<512xf32, #tpu.memory_space<vmem>>
    %dma_wait3A_306 = arith.constant 0 : i32
    %dma_wait3A_307 = tpu.memref_slice %arg4[%dma_wait3A_301, %dma_wait3A_306] : memref<32x1000000xf32, #tpu.memory_space<hbm>> -> memref<1x1000000xf32, #tpu.memory_space<hbm>>
    %dma_wait3A_308 = tpu.memref_squeeze %dma_wait3A_307 : memref<1x1000000xf32, #tpu.memory_space<hbm>> -> memref<1000000xf32, #tpu.memory_space<hbm>>
    %dma_wait3A_309 = arith.constant 0 : i32
    %dma_wait3A_310 = tpu.memref_slice %dma_wait3A_308[%dma_wait3A_309] : memref<1000000xf32, #tpu.memory_space<hbm>> -> memref<1000000xf32, #tpu.memory_space<hbm>>
    tpu.wait_indirect_dma semaphore(%arg12 : memref<!tpu.dma_semaphore, #tpu.memory_space<semaphore_mem>>) src(%dma_wait3A_310 : memref<1000000xf32, #tpu.memory_space<hbm>>) dst(%dma_wait3A_305 : memref<512xf32, #tpu.memory_space<vmem>>)
    %dma_wait3A_311 = arith.constant 7 : i32
    %dma_wait3A_312 = arith.constant 7 : i32
    %dma_wait3A_313 = arith.constant 0 : i32
    %dma_wait3A_314 = tpu.memref_slice %arg10[%dma_wait3A_312, %dma_wait3A_313] : memref<32x512xf32, #tpu.memory_space<vmem>> -> memref<1x512xf32, #tpu.memory_space<vmem>>
    %dma_wait3A_315 = tpu.memref_squeeze %dma_wait3A_314 : memref<1x512xf32, #tpu.memory_space<vmem>> -> memref<512xf32, #tpu.memory_space<vmem>>
    %dma_wait3A_316 = arith.constant 0 : i32
    %dma_wait3A_317 = tpu.memref_slice %arg5[%dma_wait3A_311, %dma_wait3A_316] : memref<32x1000000xf32, #tpu.memory_space<hbm>> -> memref<1x1000000xf32, #tpu.memory_space<hbm>>
    %dma_wait3A_318 = tpu.memref_squeeze %dma_wait3A_317 : memref<1x1000000xf32, #tpu.memory_space<hbm>> -> memref<1000000xf32, #tpu.memory_space<hbm>>
    %dma_wait3A_319 = arith.constant 0 : i32
    %dma_wait3A_320 = tpu.memref_slice %dma_wait3A_318[%dma_wait3A_319] : memref<1000000xf32, #tpu.memory_space<hbm>> -> memref<1000000xf32, #tpu.memory_space<hbm>>
    tpu.wait_indirect_dma semaphore(%arg12 : memref<!tpu.dma_semaphore, #tpu.memory_space<semaphore_mem>>) src(%dma_wait3A_320 : memref<1000000xf32, #tpu.memory_space<hbm>>) dst(%dma_wait3A_315 : memref<512xf32, #tpu.memory_space<vmem>>)
    %dma_start3A_321 = arith.constant 8 : i32
    %dma_start3A_322 = arith.constant 8 : i32
    %dma_start3A_323 = arith.constant 0 : i32
    %dma_start3A_324 = tpu.memref_slice %arg9[%dma_start3A_322, %dma_start3A_323] : memref<32x512xf32, #tpu.memory_space<vmem>> -> memref<1x512xf32, #tpu.memory_space<vmem>>
    %dma_start3A_325 = tpu.memref_squeeze %dma_start3A_324 : memref<1x512xf32, #tpu.memory_space<vmem>> -> memref<512xf32, #tpu.memory_space<vmem>>
    %dma_start3A_326 = arith.constant 0 : i32
    %dma_start3A_327 = tpu.memref_slice %arg4[%dma_start3A_321, %dma_start3A_326] : memref<32x1000000xf32, #tpu.memory_space<hbm>> -> memref<1x1000000xf32, #tpu.memory_space<hbm>>
    %dma_start3A_328 = tpu.memref_squeeze %dma_start3A_327 : memref<1x1000000xf32, #tpu.memory_space<hbm>> -> memref<1000000xf32, #tpu.memory_space<hbm>>
    %dma_start3A_329 = arith.constant 0 : i32
    %dma_start3A_330 = tpu.memref_slice %dma_start3A_328[%dma_start3A_329] : memref<1000000xf32, #tpu.memory_space<hbm>> -> memref<1000000xf32, #tpu.memory_space<hbm>>
    tpu.enqueue_indirect_dma source(%dma_start3A_330 : memref<1000000xf32, #tpu.memory_space<hbm>>) target(%dma_start3A_325 : memref<512xf32, #tpu.memory_space<vmem>>) offsets(%arg7 : memref<512xi32, #tpu.memory_space<vmem>>) semaphore(%arg12 : memref<!tpu.dma_semaphore, #tpu.memory_space<semaphore_mem>>)
    %dma_start3A_331 = arith.constant 8 : i32
    %dma_start3A_332 = arith.constant 8 : i32
    %dma_start3A_333 = arith.constant 0 : i32
    %dma_start3A_334 = tpu.memref_slice %arg10[%dma_start3A_332, %dma_start3A_333] : memref<32x512xf32, #tpu.memory_space<vmem>> -> memref<1x512xf32, #tpu.memory_space<vmem>>
    %dma_start3A_335 = tpu.memref_squeeze %dma_start3A_334 : memref<1x512xf32, #tpu.memory_space<vmem>> -> memref<512xf32, #tpu.memory_space<vmem>>
    %dma_start3A_336 = arith.constant 0 : i32
    %dma_start3A_337 = tpu.memref_slice %arg5[%dma_start3A_331, %dma_start3A_336] : memref<32x1000000xf32, #tpu.memory_space<hbm>> -> memref<1x1000000xf32, #tpu.memory_space<hbm>>
    %dma_start3A_338 = tpu.memref_squeeze %dma_start3A_337 : memref<1x1000000xf32, #tpu.memory_space<hbm>> -> memref<1000000xf32, #tpu.memory_space<hbm>>
    %dma_start3A_339 = arith.constant 0 : i32
    %dma_start3A_340 = tpu.memref_slice %dma_start3A_338[%dma_start3A_339] : memref<1000000xf32, #tpu.memory_space<hbm>> -> memref<1000000xf32, #tpu.memory_space<hbm>>
    tpu.enqueue_indirect_dma source(%dma_start3A_340 : memref<1000000xf32, #tpu.memory_space<hbm>>) target(%dma_start3A_335 : memref<512xf32, #tpu.memory_space<vmem>>) offsets(%arg8 : memref<512xi32, #tpu.memory_space<vmem>>) semaphore(%arg12 : memref<!tpu.dma_semaphore, #tpu.memory_space<semaphore_mem>>)
    %dma_start3A_341 = arith.constant 9 : i32
    %dma_start3A_342 = arith.constant 9 : i32
    %dma_start3A_343 = arith.constant 0 : i32
    %dma_start3A_344 = tpu.memref_slice %arg9[%dma_start3A_342, %dma_start3A_343] : memref<32x512xf32, #tpu.memory_space<vmem>> -> memref<1x512xf32, #tpu.memory_space<vmem>>
    %dma_start3A_345 = tpu.memref_squeeze %dma_start3A_344 : memref<1x512xf32, #tpu.memory_space<vmem>> -> memref<512xf32, #tpu.memory_space<vmem>>
    %dma_start3A_346 = arith.constant 0 : i32
    %dma_start3A_347 = tpu.memref_slice %arg4[%dma_start3A_341, %dma_start3A_346] : memref<32x1000000xf32, #tpu.memory_space<hbm>> -> memref<1x1000000xf32, #tpu.memory_space<hbm>>
    %dma_start3A_348 = tpu.memref_squeeze %dma_start3A_347 : memref<1x1000000xf32, #tpu.memory_space<hbm>> -> memref<1000000xf32, #tpu.memory_space<hbm>>
    %dma_start3A_349 = arith.constant 0 : i32
    %dma_start3A_350 = tpu.memref_slice %dma_start3A_348[%dma_start3A_349] : memref<1000000xf32, #tpu.memory_space<hbm>> -> memref<1000000xf32, #tpu.memory_space<hbm>>
    tpu.enqueue_indirect_dma source(%dma_start3A_350 : memref<1000000xf32, #tpu.memory_space<hbm>>) target(%dma_start3A_345 : memref<512xf32, #tpu.memory_space<vmem>>) offsets(%arg7 : memref<512xi32, #tpu.memory_space<vmem>>) semaphore(%arg12 : memref<!tpu.dma_semaphore, #tpu.memory_space<semaphore_mem>>)
    %dma_start3A_351 = arith.constant 9 : i32
    %dma_start3A_352 = arith.constant 9 : i32
    %dma_start3A_353 = arith.constant 0 : i32
    %dma_start3A_354 = tpu.memref_slice %arg10[%dma_start3A_352, %dma_start3A_353] : memref<32x512xf32, #tpu.memory_space<vmem>> -> memref<1x512xf32, #tpu.memory_space<vmem>>
    %dma_start3A_355 = tpu.memref_squeeze %dma_start3A_354 : memref<1x512xf32, #tpu.memory_space<vmem>> -> memref<512xf32, #tpu.memory_space<vmem>>
    %dma_start3A_356 = arith.constant 0 : i32
    %dma_start3A_357 = tpu.memref_slice %arg5[%dma_start3A_351, %dma_start3A_356] : memref<32x1000000xf32, #tpu.memory_space<hbm>> -> memref<1x1000000xf32, #tpu.memory_space<hbm>>
    %dma_start3A_358 = tpu.memref_squeeze %dma_start3A_357 : memref<1x1000000xf32, #tpu.memory_space<hbm>> -> memref<1000000xf32, #tpu.memory_space<hbm>>
    %dma_start3A_359 = arith.constant 0 : i32
    %dma_start3A_360 = tpu.memref_slice %dma_start3A_358[%dma_start3A_359] : memref<1000000xf32, #tpu.memory_space<hbm>> -> memref<1000000xf32, #tpu.memory_space<hbm>>
    tpu.enqueue_indirect_dma source(%dma_start3A_360 : memref<1000000xf32, #tpu.memory_space<hbm>>) target(%dma_start3A_355 : memref<512xf32, #tpu.memory_space<vmem>>) offsets(%arg8 : memref<512xi32, #tpu.memory_space<vmem>>) semaphore(%arg12 : memref<!tpu.dma_semaphore, #tpu.memory_space<semaphore_mem>>)
    %dma_start3A_361 = arith.constant 10 : i32
    %dma_start3A_362 = arith.constant 10 : i32
    %dma_start3A_363 = arith.constant 0 : i32
    %dma_start3A_364 = tpu.memref_slice %arg9[%dma_start3A_362, %dma_start3A_363] : memref<32x512xf32, #tpu.memory_space<vmem>> -> memref<1x512xf32, #tpu.memory_space<vmem>>
    %dma_start3A_365 = tpu.memref_squeeze %dma_start3A_364 : memref<1x512xf32, #tpu.memory_space<vmem>> -> memref<512xf32, #tpu.memory_space<vmem>>
    %dma_start3A_366 = arith.constant 0 : i32
    %dma_start3A_367 = tpu.memref_slice %arg4[%dma_start3A_361, %dma_start3A_366] : memref<32x1000000xf32, #tpu.memory_space<hbm>> -> memref<1x1000000xf32, #tpu.memory_space<hbm>>
    %dma_start3A_368 = tpu.memref_squeeze %dma_start3A_367 : memref<1x1000000xf32, #tpu.memory_space<hbm>> -> memref<1000000xf32, #tpu.memory_space<hbm>>
    %dma_start3A_369 = arith.constant 0 : i32
    %dma_start3A_370 = tpu.memref_slice %dma_start3A_368[%dma_start3A_369] : memref<1000000xf32, #tpu.memory_space<hbm>> -> memref<1000000xf32, #tpu.memory_space<hbm>>
    tpu.enqueue_indirect_dma source(%dma_start3A_370 : memref<1000000xf32, #tpu.memory_space<hbm>>) target(%dma_start3A_365 : memref<512xf32, #tpu.memory_space<vmem>>) offsets(%arg7 : memref<512xi32, #tpu.memory_space<vmem>>) semaphore(%arg12 : memref<!tpu.dma_semaphore, #tpu.memory_space<semaphore_mem>>)
    %dma_start3A_371 = arith.constant 10 : i32
    %dma_start3A_372 = arith.constant 10 : i32
    %dma_start3A_373 = arith.constant 0 : i32
    %dma_start3A_374 = tpu.memref_slice %arg10[%dma_start3A_372, %dma_start3A_373] : memref<32x512xf32, #tpu.memory_space<vmem>> -> memref<1x512xf32, #tpu.memory_space<vmem>>
    %dma_start3A_375 = tpu.memref_squeeze %dma_start3A_374 : memref<1x512xf32, #tpu.memory_space<vmem>> -> memref<512xf32, #tpu.memory_space<vmem>>
    %dma_start3A_376 = arith.constant 0 : i32
    %dma_start3A_377 = tpu.memref_slice %arg5[%dma_start3A_371, %dma_start3A_376] : memref<32x1000000xf32, #tpu.memory_space<hbm>> -> memref<1x1000000xf32, #tpu.memory_space<hbm>>
    %dma_start3A_378 = tpu.memref_squeeze %dma_start3A_377 : memref<1x1000000xf32, #tpu.memory_space<hbm>> -> memref<1000000xf32, #tpu.memory_space<hbm>>
    %dma_start3A_379 = arith.constant 0 : i32
    %dma_start3A_380 = tpu.memref_slice %dma_start3A_378[%dma_start3A_379] : memref<1000000xf32, #tpu.memory_space<hbm>> -> memref<1000000xf32, #tpu.memory_space<hbm>>
    tpu.enqueue_indirect_dma source(%dma_start3A_380 : memref<1000000xf32, #tpu.memory_space<hbm>>) target(%dma_start3A_375 : memref<512xf32, #tpu.memory_space<vmem>>) offsets(%arg8 : memref<512xi32, #tpu.memory_space<vmem>>) semaphore(%arg12 : memref<!tpu.dma_semaphore, #tpu.memory_space<semaphore_mem>>)
    %dma_start3A_381 = arith.constant 11 : i32
    %dma_start3A_382 = arith.constant 11 : i32
    %dma_start3A_383 = arith.constant 0 : i32
    %dma_start3A_384 = tpu.memref_slice %arg9[%dma_start3A_382, %dma_start3A_383] : memref<32x512xf32, #tpu.memory_space<vmem>> -> memref<1x512xf32, #tpu.memory_space<vmem>>
    %dma_start3A_385 = tpu.memref_squeeze %dma_start3A_384 : memref<1x512xf32, #tpu.memory_space<vmem>> -> memref<512xf32, #tpu.memory_space<vmem>>
    %dma_start3A_386 = arith.constant 0 : i32
    %dma_start3A_387 = tpu.memref_slice %arg4[%dma_start3A_381, %dma_start3A_386] : memref<32x1000000xf32, #tpu.memory_space<hbm>> -> memref<1x1000000xf32, #tpu.memory_space<hbm>>
    %dma_start3A_388 = tpu.memref_squeeze %dma_start3A_387 : memref<1x1000000xf32, #tpu.memory_space<hbm>> -> memref<1000000xf32, #tpu.memory_space<hbm>>
    %dma_start3A_389 = arith.constant 0 : i32
    %dma_start3A_390 = tpu.memref_slice %dma_start3A_388[%dma_start3A_389] : memref<1000000xf32, #tpu.memory_space<hbm>> -> memref<1000000xf32, #tpu.memory_space<hbm>>
    tpu.enqueue_indirect_dma source(%dma_start3A_390 : memref<1000000xf32, #tpu.memory_space<hbm>>) target(%dma_start3A_385 : memref<512xf32, #tpu.memory_space<vmem>>) offsets(%arg7 : memref<512xi32, #tpu.memory_space<vmem>>) semaphore(%arg12 : memref<!tpu.dma_semaphore, #tpu.memory_space<semaphore_mem>>)
    %dma_start3A_391 = arith.constant 11 : i32
    %dma_start3A_392 = arith.constant 11 : i32
    %dma_start3A_393 = arith.constant 0 : i32
    %dma_start3A_394 = tpu.memref_slice %arg10[%dma_start3A_392, %dma_start3A_393] : memref<32x512xf32, #tpu.memory_space<vmem>> -> memref<1x512xf32, #tpu.memory_space<vmem>>
    %dma_start3A_395 = tpu.memref_squeeze %dma_start3A_394 : memref<1x512xf32, #tpu.memory_space<vmem>> -> memref<512xf32, #tpu.memory_space<vmem>>
    %dma_start3A_396 = arith.constant 0 : i32
    %dma_start3A_397 = tpu.memref_slice %arg5[%dma_start3A_391, %dma_start3A_396] : memref<32x1000000xf32, #tpu.memory_space<hbm>> -> memref<1x1000000xf32, #tpu.memory_space<hbm>>
    %dma_start3A_398 = tpu.memref_squeeze %dma_start3A_397 : memref<1x1000000xf32, #tpu.memory_space<hbm>> -> memref<1000000xf32, #tpu.memory_space<hbm>>
    %dma_start3A_399 = arith.constant 0 : i32
    %dma_start3A_400 = tpu.memref_slice %dma_start3A_398[%dma_start3A_399] : memref<1000000xf32, #tpu.memory_space<hbm>> -> memref<1000000xf32, #tpu.memory_space<hbm>>
    tpu.enqueue_indirect_dma source(%dma_start3A_400 : memref<1000000xf32, #tpu.memory_space<hbm>>) target(%dma_start3A_395 : memref<512xf32, #tpu.memory_space<vmem>>) offsets(%arg8 : memref<512xi32, #tpu.memory_space<vmem>>) semaphore(%arg12 : memref<!tpu.dma_semaphore, #tpu.memory_space<semaphore_mem>>)
    %dma_start3A_401 = arith.constant 12 : i32
    %dma_start3A_402 = arith.constant 12 : i32
    %dma_start3A_403 = arith.constant 0 : i32
    %dma_start3A_404 = tpu.memref_slice %arg9[%dma_start3A_402, %dma_start3A_403] : memref<32x512xf32, #tpu.memory_space<vmem>> -> memref<1x512xf32, #tpu.memory_space<vmem>>
    %dma_start3A_405 = tpu.memref_squeeze %dma_start3A_404 : memref<1x512xf32, #tpu.memory_space<vmem>> -> memref<512xf32, #tpu.memory_space<vmem>>
    %dma_start3A_406 = arith.constant 0 : i32
    %dma_start3A_407 = tpu.memref_slice %arg4[%dma_start3A_401, %dma_start3A_406] : memref<32x1000000xf32, #tpu.memory_space<hbm>> -> memref<1x1000000xf32, #tpu.memory_space<hbm>>
    %dma_start3A_408 = tpu.memref_squeeze %dma_start3A_407 : memref<1x1000000xf32, #tpu.memory_space<hbm>> -> memref<1000000xf32, #tpu.memory_space<hbm>>
    %dma_start3A_409 = arith.constant 0 : i32
    %dma_start3A_410 = tpu.memref_slice %dma_start3A_408[%dma_start3A_409] : memref<1000000xf32, #tpu.memory_space<hbm>> -> memref<1000000xf32, #tpu.memory_space<hbm>>
    tpu.enqueue_indirect_dma source(%dma_start3A_410 : memref<1000000xf32, #tpu.memory_space<hbm>>) target(%dma_start3A_405 : memref<512xf32, #tpu.memory_space<vmem>>) offsets(%arg7 : memref<512xi32, #tpu.memory_space<vmem>>) semaphore(%arg12 : memref<!tpu.dma_semaphore, #tpu.memory_space<semaphore_mem>>)
    %dma_start3A_411 = arith.constant 12 : i32
    %dma_start3A_412 = arith.constant 12 : i32
    %dma_start3A_413 = arith.constant 0 : i32
    %dma_start3A_414 = tpu.memref_slice %arg10[%dma_start3A_412, %dma_start3A_413] : memref<32x512xf32, #tpu.memory_space<vmem>> -> memref<1x512xf32, #tpu.memory_space<vmem>>
    %dma_start3A_415 = tpu.memref_squeeze %dma_start3A_414 : memref<1x512xf32, #tpu.memory_space<vmem>> -> memref<512xf32, #tpu.memory_space<vmem>>
    %dma_start3A_416 = arith.constant 0 : i32
    %dma_start3A_417 = tpu.memref_slice %arg5[%dma_start3A_411, %dma_start3A_416] : memref<32x1000000xf32, #tpu.memory_space<hbm>> -> memref<1x1000000xf32, #tpu.memory_space<hbm>>
    %dma_start3A_418 = tpu.memref_squeeze %dma_start3A_417 : memref<1x1000000xf32, #tpu.memory_space<hbm>> -> memref<1000000xf32, #tpu.memory_space<hbm>>
    %dma_start3A_419 = arith.constant 0 : i32
    %dma_start3A_420 = tpu.memref_slice %dma_start3A_418[%dma_start3A_419] : memref<1000000xf32, #tpu.memory_space<hbm>> -> memref<1000000xf32, #tpu.memory_space<hbm>>
    tpu.enqueue_indirect_dma source(%dma_start3A_420 : memref<1000000xf32, #tpu.memory_space<hbm>>) target(%dma_start3A_415 : memref<512xf32, #tpu.memory_space<vmem>>) offsets(%arg8 : memref<512xi32, #tpu.memory_space<vmem>>) semaphore(%arg12 : memref<!tpu.dma_semaphore, #tpu.memory_space<semaphore_mem>>)
    %dma_start3A_421 = arith.constant 13 : i32
    %dma_start3A_422 = arith.constant 13 : i32
    %dma_start3A_423 = arith.constant 0 : i32
    %dma_start3A_424 = tpu.memref_slice %arg9[%dma_start3A_422, %dma_start3A_423] : memref<32x512xf32, #tpu.memory_space<vmem>> -> memref<1x512xf32, #tpu.memory_space<vmem>>
    %dma_start3A_425 = tpu.memref_squeeze %dma_start3A_424 : memref<1x512xf32, #tpu.memory_space<vmem>> -> memref<512xf32, #tpu.memory_space<vmem>>
    %dma_start3A_426 = arith.constant 0 : i32
    %dma_start3A_427 = tpu.memref_slice %arg4[%dma_start3A_421, %dma_start3A_426] : memref<32x1000000xf32, #tpu.memory_space<hbm>> -> memref<1x1000000xf32, #tpu.memory_space<hbm>>
    %dma_start3A_428 = tpu.memref_squeeze %dma_start3A_427 : memref<1x1000000xf32, #tpu.memory_space<hbm>> -> memref<1000000xf32, #tpu.memory_space<hbm>>
    %dma_start3A_429 = arith.constant 0 : i32
    %dma_start3A_430 = tpu.memref_slice %dma_start3A_428[%dma_start3A_429] : memref<1000000xf32, #tpu.memory_space<hbm>> -> memref<1000000xf32, #tpu.memory_space<hbm>>
    tpu.enqueue_indirect_dma source(%dma_start3A_430 : memref<1000000xf32, #tpu.memory_space<hbm>>) target(%dma_start3A_425 : memref<512xf32, #tpu.memory_space<vmem>>) offsets(%arg7 : memref<512xi32, #tpu.memory_space<vmem>>) semaphore(%arg12 : memref<!tpu.dma_semaphore, #tpu.memory_space<semaphore_mem>>)
    %dma_start3A_431 = arith.constant 13 : i32
    %dma_start3A_432 = arith.constant 13 : i32
    %dma_start3A_433 = arith.constant 0 : i32
    %dma_start3A_434 = tpu.memref_slice %arg10[%dma_start3A_432, %dma_start3A_433] : memref<32x512xf32, #tpu.memory_space<vmem>> -> memref<1x512xf32, #tpu.memory_space<vmem>>
    %dma_start3A_435 = tpu.memref_squeeze %dma_start3A_434 : memref<1x512xf32, #tpu.memory_space<vmem>> -> memref<512xf32, #tpu.memory_space<vmem>>
    %dma_start3A_436 = arith.constant 0 : i32
    %dma_start3A_437 = tpu.memref_slice %arg5[%dma_start3A_431, %dma_start3A_436] : memref<32x1000000xf32, #tpu.memory_space<hbm>> -> memref<1x1000000xf32, #tpu.memory_space<hbm>>
    %dma_start3A_438 = tpu.memref_squeeze %dma_start3A_437 : memref<1x1000000xf32, #tpu.memory_space<hbm>> -> memref<1000000xf32, #tpu.memory_space<hbm>>
    %dma_start3A_439 = arith.constant 0 : i32
    %dma_start3A_440 = tpu.memref_slice %dma_start3A_438[%dma_start3A_439] : memref<1000000xf32, #tpu.memory_space<hbm>> -> memref<1000000xf32, #tpu.memory_space<hbm>>
    tpu.enqueue_indirect_dma source(%dma_start3A_440 : memref<1000000xf32, #tpu.memory_space<hbm>>) target(%dma_start3A_435 : memref<512xf32, #tpu.memory_space<vmem>>) offsets(%arg8 : memref<512xi32, #tpu.memory_space<vmem>>) semaphore(%arg12 : memref<!tpu.dma_semaphore, #tpu.memory_space<semaphore_mem>>)
    %dma_start3A_441 = arith.constant 14 : i32
    %dma_start3A_442 = arith.constant 14 : i32
    %dma_start3A_443 = arith.constant 0 : i32
    %dma_start3A_444 = tpu.memref_slice %arg9[%dma_start3A_442, %dma_start3A_443] : memref<32x512xf32, #tpu.memory_space<vmem>> -> memref<1x512xf32, #tpu.memory_space<vmem>>
    %dma_start3A_445 = tpu.memref_squeeze %dma_start3A_444 : memref<1x512xf32, #tpu.memory_space<vmem>> -> memref<512xf32, #tpu.memory_space<vmem>>
    %dma_start3A_446 = arith.constant 0 : i32
    %dma_start3A_447 = tpu.memref_slice %arg4[%dma_start3A_441, %dma_start3A_446] : memref<32x1000000xf32, #tpu.memory_space<hbm>> -> memref<1x1000000xf32, #tpu.memory_space<hbm>>
    %dma_start3A_448 = tpu.memref_squeeze %dma_start3A_447 : memref<1x1000000xf32, #tpu.memory_space<hbm>> -> memref<1000000xf32, #tpu.memory_space<hbm>>
    %dma_start3A_449 = arith.constant 0 : i32
    %dma_start3A_450 = tpu.memref_slice %dma_start3A_448[%dma_start3A_449] : memref<1000000xf32, #tpu.memory_space<hbm>> -> memref<1000000xf32, #tpu.memory_space<hbm>>
    tpu.enqueue_indirect_dma source(%dma_start3A_450 : memref<1000000xf32, #tpu.memory_space<hbm>>) target(%dma_start3A_445 : memref<512xf32, #tpu.memory_space<vmem>>) offsets(%arg7 : memref<512xi32, #tpu.memory_space<vmem>>) semaphore(%arg12 : memref<!tpu.dma_semaphore, #tpu.memory_space<semaphore_mem>>)
    %dma_start3A_451 = arith.constant 14 : i32
    %dma_start3A_452 = arith.constant 14 : i32
    %dma_start3A_453 = arith.constant 0 : i32
    %dma_start3A_454 = tpu.memref_slice %arg10[%dma_start3A_452, %dma_start3A_453] : memref<32x512xf32, #tpu.memory_space<vmem>> -> memref<1x512xf32, #tpu.memory_space<vmem>>
    %dma_start3A_455 = tpu.memref_squeeze %dma_start3A_454 : memref<1x512xf32, #tpu.memory_space<vmem>> -> memref<512xf32, #tpu.memory_space<vmem>>
    %dma_start3A_456 = arith.constant 0 : i32
    %dma_start3A_457 = tpu.memref_slice %arg5[%dma_start3A_451, %dma_start3A_456] : memref<32x1000000xf32, #tpu.memory_space<hbm>> -> memref<1x1000000xf32, #tpu.memory_space<hbm>>
    %dma_start3A_458 = tpu.memref_squeeze %dma_start3A_457 : memref<1x1000000xf32, #tpu.memory_space<hbm>> -> memref<1000000xf32, #tpu.memory_space<hbm>>
    %dma_start3A_459 = arith.constant 0 : i32
    %dma_start3A_460 = tpu.memref_slice %dma_start3A_458[%dma_start3A_459] : memref<1000000xf32, #tpu.memory_space<hbm>> -> memref<1000000xf32, #tpu.memory_space<hbm>>
    tpu.enqueue_indirect_dma source(%dma_start3A_460 : memref<1000000xf32, #tpu.memory_space<hbm>>) target(%dma_start3A_455 : memref<512xf32, #tpu.memory_space<vmem>>) offsets(%arg8 : memref<512xi32, #tpu.memory_space<vmem>>) semaphore(%arg12 : memref<!tpu.dma_semaphore, #tpu.memory_space<semaphore_mem>>)
    %dma_start3A_461 = arith.constant 15 : i32
    %dma_start3A_462 = arith.constant 15 : i32
    %dma_start3A_463 = arith.constant 0 : i32
    %dma_start3A_464 = tpu.memref_slice %arg9[%dma_start3A_462, %dma_start3A_463] : memref<32x512xf32, #tpu.memory_space<vmem>> -> memref<1x512xf32, #tpu.memory_space<vmem>>
    %dma_start3A_465 = tpu.memref_squeeze %dma_start3A_464 : memref<1x512xf32, #tpu.memory_space<vmem>> -> memref<512xf32, #tpu.memory_space<vmem>>
    %dma_start3A_466 = arith.constant 0 : i32
    %dma_start3A_467 = tpu.memref_slice %arg4[%dma_start3A_461, %dma_start3A_466] : memref<32x1000000xf32, #tpu.memory_space<hbm>> -> memref<1x1000000xf32, #tpu.memory_space<hbm>>
    %dma_start3A_468 = tpu.memref_squeeze %dma_start3A_467 : memref<1x1000000xf32, #tpu.memory_space<hbm>> -> memref<1000000xf32, #tpu.memory_space<hbm>>
    %dma_start3A_469 = arith.constant 0 : i32
    %dma_start3A_470 = tpu.memref_slice %dma_start3A_468[%dma_start3A_469] : memref<1000000xf32, #tpu.memory_space<hbm>> -> memref<1000000xf32, #tpu.memory_space<hbm>>
    tpu.enqueue_indirect_dma source(%dma_start3A_470 : memref<1000000xf32, #tpu.memory_space<hbm>>) target(%dma_start3A_465 : memref<512xf32, #tpu.memory_space<vmem>>) offsets(%arg7 : memref<512xi32, #tpu.memory_space<vmem>>) semaphore(%arg12 : memref<!tpu.dma_semaphore, #tpu.memory_space<semaphore_mem>>)
    %dma_start3A_471 = arith.constant 15 : i32
    %dma_start3A_472 = arith.constant 15 : i32
    %dma_start3A_473 = arith.constant 0 : i32
    %dma_start3A_474 = tpu.memref_slice %arg10[%dma_start3A_472, %dma_start3A_473] : memref<32x512xf32, #tpu.memory_space<vmem>> -> memref<1x512xf32, #tpu.memory_space<vmem>>
    %dma_start3A_475 = tpu.memref_squeeze %dma_start3A_474 : memref<1x512xf32, #tpu.memory_space<vmem>> -> memref<512xf32, #tpu.memory_space<vmem>>
    %dma_start3A_476 = arith.constant 0 : i32
    %dma_start3A_477 = tpu.memref_slice %arg5[%dma_start3A_471, %dma_start3A_476] : memref<32x1000000xf32, #tpu.memory_space<hbm>> -> memref<1x1000000xf32, #tpu.memory_space<hbm>>
    %dma_start3A_478 = tpu.memref_squeeze %dma_start3A_477 : memref<1x1000000xf32, #tpu.memory_space<hbm>> -> memref<1000000xf32, #tpu.memory_space<hbm>>
    %dma_start3A_479 = arith.constant 0 : i32
    %dma_start3A_480 = tpu.memref_slice %dma_start3A_478[%dma_start3A_479] : memref<1000000xf32, #tpu.memory_space<hbm>> -> memref<1000000xf32, #tpu.memory_space<hbm>>
    tpu.enqueue_indirect_dma source(%dma_start3A_480 : memref<1000000xf32, #tpu.memory_space<hbm>>) target(%dma_start3A_475 : memref<512xf32, #tpu.memory_space<vmem>>) offsets(%arg8 : memref<512xi32, #tpu.memory_space<vmem>>) semaphore(%arg12 : memref<!tpu.dma_semaphore, #tpu.memory_space<semaphore_mem>>)
    %dma_wait3A_481 = arith.constant 8 : i32
    %dma_wait3A_482 = arith.constant 8 : i32
    %dma_wait3A_483 = arith.constant 0 : i32
    %dma_wait3A_484 = tpu.memref_slice %arg9[%dma_wait3A_482, %dma_wait3A_483] : memref<32x512xf32, #tpu.memory_space<vmem>> -> memref<1x512xf32, #tpu.memory_space<vmem>>
    %dma_wait3A_485 = tpu.memref_squeeze %dma_wait3A_484 : memref<1x512xf32, #tpu.memory_space<vmem>> -> memref<512xf32, #tpu.memory_space<vmem>>
    %dma_wait3A_486 = arith.constant 0 : i32
    %dma_wait3A_487 = tpu.memref_slice %arg4[%dma_wait3A_481, %dma_wait3A_486] : memref<32x1000000xf32, #tpu.memory_space<hbm>> -> memref<1x1000000xf32, #tpu.memory_space<hbm>>
    %dma_wait3A_488 = tpu.memref_squeeze %dma_wait3A_487 : memref<1x1000000xf32, #tpu.memory_space<hbm>> -> memref<1000000xf32, #tpu.memory_space<hbm>>
    %dma_wait3A_489 = arith.constant 0 : i32
    %dma_wait3A_490 = tpu.memref_slice %dma_wait3A_488[%dma_wait3A_489] : memref<1000000xf32, #tpu.memory_space<hbm>> -> memref<1000000xf32, #tpu.memory_space<hbm>>
    tpu.wait_indirect_dma semaphore(%arg12 : memref<!tpu.dma_semaphore, #tpu.memory_space<semaphore_mem>>) src(%dma_wait3A_490 : memref<1000000xf32, #tpu.memory_space<hbm>>) dst(%dma_wait3A_485 : memref<512xf32, #tpu.memory_space<vmem>>)
    %dma_wait3A_491 = arith.constant 8 : i32
    %dma_wait3A_492 = arith.constant 8 : i32
    %dma_wait3A_493 = arith.constant 0 : i32
    %dma_wait3A_494 = tpu.memref_slice %arg10[%dma_wait3A_492, %dma_wait3A_493] : memref<32x512xf32, #tpu.memory_space<vmem>> -> memref<1x512xf32, #tpu.memory_space<vmem>>
    %dma_wait3A_495 = tpu.memref_squeeze %dma_wait3A_494 : memref<1x512xf32, #tpu.memory_space<vmem>> -> memref<512xf32, #tpu.memory_space<vmem>>
    %dma_wait3A_496 = arith.constant 0 : i32
    %dma_wait3A_497 = tpu.memref_slice %arg5[%dma_wait3A_491, %dma_wait3A_496] : memref<32x1000000xf32, #tpu.memory_space<hbm>> -> memref<1x1000000xf32, #tpu.memory_space<hbm>>
    %dma_wait3A_498 = tpu.memref_squeeze %dma_wait3A_497 : memref<1x1000000xf32, #tpu.memory_space<hbm>> -> memref<1000000xf32, #tpu.memory_space<hbm>>
    %dma_wait3A_499 = arith.constant 0 : i32
    %dma_wait3A_500 = tpu.memref_slice %dma_wait3A_498[%dma_wait3A_499] : memref<1000000xf32, #tpu.memory_space<hbm>> -> memref<1000000xf32, #tpu.memory_space<hbm>>
    tpu.wait_indirect_dma semaphore(%arg12 : memref<!tpu.dma_semaphore, #tpu.memory_space<semaphore_mem>>) src(%dma_wait3A_500 : memref<1000000xf32, #tpu.memory_space<hbm>>) dst(%dma_wait3A_495 : memref<512xf32, #tpu.memory_space<vmem>>)
    %dma_wait3A_501 = arith.constant 9 : i32
    %dma_wait3A_502 = arith.constant 9 : i32
    %dma_wait3A_503 = arith.constant 0 : i32
    %dma_wait3A_504 = tpu.memref_slice %arg9[%dma_wait3A_502, %dma_wait3A_503] : memref<32x512xf32, #tpu.memory_space<vmem>> -> memref<1x512xf32, #tpu.memory_space<vmem>>
    %dma_wait3A_505 = tpu.memref_squeeze %dma_wait3A_504 : memref<1x512xf32, #tpu.memory_space<vmem>> -> memref<512xf32, #tpu.memory_space<vmem>>
    %dma_wait3A_506 = arith.constant 0 : i32
    %dma_wait3A_507 = tpu.memref_slice %arg4[%dma_wait3A_501, %dma_wait3A_506] : memref<32x1000000xf32, #tpu.memory_space<hbm>> -> memref<1x1000000xf32, #tpu.memory_space<hbm>>
    %dma_wait3A_508 = tpu.memref_squeeze %dma_wait3A_507 : memref<1x1000000xf32, #tpu.memory_space<hbm>> -> memref<1000000xf32, #tpu.memory_space<hbm>>
    %dma_wait3A_509 = arith.constant 0 : i32
    %dma_wait3A_510 = tpu.memref_slice %dma_wait3A_508[%dma_wait3A_509] : memref<1000000xf32, #tpu.memory_space<hbm>> -> memref<1000000xf32, #tpu.memory_space<hbm>>
    tpu.wait_indirect_dma semaphore(%arg12 : memref<!tpu.dma_semaphore, #tpu.memory_space<semaphore_mem>>) src(%dma_wait3A_510 : memref<1000000xf32, #tpu.memory_space<hbm>>) dst(%dma_wait3A_505 : memref<512xf32, #tpu.memory_space<vmem>>)
    %dma_wait3A_511 = arith.constant 9 : i32
    %dma_wait3A_512 = arith.constant 9 : i32
    %dma_wait3A_513 = arith.constant 0 : i32
    %dma_wait3A_514 = tpu.memref_slice %arg10[%dma_wait3A_512, %dma_wait3A_513] : memref<32x512xf32, #tpu.memory_space<vmem>> -> memref<1x512xf32, #tpu.memory_space<vmem>>
    %dma_wait3A_515 = tpu.memref_squeeze %dma_wait3A_514 : memref<1x512xf32, #tpu.memory_space<vmem>> -> memref<512xf32, #tpu.memory_space<vmem>>
    %dma_wait3A_516 = arith.constant 0 : i32
    %dma_wait3A_517 = tpu.memref_slice %arg5[%dma_wait3A_511, %dma_wait3A_516] : memref<32x1000000xf32, #tpu.memory_space<hbm>> -> memref<1x1000000xf32, #tpu.memory_space<hbm>>
    %dma_wait3A_518 = tpu.memref_squeeze %dma_wait3A_517 : memref<1x1000000xf32, #tpu.memory_space<hbm>> -> memref<1000000xf32, #tpu.memory_space<hbm>>
    %dma_wait3A_519 = arith.constant 0 : i32
    %dma_wait3A_520 = tpu.memref_slice %dma_wait3A_518[%dma_wait3A_519] : memref<1000000xf32, #tpu.memory_space<hbm>> -> memref<1000000xf32, #tpu.memory_space<hbm>>
    tpu.wait_indirect_dma semaphore(%arg12 : memref<!tpu.dma_semaphore, #tpu.memory_space<semaphore_mem>>) src(%dma_wait3A_520 : memref<1000000xf32, #tpu.memory_space<hbm>>) dst(%dma_wait3A_515 : memref<512xf32, #tpu.memory_space<vmem>>)
    %dma_wait3A_521 = arith.constant 10 : i32
    %dma_wait3A_522 = arith.constant 10 : i32
    %dma_wait3A_523 = arith.constant 0 : i32
    %dma_wait3A_524 = tpu.memref_slice %arg9[%dma_wait3A_522, %dma_wait3A_523] : memref<32x512xf32, #tpu.memory_space<vmem>> -> memref<1x512xf32, #tpu.memory_space<vmem>>
    %dma_wait3A_525 = tpu.memref_squeeze %dma_wait3A_524 : memref<1x512xf32, #tpu.memory_space<vmem>> -> memref<512xf32, #tpu.memory_space<vmem>>
    %dma_wait3A_526 = arith.constant 0 : i32
    %dma_wait3A_527 = tpu.memref_slice %arg4[%dma_wait3A_521, %dma_wait3A_526] : memref<32x1000000xf32, #tpu.memory_space<hbm>> -> memref<1x1000000xf32, #tpu.memory_space<hbm>>
    %dma_wait3A_528 = tpu.memref_squeeze %dma_wait3A_527 : memref<1x1000000xf32, #tpu.memory_space<hbm>> -> memref<1000000xf32, #tpu.memory_space<hbm>>
    %dma_wait3A_529 = arith.constant 0 : i32
    %dma_wait3A_530 = tpu.memref_slice %dma_wait3A_528[%dma_wait3A_529] : memref<1000000xf32, #tpu.memory_space<hbm>> -> memref<1000000xf32, #tpu.memory_space<hbm>>
    tpu.wait_indirect_dma semaphore(%arg12 : memref<!tpu.dma_semaphore, #tpu.memory_space<semaphore_mem>>) src(%dma_wait3A_530 : memref<1000000xf32, #tpu.memory_space<hbm>>) dst(%dma_wait3A_525 : memref<512xf32, #tpu.memory_space<vmem>>)
    %dma_wait3A_531 = arith.constant 10 : i32
    %dma_wait3A_532 = arith.constant 10 : i32
    %dma_wait3A_533 = arith.constant 0 : i32
    %dma_wait3A_534 = tpu.memref_slice %arg10[%dma_wait3A_532, %dma_wait3A_533] : memref<32x512xf32, #tpu.memory_space<vmem>> -> memref<1x512xf32, #tpu.memory_space<vmem>>
    %dma_wait3A_535 = tpu.memref_squeeze %dma_wait3A_534 : memref<1x512xf32, #tpu.memory_space<vmem>> -> memref<512xf32, #tpu.memory_space<vmem>>
    %dma_wait3A_536 = arith.constant 0 : i32
    %dma_wait3A_537 = tpu.memref_slice %arg5[%dma_wait3A_531, %dma_wait3A_536] : memref<32x1000000xf32, #tpu.memory_space<hbm>> -> memref<1x1000000xf32, #tpu.memory_space<hbm>>
    %dma_wait3A_538 = tpu.memref_squeeze %dma_wait3A_537 : memref<1x1000000xf32, #tpu.memory_space<hbm>> -> memref<1000000xf32, #tpu.memory_space<hbm>>
    %dma_wait3A_539 = arith.constant 0 : i32
    %dma_wait3A_540 = tpu.memref_slice %dma_wait3A_538[%dma_wait3A_539] : memref<1000000xf32, #tpu.memory_space<hbm>> -> memref<1000000xf32, #tpu.memory_space<hbm>>
    tpu.wait_indirect_dma semaphore(%arg12 : memref<!tpu.dma_semaphore, #tpu.memory_space<semaphore_mem>>) src(%dma_wait3A_540 : memref<1000000xf32, #tpu.memory_space<hbm>>) dst(%dma_wait3A_535 : memref<512xf32, #tpu.memory_space<vmem>>)
    %dma_wait3A_541 = arith.constant 11 : i32
    %dma_wait3A_542 = arith.constant 11 : i32
    %dma_wait3A_543 = arith.constant 0 : i32
    %dma_wait3A_544 = tpu.memref_slice %arg9[%dma_wait3A_542, %dma_wait3A_543] : memref<32x512xf32, #tpu.memory_space<vmem>> -> memref<1x512xf32, #tpu.memory_space<vmem>>
    %dma_wait3A_545 = tpu.memref_squeeze %dma_wait3A_544 : memref<1x512xf32, #tpu.memory_space<vmem>> -> memref<512xf32, #tpu.memory_space<vmem>>
    %dma_wait3A_546 = arith.constant 0 : i32
    %dma_wait3A_547 = tpu.memref_slice %arg4[%dma_wait3A_541, %dma_wait3A_546] : memref<32x1000000xf32, #tpu.memory_space<hbm>> -> memref<1x1000000xf32, #tpu.memory_space<hbm>>
    %dma_wait3A_548 = tpu.memref_squeeze %dma_wait3A_547 : memref<1x1000000xf32, #tpu.memory_space<hbm>> -> memref<1000000xf32, #tpu.memory_space<hbm>>
    %dma_wait3A_549 = arith.constant 0 : i32
    %dma_wait3A_550 = tpu.memref_slice %dma_wait3A_548[%dma_wait3A_549] : memref<1000000xf32, #tpu.memory_space<hbm>> -> memref<1000000xf32, #tpu.memory_space<hbm>>
    tpu.wait_indirect_dma semaphore(%arg12 : memref<!tpu.dma_semaphore, #tpu.memory_space<semaphore_mem>>) src(%dma_wait3A_550 : memref<1000000xf32, #tpu.memory_space<hbm>>) dst(%dma_wait3A_545 : memref<512xf32, #tpu.memory_space<vmem>>)
    %dma_wait3A_551 = arith.constant 11 : i32
    %dma_wait3A_552 = arith.constant 11 : i32
    %dma_wait3A_553 = arith.constant 0 : i32
    %dma_wait3A_554 = tpu.memref_slice %arg10[%dma_wait3A_552, %dma_wait3A_553] : memref<32x512xf32, #tpu.memory_space<vmem>> -> memref<1x512xf32, #tpu.memory_space<vmem>>
    %dma_wait3A_555 = tpu.memref_squeeze %dma_wait3A_554 : memref<1x512xf32, #tpu.memory_space<vmem>> -> memref<512xf32, #tpu.memory_space<vmem>>
    %dma_wait3A_556 = arith.constant 0 : i32
    %dma_wait3A_557 = tpu.memref_slice %arg5[%dma_wait3A_551, %dma_wait3A_556] : memref<32x1000000xf32, #tpu.memory_space<hbm>> -> memref<1x1000000xf32, #tpu.memory_space<hbm>>
    %dma_wait3A_558 = tpu.memref_squeeze %dma_wait3A_557 : memref<1x1000000xf32, #tpu.memory_space<hbm>> -> memref<1000000xf32, #tpu.memory_space<hbm>>
    %dma_wait3A_559 = arith.constant 0 : i32
    %dma_wait3A_560 = tpu.memref_slice %dma_wait3A_558[%dma_wait3A_559] : memref<1000000xf32, #tpu.memory_space<hbm>> -> memref<1000000xf32, #tpu.memory_space<hbm>>
    tpu.wait_indirect_dma semaphore(%arg12 : memref<!tpu.dma_semaphore, #tpu.memory_space<semaphore_mem>>) src(%dma_wait3A_560 : memref<1000000xf32, #tpu.memory_space<hbm>>) dst(%dma_wait3A_555 : memref<512xf32, #tpu.memory_space<vmem>>)
    %dma_wait3A_561 = arith.constant 12 : i32
    %dma_wait3A_562 = arith.constant 12 : i32
    %dma_wait3A_563 = arith.constant 0 : i32
    %dma_wait3A_564 = tpu.memref_slice %arg9[%dma_wait3A_562, %dma_wait3A_563] : memref<32x512xf32, #tpu.memory_space<vmem>> -> memref<1x512xf32, #tpu.memory_space<vmem>>
    %dma_wait3A_565 = tpu.memref_squeeze %dma_wait3A_564 : memref<1x512xf32, #tpu.memory_space<vmem>> -> memref<512xf32, #tpu.memory_space<vmem>>
    %dma_wait3A_566 = arith.constant 0 : i32
    %dma_wait3A_567 = tpu.memref_slice %arg4[%dma_wait3A_561, %dma_wait3A_566] : memref<32x1000000xf32, #tpu.memory_space<hbm>> -> memref<1x1000000xf32, #tpu.memory_space<hbm>>
    %dma_wait3A_568 = tpu.memref_squeeze %dma_wait3A_567 : memref<1x1000000xf32, #tpu.memory_space<hbm>> -> memref<1000000xf32, #tpu.memory_space<hbm>>
    %dma_wait3A_569 = arith.constant 0 : i32
    %dma_wait3A_570 = tpu.memref_slice %dma_wait3A_568[%dma_wait3A_569] : memref<1000000xf32, #tpu.memory_space<hbm>> -> memref<1000000xf32, #tpu.memory_space<hbm>>
    tpu.wait_indirect_dma semaphore(%arg12 : memref<!tpu.dma_semaphore, #tpu.memory_space<semaphore_mem>>) src(%dma_wait3A_570 : memref<1000000xf32, #tpu.memory_space<hbm>>) dst(%dma_wait3A_565 : memref<512xf32, #tpu.memory_space<vmem>>)
    %dma_wait3A_571 = arith.constant 12 : i32
    %dma_wait3A_572 = arith.constant 12 : i32
    %dma_wait3A_573 = arith.constant 0 : i32
    %dma_wait3A_574 = tpu.memref_slice %arg10[%dma_wait3A_572, %dma_wait3A_573] : memref<32x512xf32, #tpu.memory_space<vmem>> -> memref<1x512xf32, #tpu.memory_space<vmem>>
    %dma_wait3A_575 = tpu.memref_squeeze %dma_wait3A_574 : memref<1x512xf32, #tpu.memory_space<vmem>> -> memref<512xf32, #tpu.memory_space<vmem>>
    %dma_wait3A_576 = arith.constant 0 : i32
    %dma_wait3A_577 = tpu.memref_slice %arg5[%dma_wait3A_571, %dma_wait3A_576] : memref<32x1000000xf32, #tpu.memory_space<hbm>> -> memref<1x1000000xf32, #tpu.memory_space<hbm>>
    %dma_wait3A_578 = tpu.memref_squeeze %dma_wait3A_577 : memref<1x1000000xf32, #tpu.memory_space<hbm>> -> memref<1000000xf32, #tpu.memory_space<hbm>>
    %dma_wait3A_579 = arith.constant 0 : i32
    %dma_wait3A_580 = tpu.memref_slice %dma_wait3A_578[%dma_wait3A_579] : memref<1000000xf32, #tpu.memory_space<hbm>> -> memref<1000000xf32, #tpu.memory_space<hbm>>
    tpu.wait_indirect_dma semaphore(%arg12 : memref<!tpu.dma_semaphore, #tpu.memory_space<semaphore_mem>>) src(%dma_wait3A_580 : memref<1000000xf32, #tpu.memory_space<hbm>>) dst(%dma_wait3A_575 : memref<512xf32, #tpu.memory_space<vmem>>)
    %dma_wait3A_581 = arith.constant 13 : i32
    %dma_wait3A_582 = arith.constant 13 : i32
    %dma_wait3A_583 = arith.constant 0 : i32
    %dma_wait3A_584 = tpu.memref_slice %arg9[%dma_wait3A_582, %dma_wait3A_583] : memref<32x512xf32, #tpu.memory_space<vmem>> -> memref<1x512xf32, #tpu.memory_space<vmem>>
    %dma_wait3A_585 = tpu.memref_squeeze %dma_wait3A_584 : memref<1x512xf32, #tpu.memory_space<vmem>> -> memref<512xf32, #tpu.memory_space<vmem>>
    %dma_wait3A_586 = arith.constant 0 : i32
    %dma_wait3A_587 = tpu.memref_slice %arg4[%dma_wait3A_581, %dma_wait3A_586] : memref<32x1000000xf32, #tpu.memory_space<hbm>> -> memref<1x1000000xf32, #tpu.memory_space<hbm>>
    %dma_wait3A_588 = tpu.memref_squeeze %dma_wait3A_587 : memref<1x1000000xf32, #tpu.memory_space<hbm>> -> memref<1000000xf32, #tpu.memory_space<hbm>>
    %dma_wait3A_589 = arith.constant 0 : i32
    %dma_wait3A_590 = tpu.memref_slice %dma_wait3A_588[%dma_wait3A_589] : memref<1000000xf32, #tpu.memory_space<hbm>> -> memref<1000000xf32, #tpu.memory_space<hbm>>
    tpu.wait_indirect_dma semaphore(%arg12 : memref<!tpu.dma_semaphore, #tpu.memory_space<semaphore_mem>>) src(%dma_wait3A_590 : memref<1000000xf32, #tpu.memory_space<hbm>>) dst(%dma_wait3A_585 : memref<512xf32, #tpu.memory_space<vmem>>)
    %dma_wait3A_591 = arith.constant 13 : i32
    %dma_wait3A_592 = arith.constant 13 : i32
    %dma_wait3A_593 = arith.constant 0 : i32
    %dma_wait3A_594 = tpu.memref_slice %arg10[%dma_wait3A_592, %dma_wait3A_593] : memref<32x512xf32, #tpu.memory_space<vmem>> -> memref<1x512xf32, #tpu.memory_space<vmem>>
    %dma_wait3A_595 = tpu.memref_squeeze %dma_wait3A_594 : memref<1x512xf32, #tpu.memory_space<vmem>> -> memref<512xf32, #tpu.memory_space<vmem>>
    %dma_wait3A_596 = arith.constant 0 : i32
    %dma_wait3A_597 = tpu.memref_slice %arg5[%dma_wait3A_591, %dma_wait3A_596] : memref<32x1000000xf32, #tpu.memory_space<hbm>> -> memref<1x1000000xf32, #tpu.memory_space<hbm>>
    %dma_wait3A_598 = tpu.memref_squeeze %dma_wait3A_597 : memref<1x1000000xf32, #tpu.memory_space<hbm>> -> memref<1000000xf32, #tpu.memory_space<hbm>>
    %dma_wait3A_599 = arith.constant 0 : i32
    %dma_wait3A_600 = tpu.memref_slice %dma_wait3A_598[%dma_wait3A_599] : memref<1000000xf32, #tpu.memory_space<hbm>> -> memref<1000000xf32, #tpu.memory_space<hbm>>
    tpu.wait_indirect_dma semaphore(%arg12 : memref<!tpu.dma_semaphore, #tpu.memory_space<semaphore_mem>>) src(%dma_wait3A_600 : memref<1000000xf32, #tpu.memory_space<hbm>>) dst(%dma_wait3A_595 : memref<512xf32, #tpu.memory_space<vmem>>)
    %dma_wait3A_601 = arith.constant 14 : i32
    %dma_wait3A_602 = arith.constant 14 : i32
    %dma_wait3A_603 = arith.constant 0 : i32
    %dma_wait3A_604 = tpu.memref_slice %arg9[%dma_wait3A_602, %dma_wait3A_603] : memref<32x512xf32, #tpu.memory_space<vmem>> -> memref<1x512xf32, #tpu.memory_space<vmem>>
    %dma_wait3A_605 = tpu.memref_squeeze %dma_wait3A_604 : memref<1x512xf32, #tpu.memory_space<vmem>> -> memref<512xf32, #tpu.memory_space<vmem>>
    %dma_wait3A_606 = arith.constant 0 : i32
    %dma_wait3A_607 = tpu.memref_slice %arg4[%dma_wait3A_601, %dma_wait3A_606] : memref<32x1000000xf32, #tpu.memory_space<hbm>> -> memref<1x1000000xf32, #tpu.memory_space<hbm>>
    %dma_wait3A_608 = tpu.memref_squeeze %dma_wait3A_607 : memref<1x1000000xf32, #tpu.memory_space<hbm>> -> memref<1000000xf32, #tpu.memory_space<hbm>>
    %dma_wait3A_609 = arith.constant 0 : i32
    %dma_wait3A_610 = tpu.memref_slice %dma_wait3A_608[%dma_wait3A_609] : memref<1000000xf32, #tpu.memory_space<hbm>> -> memref<1000000xf32, #tpu.memory_space<hbm>>
    tpu.wait_indirect_dma semaphore(%arg12 : memref<!tpu.dma_semaphore, #tpu.memory_space<semaphore_mem>>) src(%dma_wait3A_610 : memref<1000000xf32, #tpu.memory_space<hbm>>) dst(%dma_wait3A_605 : memref<512xf32, #tpu.memory_space<vmem>>)
    %dma_wait3A_611 = arith.constant 14 : i32
    %dma_wait3A_612 = arith.constant 14 : i32
    %dma_wait3A_613 = arith.constant 0 : i32
    %dma_wait3A_614 = tpu.memref_slice %arg10[%dma_wait3A_612, %dma_wait3A_613] : memref<32x512xf32, #tpu.memory_space<vmem>> -> memref<1x512xf32, #tpu.memory_space<vmem>>
    %dma_wait3A_615 = tpu.memref_squeeze %dma_wait3A_614 : memref<1x512xf32, #tpu.memory_space<vmem>> -> memref<512xf32, #tpu.memory_space<vmem>>
    %dma_wait3A_616 = arith.constant 0 : i32
    %dma_wait3A_617 = tpu.memref_slice %arg5[%dma_wait3A_611, %dma_wait3A_616] : memref<32x1000000xf32, #tpu.memory_space<hbm>> -> memref<1x1000000xf32, #tpu.memory_space<hbm>>
    %dma_wait3A_618 = tpu.memref_squeeze %dma_wait3A_617 : memref<1x1000000xf32, #tpu.memory_space<hbm>> -> memref<1000000xf32, #tpu.memory_space<hbm>>
    %dma_wait3A_619 = arith.constant 0 : i32
    %dma_wait3A_620 = tpu.memref_slice %dma_wait3A_618[%dma_wait3A_619] : memref<1000000xf32, #tpu.memory_space<hbm>> -> memref<1000000xf32, #tpu.memory_space<hbm>>
    tpu.wait_indirect_dma semaphore(%arg12 : memref<!tpu.dma_semaphore, #tpu.memory_space<semaphore_mem>>) src(%dma_wait3A_620 : memref<1000000xf32, #tpu.memory_space<hbm>>) dst(%dma_wait3A_615 : memref<512xf32, #tpu.memory_space<vmem>>)
    %dma_wait3A_621 = arith.constant 15 : i32
    %dma_wait3A_622 = arith.constant 15 : i32
    %dma_wait3A_623 = arith.constant 0 : i32
    %dma_wait3A_624 = tpu.memref_slice %arg9[%dma_wait3A_622, %dma_wait3A_623] : memref<32x512xf32, #tpu.memory_space<vmem>> -> memref<1x512xf32, #tpu.memory_space<vmem>>
    %dma_wait3A_625 = tpu.memref_squeeze %dma_wait3A_624 : memref<1x512xf32, #tpu.memory_space<vmem>> -> memref<512xf32, #tpu.memory_space<vmem>>
    %dma_wait3A_626 = arith.constant 0 : i32
    %dma_wait3A_627 = tpu.memref_slice %arg4[%dma_wait3A_621, %dma_wait3A_626] : memref<32x1000000xf32, #tpu.memory_space<hbm>> -> memref<1x1000000xf32, #tpu.memory_space<hbm>>
    %dma_wait3A_628 = tpu.memref_squeeze %dma_wait3A_627 : memref<1x1000000xf32, #tpu.memory_space<hbm>> -> memref<1000000xf32, #tpu.memory_space<hbm>>
    %dma_wait3A_629 = arith.constant 0 : i32
    %dma_wait3A_630 = tpu.memref_slice %dma_wait3A_628[%dma_wait3A_629] : memref<1000000xf32, #tpu.memory_space<hbm>> -> memref<1000000xf32, #tpu.memory_space<hbm>>
    tpu.wait_indirect_dma semaphore(%arg12 : memref<!tpu.dma_semaphore, #tpu.memory_space<semaphore_mem>>) src(%dma_wait3A_630 : memref<1000000xf32, #tpu.memory_space<hbm>>) dst(%dma_wait3A_625 : memref<512xf32, #tpu.memory_space<vmem>>)
    %dma_wait3A_631 = arith.constant 15 : i32
    %dma_wait3A_632 = arith.constant 15 : i32
    %dma_wait3A_633 = arith.constant 0 : i32
    %dma_wait3A_634 = tpu.memref_slice %arg10[%dma_wait3A_632, %dma_wait3A_633] : memref<32x512xf32, #tpu.memory_space<vmem>> -> memref<1x512xf32, #tpu.memory_space<vmem>>
    %dma_wait3A_635 = tpu.memref_squeeze %dma_wait3A_634 : memref<1x512xf32, #tpu.memory_space<vmem>> -> memref<512xf32, #tpu.memory_space<vmem>>
    %dma_wait3A_636 = arith.constant 0 : i32
    %dma_wait3A_637 = tpu.memref_slice %arg5[%dma_wait3A_631, %dma_wait3A_636] : memref<32x1000000xf32, #tpu.memory_space<hbm>> -> memref<1x1000000xf32, #tpu.memory_space<hbm>>
    %dma_wait3A_638 = tpu.memref_squeeze %dma_wait3A_637 : memref<1x1000000xf32, #tpu.memory_space<hbm>> -> memref<1000000xf32, #tpu.memory_space<hbm>>
    %dma_wait3A_639 = arith.constant 0 : i32
    %dma_wait3A_640 = tpu.memref_slice %dma_wait3A_638[%dma_wait3A_639] : memref<1000000xf32, #tpu.memory_space<hbm>> -> memref<1000000xf32, #tpu.memory_space<hbm>>
    tpu.wait_indirect_dma semaphore(%arg12 : memref<!tpu.dma_semaphore, #tpu.memory_space<semaphore_mem>>) src(%dma_wait3A_640 : memref<1000000xf32, #tpu.memory_space<hbm>>) dst(%dma_wait3A_635 : memref<512xf32, #tpu.memory_space<vmem>>)
    %dma_start3A_641 = arith.constant 16 : i32
    %dma_start3A_642 = arith.constant 16 : i32
    %dma_start3A_643 = arith.constant 0 : i32
    %dma_start3A_644 = tpu.memref_slice %arg9[%dma_start3A_642, %dma_start3A_643] : memref<32x512xf32, #tpu.memory_space<vmem>> -> memref<1x512xf32, #tpu.memory_space<vmem>>
    %dma_start3A_645 = tpu.memref_squeeze %dma_start3A_644 : memref<1x512xf32, #tpu.memory_space<vmem>> -> memref<512xf32, #tpu.memory_space<vmem>>
    %dma_start3A_646 = arith.constant 0 : i32
    %dma_start3A_647 = tpu.memref_slice %arg4[%dma_start3A_641, %dma_start3A_646] : memref<32x1000000xf32, #tpu.memory_space<hbm>> -> memref<1x1000000xf32, #tpu.memory_space<hbm>>
    %dma_start3A_648 = tpu.memref_squeeze %dma_start3A_647 : memref<1x1000000xf32, #tpu.memory_space<hbm>> -> memref<1000000xf32, #tpu.memory_space<hbm>>
    %dma_start3A_649 = arith.constant 0 : i32
    %dma_start3A_650 = tpu.memref_slice %dma_start3A_648[%dma_start3A_649] : memref<1000000xf32, #tpu.memory_space<hbm>> -> memref<1000000xf32, #tpu.memory_space<hbm>>
    tpu.enqueue_indirect_dma source(%dma_start3A_650 : memref<1000000xf32, #tpu.memory_space<hbm>>) target(%dma_start3A_645 : memref<512xf32, #tpu.memory_space<vmem>>) offsets(%arg7 : memref<512xi32, #tpu.memory_space<vmem>>) semaphore(%arg12 : memref<!tpu.dma_semaphore, #tpu.memory_space<semaphore_mem>>)
    %dma_start3A_651 = arith.constant 16 : i32
    %dma_start3A_652 = arith.constant 16 : i32
    %dma_start3A_653 = arith.constant 0 : i32
    %dma_start3A_654 = tpu.memref_slice %arg10[%dma_start3A_652, %dma_start3A_653] : memref<32x512xf32, #tpu.memory_space<vmem>> -> memref<1x512xf32, #tpu.memory_space<vmem>>
    %dma_start3A_655 = tpu.memref_squeeze %dma_start3A_654 : memref<1x512xf32, #tpu.memory_space<vmem>> -> memref<512xf32, #tpu.memory_space<vmem>>
    %dma_start3A_656 = arith.constant 0 : i32
    %dma_start3A_657 = tpu.memref_slice %arg5[%dma_start3A_651, %dma_start3A_656] : memref<32x1000000xf32, #tpu.memory_space<hbm>> -> memref<1x1000000xf32, #tpu.memory_space<hbm>>
    %dma_start3A_658 = tpu.memref_squeeze %dma_start3A_657 : memref<1x1000000xf32, #tpu.memory_space<hbm>> -> memref<1000000xf32, #tpu.memory_space<hbm>>
    %dma_start3A_659 = arith.constant 0 : i32
    %dma_start3A_660 = tpu.memref_slice %dma_start3A_658[%dma_start3A_659] : memref<1000000xf32, #tpu.memory_space<hbm>> -> memref<1000000xf32, #tpu.memory_space<hbm>>
    tpu.enqueue_indirect_dma source(%dma_start3A_660 : memref<1000000xf32, #tpu.memory_space<hbm>>) target(%dma_start3A_655 : memref<512xf32, #tpu.memory_space<vmem>>) offsets(%arg8 : memref<512xi32, #tpu.memory_space<vmem>>) semaphore(%arg12 : memref<!tpu.dma_semaphore, #tpu.memory_space<semaphore_mem>>)
    %dma_start3A_661 = arith.constant 17 : i32
    %dma_start3A_662 = arith.constant 17 : i32
    %dma_start3A_663 = arith.constant 0 : i32
    %dma_start3A_664 = tpu.memref_slice %arg9[%dma_start3A_662, %dma_start3A_663] : memref<32x512xf32, #tpu.memory_space<vmem>> -> memref<1x512xf32, #tpu.memory_space<vmem>>
    %dma_start3A_665 = tpu.memref_squeeze %dma_start3A_664 : memref<1x512xf32, #tpu.memory_space<vmem>> -> memref<512xf32, #tpu.memory_space<vmem>>
    %dma_start3A_666 = arith.constant 0 : i32
    %dma_start3A_667 = tpu.memref_slice %arg4[%dma_start3A_661, %dma_start3A_666] : memref<32x1000000xf32, #tpu.memory_space<hbm>> -> memref<1x1000000xf32, #tpu.memory_space<hbm>>
    %dma_start3A_668 = tpu.memref_squeeze %dma_start3A_667 : memref<1x1000000xf32, #tpu.memory_space<hbm>> -> memref<1000000xf32, #tpu.memory_space<hbm>>
    %dma_start3A_669 = arith.constant 0 : i32
    %dma_start3A_670 = tpu.memref_slice %dma_start3A_668[%dma_start3A_669] : memref<1000000xf32, #tpu.memory_space<hbm>> -> memref<1000000xf32, #tpu.memory_space<hbm>>
    tpu.enqueue_indirect_dma source(%dma_start3A_670 : memref<1000000xf32, #tpu.memory_space<hbm>>) target(%dma_start3A_665 : memref<512xf32, #tpu.memory_space<vmem>>) offsets(%arg7 : memref<512xi32, #tpu.memory_space<vmem>>) semaphore(%arg12 : memref<!tpu.dma_semaphore, #tpu.memory_space<semaphore_mem>>)
    %dma_start3A_671 = arith.constant 17 : i32
    %dma_start3A_672 = arith.constant 17 : i32
    %dma_start3A_673 = arith.constant 0 : i32
    %dma_start3A_674 = tpu.memref_slice %arg10[%dma_start3A_672, %dma_start3A_673] : memref<32x512xf32, #tpu.memory_space<vmem>> -> memref<1x512xf32, #tpu.memory_space<vmem>>
    %dma_start3A_675 = tpu.memref_squeeze %dma_start3A_674 : memref<1x512xf32, #tpu.memory_space<vmem>> -> memref<512xf32, #tpu.memory_space<vmem>>
    %dma_start3A_676 = arith.constant 0 : i32
    %dma_start3A_677 = tpu.memref_slice %arg5[%dma_start3A_671, %dma_start3A_676] : memref<32x1000000xf32, #tpu.memory_space<hbm>> -> memref<1x1000000xf32, #tpu.memory_space<hbm>>
    %dma_start3A_678 = tpu.memref_squeeze %dma_start3A_677 : memref<1x1000000xf32, #tpu.memory_space<hbm>> -> memref<1000000xf32, #tpu.memory_space<hbm>>
    %dma_start3A_679 = arith.constant 0 : i32
    %dma_start3A_680 = tpu.memref_slice %dma_start3A_678[%dma_start3A_679] : memref<1000000xf32, #tpu.memory_space<hbm>> -> memref<1000000xf32, #tpu.memory_space<hbm>>
    tpu.enqueue_indirect_dma source(%dma_start3A_680 : memref<1000000xf32, #tpu.memory_space<hbm>>) target(%dma_start3A_675 : memref<512xf32, #tpu.memory_space<vmem>>) offsets(%arg8 : memref<512xi32, #tpu.memory_space<vmem>>) semaphore(%arg12 : memref<!tpu.dma_semaphore, #tpu.memory_space<semaphore_mem>>)
    %dma_start3A_681 = arith.constant 18 : i32
    %dma_start3A_682 = arith.constant 18 : i32
    %dma_start3A_683 = arith.constant 0 : i32
    %dma_start3A_684 = tpu.memref_slice %arg9[%dma_start3A_682, %dma_start3A_683] : memref<32x512xf32, #tpu.memory_space<vmem>> -> memref<1x512xf32, #tpu.memory_space<vmem>>
    %dma_start3A_685 = tpu.memref_squeeze %dma_start3A_684 : memref<1x512xf32, #tpu.memory_space<vmem>> -> memref<512xf32, #tpu.memory_space<vmem>>
    %dma_start3A_686 = arith.constant 0 : i32
    %dma_start3A_687 = tpu.memref_slice %arg4[%dma_start3A_681, %dma_start3A_686] : memref<32x1000000xf32, #tpu.memory_space<hbm>> -> memref<1x1000000xf32, #tpu.memory_space<hbm>>
    %dma_start3A_688 = tpu.memref_squeeze %dma_start3A_687 : memref<1x1000000xf32, #tpu.memory_space<hbm>> -> memref<1000000xf32, #tpu.memory_space<hbm>>
    %dma_start3A_689 = arith.constant 0 : i32
    %dma_start3A_690 = tpu.memref_slice %dma_start3A_688[%dma_start3A_689] : memref<1000000xf32, #tpu.memory_space<hbm>> -> memref<1000000xf32, #tpu.memory_space<hbm>>
    tpu.enqueue_indirect_dma source(%dma_start3A_690 : memref<1000000xf32, #tpu.memory_space<hbm>>) target(%dma_start3A_685 : memref<512xf32, #tpu.memory_space<vmem>>) offsets(%arg7 : memref<512xi32, #tpu.memory_space<vmem>>) semaphore(%arg12 : memref<!tpu.dma_semaphore, #tpu.memory_space<semaphore_mem>>)
    %dma_start3A_691 = arith.constant 18 : i32
    %dma_start3A_692 = arith.constant 18 : i32
    %dma_start3A_693 = arith.constant 0 : i32
    %dma_start3A_694 = tpu.memref_slice %arg10[%dma_start3A_692, %dma_start3A_693] : memref<32x512xf32, #tpu.memory_space<vmem>> -> memref<1x512xf32, #tpu.memory_space<vmem>>
    %dma_start3A_695 = tpu.memref_squeeze %dma_start3A_694 : memref<1x512xf32, #tpu.memory_space<vmem>> -> memref<512xf32, #tpu.memory_space<vmem>>
    %dma_start3A_696 = arith.constant 0 : i32
    %dma_start3A_697 = tpu.memref_slice %arg5[%dma_start3A_691, %dma_start3A_696] : memref<32x1000000xf32, #tpu.memory_space<hbm>> -> memref<1x1000000xf32, #tpu.memory_space<hbm>>
    %dma_start3A_698 = tpu.memref_squeeze %dma_start3A_697 : memref<1x1000000xf32, #tpu.memory_space<hbm>> -> memref<1000000xf32, #tpu.memory_space<hbm>>
    %dma_start3A_699 = arith.constant 0 : i32
    %dma_start3A_700 = tpu.memref_slice %dma_start3A_698[%dma_start3A_699] : memref<1000000xf32, #tpu.memory_space<hbm>> -> memref<1000000xf32, #tpu.memory_space<hbm>>
    tpu.enqueue_indirect_dma source(%dma_start3A_700 : memref<1000000xf32, #tpu.memory_space<hbm>>) target(%dma_start3A_695 : memref<512xf32, #tpu.memory_space<vmem>>) offsets(%arg8 : memref<512xi32, #tpu.memory_space<vmem>>) semaphore(%arg12 : memref<!tpu.dma_semaphore, #tpu.memory_space<semaphore_mem>>)
    %dma_start3A_701 = arith.constant 19 : i32
    %dma_start3A_702 = arith.constant 19 : i32
    %dma_start3A_703 = arith.constant 0 : i32
    %dma_start3A_704 = tpu.memref_slice %arg9[%dma_start3A_702, %dma_start3A_703] : memref<32x512xf32, #tpu.memory_space<vmem>> -> memref<1x512xf32, #tpu.memory_space<vmem>>
    %dma_start3A_705 = tpu.memref_squeeze %dma_start3A_704 : memref<1x512xf32, #tpu.memory_space<vmem>> -> memref<512xf32, #tpu.memory_space<vmem>>
    %dma_start3A_706 = arith.constant 0 : i32
    %dma_start3A_707 = tpu.memref_slice %arg4[%dma_start3A_701, %dma_start3A_706] : memref<32x1000000xf32, #tpu.memory_space<hbm>> -> memref<1x1000000xf32, #tpu.memory_space<hbm>>
    %dma_start3A_708 = tpu.memref_squeeze %dma_start3A_707 : memref<1x1000000xf32, #tpu.memory_space<hbm>> -> memref<1000000xf32, #tpu.memory_space<hbm>>
    %dma_start3A_709 = arith.constant 0 : i32
    %dma_start3A_710 = tpu.memref_slice %dma_start3A_708[%dma_start3A_709] : memref<1000000xf32, #tpu.memory_space<hbm>> -> memref<1000000xf32, #tpu.memory_space<hbm>>
    tpu.enqueue_indirect_dma source(%dma_start3A_710 : memref<1000000xf32, #tpu.memory_space<hbm>>) target(%dma_start3A_705 : memref<512xf32, #tpu.memory_space<vmem>>) offsets(%arg7 : memref<512xi32, #tpu.memory_space<vmem>>) semaphore(%arg12 : memref<!tpu.dma_semaphore, #tpu.memory_space<semaphore_mem>>)
    %dma_start3A_711 = arith.constant 19 : i32
    %dma_start3A_712 = arith.constant 19 : i32
    %dma_start3A_713 = arith.constant 0 : i32
    %dma_start3A_714 = tpu.memref_slice %arg10[%dma_start3A_712, %dma_start3A_713] : memref<32x512xf32, #tpu.memory_space<vmem>> -> memref<1x512xf32, #tpu.memory_space<vmem>>
    %dma_start3A_715 = tpu.memref_squeeze %dma_start3A_714 : memref<1x512xf32, #tpu.memory_space<vmem>> -> memref<512xf32, #tpu.memory_space<vmem>>
    %dma_start3A_716 = arith.constant 0 : i32
    %dma_start3A_717 = tpu.memref_slice %arg5[%dma_start3A_711, %dma_start3A_716] : memref<32x1000000xf32, #tpu.memory_space<hbm>> -> memref<1x1000000xf32, #tpu.memory_space<hbm>>
    %dma_start3A_718 = tpu.memref_squeeze %dma_start3A_717 : memref<1x1000000xf32, #tpu.memory_space<hbm>> -> memref<1000000xf32, #tpu.memory_space<hbm>>
    %dma_start3A_719 = arith.constant 0 : i32
    %dma_start3A_720 = tpu.memref_slice %dma_start3A_718[%dma_start3A_719] : memref<1000000xf32, #tpu.memory_space<hbm>> -> memref<1000000xf32, #tpu.memory_space<hbm>>
    tpu.enqueue_indirect_dma source(%dma_start3A_720 : memref<1000000xf32, #tpu.memory_space<hbm>>) target(%dma_start3A_715 : memref<512xf32, #tpu.memory_space<vmem>>) offsets(%arg8 : memref<512xi32, #tpu.memory_space<vmem>>) semaphore(%arg12 : memref<!tpu.dma_semaphore, #tpu.memory_space<semaphore_mem>>)
    %dma_start3A_721 = arith.constant 20 : i32
    %dma_start3A_722 = arith.constant 20 : i32
    %dma_start3A_723 = arith.constant 0 : i32
    %dma_start3A_724 = tpu.memref_slice %arg9[%dma_start3A_722, %dma_start3A_723] : memref<32x512xf32, #tpu.memory_space<vmem>> -> memref<1x512xf32, #tpu.memory_space<vmem>>
    %dma_start3A_725 = tpu.memref_squeeze %dma_start3A_724 : memref<1x512xf32, #tpu.memory_space<vmem>> -> memref<512xf32, #tpu.memory_space<vmem>>
    %dma_start3A_726 = arith.constant 0 : i32
    %dma_start3A_727 = tpu.memref_slice %arg4[%dma_start3A_721, %dma_start3A_726] : memref<32x1000000xf32, #tpu.memory_space<hbm>> -> memref<1x1000000xf32, #tpu.memory_space<hbm>>
    %dma_start3A_728 = tpu.memref_squeeze %dma_start3A_727 : memref<1x1000000xf32, #tpu.memory_space<hbm>> -> memref<1000000xf32, #tpu.memory_space<hbm>>
    %dma_start3A_729 = arith.constant 0 : i32
    %dma_start3A_730 = tpu.memref_slice %dma_start3A_728[%dma_start3A_729] : memref<1000000xf32, #tpu.memory_space<hbm>> -> memref<1000000xf32, #tpu.memory_space<hbm>>
    tpu.enqueue_indirect_dma source(%dma_start3A_730 : memref<1000000xf32, #tpu.memory_space<hbm>>) target(%dma_start3A_725 : memref<512xf32, #tpu.memory_space<vmem>>) offsets(%arg7 : memref<512xi32, #tpu.memory_space<vmem>>) semaphore(%arg12 : memref<!tpu.dma_semaphore, #tpu.memory_space<semaphore_mem>>)
    %dma_start3A_731 = arith.constant 20 : i32
    %dma_start3A_732 = arith.constant 20 : i32
    %dma_start3A_733 = arith.constant 0 : i32
    %dma_start3A_734 = tpu.memref_slice %arg10[%dma_start3A_732, %dma_start3A_733] : memref<32x512xf32, #tpu.memory_space<vmem>> -> memref<1x512xf32, #tpu.memory_space<vmem>>
    %dma_start3A_735 = tpu.memref_squeeze %dma_start3A_734 : memref<1x512xf32, #tpu.memory_space<vmem>> -> memref<512xf32, #tpu.memory_space<vmem>>
    %dma_start3A_736 = arith.constant 0 : i32
    %dma_start3A_737 = tpu.memref_slice %arg5[%dma_start3A_731, %dma_start3A_736] : memref<32x1000000xf32, #tpu.memory_space<hbm>> -> memref<1x1000000xf32, #tpu.memory_space<hbm>>
    %dma_start3A_738 = tpu.memref_squeeze %dma_start3A_737 : memref<1x1000000xf32, #tpu.memory_space<hbm>> -> memref<1000000xf32, #tpu.memory_space<hbm>>
    %dma_start3A_739 = arith.constant 0 : i32
    %dma_start3A_740 = tpu.memref_slice %dma_start3A_738[%dma_start3A_739] : memref<1000000xf32, #tpu.memory_space<hbm>> -> memref<1000000xf32, #tpu.memory_space<hbm>>
    tpu.enqueue_indirect_dma source(%dma_start3A_740 : memref<1000000xf32, #tpu.memory_space<hbm>>) target(%dma_start3A_735 : memref<512xf32, #tpu.memory_space<vmem>>) offsets(%arg8 : memref<512xi32, #tpu.memory_space<vmem>>) semaphore(%arg12 : memref<!tpu.dma_semaphore, #tpu.memory_space<semaphore_mem>>)
    %dma_start3A_741 = arith.constant 21 : i32
    %dma_start3A_742 = arith.constant 21 : i32
    %dma_start3A_743 = arith.constant 0 : i32
    %dma_start3A_744 = tpu.memref_slice %arg9[%dma_start3A_742, %dma_start3A_743] : memref<32x512xf32, #tpu.memory_space<vmem>> -> memref<1x512xf32, #tpu.memory_space<vmem>>
    %dma_start3A_745 = tpu.memref_squeeze %dma_start3A_744 : memref<1x512xf32, #tpu.memory_space<vmem>> -> memref<512xf32, #tpu.memory_space<vmem>>
    %dma_start3A_746 = arith.constant 0 : i32
    %dma_start3A_747 = tpu.memref_slice %arg4[%dma_start3A_741, %dma_start3A_746] : memref<32x1000000xf32, #tpu.memory_space<hbm>> -> memref<1x1000000xf32, #tpu.memory_space<hbm>>
    %dma_start3A_748 = tpu.memref_squeeze %dma_start3A_747 : memref<1x1000000xf32, #tpu.memory_space<hbm>> -> memref<1000000xf32, #tpu.memory_space<hbm>>
    %dma_start3A_749 = arith.constant 0 : i32
    %dma_start3A_750 = tpu.memref_slice %dma_start3A_748[%dma_start3A_749] : memref<1000000xf32, #tpu.memory_space<hbm>> -> memref<1000000xf32, #tpu.memory_space<hbm>>
    tpu.enqueue_indirect_dma source(%dma_start3A_750 : memref<1000000xf32, #tpu.memory_space<hbm>>) target(%dma_start3A_745 : memref<512xf32, #tpu.memory_space<vmem>>) offsets(%arg7 : memref<512xi32, #tpu.memory_space<vmem>>) semaphore(%arg12 : memref<!tpu.dma_semaphore, #tpu.memory_space<semaphore_mem>>)
    %dma_start3A_751 = arith.constant 21 : i32
    %dma_start3A_752 = arith.constant 21 : i32
    %dma_start3A_753 = arith.constant 0 : i32
    %dma_start3A_754 = tpu.memref_slice %arg10[%dma_start3A_752, %dma_start3A_753] : memref<32x512xf32, #tpu.memory_space<vmem>> -> memref<1x512xf32, #tpu.memory_space<vmem>>
    %dma_start3A_755 = tpu.memref_squeeze %dma_start3A_754 : memref<1x512xf32, #tpu.memory_space<vmem>> -> memref<512xf32, #tpu.memory_space<vmem>>
    %dma_start3A_756 = arith.constant 0 : i32
    %dma_start3A_757 = tpu.memref_slice %arg5[%dma_start3A_751, %dma_start3A_756] : memref<32x1000000xf32, #tpu.memory_space<hbm>> -> memref<1x1000000xf32, #tpu.memory_space<hbm>>
    %dma_start3A_758 = tpu.memref_squeeze %dma_start3A_757 : memref<1x1000000xf32, #tpu.memory_space<hbm>> -> memref<1000000xf32, #tpu.memory_space<hbm>>
    %dma_start3A_759 = arith.constant 0 : i32
    %dma_start3A_760 = tpu.memref_slice %dma_start3A_758[%dma_start3A_759] : memref<1000000xf32, #tpu.memory_space<hbm>> -> memref<1000000xf32, #tpu.memory_space<hbm>>
    tpu.enqueue_indirect_dma source(%dma_start3A_760 : memref<1000000xf32, #tpu.memory_space<hbm>>) target(%dma_start3A_755 : memref<512xf32, #tpu.memory_space<vmem>>) offsets(%arg8 : memref<512xi32, #tpu.memory_space<vmem>>) semaphore(%arg12 : memref<!tpu.dma_semaphore, #tpu.memory_space<semaphore_mem>>)
    %dma_start3A_761 = arith.constant 22 : i32
    %dma_start3A_762 = arith.constant 22 : i32
    %dma_start3A_763 = arith.constant 0 : i32
    %dma_start3A_764 = tpu.memref_slice %arg9[%dma_start3A_762, %dma_start3A_763] : memref<32x512xf32, #tpu.memory_space<vmem>> -> memref<1x512xf32, #tpu.memory_space<vmem>>
    %dma_start3A_765 = tpu.memref_squeeze %dma_start3A_764 : memref<1x512xf32, #tpu.memory_space<vmem>> -> memref<512xf32, #tpu.memory_space<vmem>>
    %dma_start3A_766 = arith.constant 0 : i32
    %dma_start3A_767 = tpu.memref_slice %arg4[%dma_start3A_761, %dma_start3A_766] : memref<32x1000000xf32, #tpu.memory_space<hbm>> -> memref<1x1000000xf32, #tpu.memory_space<hbm>>
    %dma_start3A_768 = tpu.memref_squeeze %dma_start3A_767 : memref<1x1000000xf32, #tpu.memory_space<hbm>> -> memref<1000000xf32, #tpu.memory_space<hbm>>
    %dma_start3A_769 = arith.constant 0 : i32
    %dma_start3A_770 = tpu.memref_slice %dma_start3A_768[%dma_start3A_769] : memref<1000000xf32, #tpu.memory_space<hbm>> -> memref<1000000xf32, #tpu.memory_space<hbm>>
    tpu.enqueue_indirect_dma source(%dma_start3A_770 : memref<1000000xf32, #tpu.memory_space<hbm>>) target(%dma_start3A_765 : memref<512xf32, #tpu.memory_space<vmem>>) offsets(%arg7 : memref<512xi32, #tpu.memory_space<vmem>>) semaphore(%arg12 : memref<!tpu.dma_semaphore, #tpu.memory_space<semaphore_mem>>)
    %dma_start3A_771 = arith.constant 22 : i32
    %dma_start3A_772 = arith.constant 22 : i32
    %dma_start3A_773 = arith.constant 0 : i32
    %dma_start3A_774 = tpu.memref_slice %arg10[%dma_start3A_772, %dma_start3A_773] : memref<32x512xf32, #tpu.memory_space<vmem>> -> memref<1x512xf32, #tpu.memory_space<vmem>>
    %dma_start3A_775 = tpu.memref_squeeze %dma_start3A_774 : memref<1x512xf32, #tpu.memory_space<vmem>> -> memref<512xf32, #tpu.memory_space<vmem>>
    %dma_start3A_776 = arith.constant 0 : i32
    %dma_start3A_777 = tpu.memref_slice %arg5[%dma_start3A_771, %dma_start3A_776] : memref<32x1000000xf32, #tpu.memory_space<hbm>> -> memref<1x1000000xf32, #tpu.memory_space<hbm>>
    %dma_start3A_778 = tpu.memref_squeeze %dma_start3A_777 : memref<1x1000000xf32, #tpu.memory_space<hbm>> -> memref<1000000xf32, #tpu.memory_space<hbm>>
    %dma_start3A_779 = arith.constant 0 : i32
    %dma_start3A_780 = tpu.memref_slice %dma_start3A_778[%dma_start3A_779] : memref<1000000xf32, #tpu.memory_space<hbm>> -> memref<1000000xf32, #tpu.memory_space<hbm>>
    tpu.enqueue_indirect_dma source(%dma_start3A_780 : memref<1000000xf32, #tpu.memory_space<hbm>>) target(%dma_start3A_775 : memref<512xf32, #tpu.memory_space<vmem>>) offsets(%arg8 : memref<512xi32, #tpu.memory_space<vmem>>) semaphore(%arg12 : memref<!tpu.dma_semaphore, #tpu.memory_space<semaphore_mem>>)
    %dma_start3A_781 = arith.constant 23 : i32
    %dma_start3A_782 = arith.constant 23 : i32
    %dma_start3A_783 = arith.constant 0 : i32
    %dma_start3A_784 = tpu.memref_slice %arg9[%dma_start3A_782, %dma_start3A_783] : memref<32x512xf32, #tpu.memory_space<vmem>> -> memref<1x512xf32, #tpu.memory_space<vmem>>
    %dma_start3A_785 = tpu.memref_squeeze %dma_start3A_784 : memref<1x512xf32, #tpu.memory_space<vmem>> -> memref<512xf32, #tpu.memory_space<vmem>>
    %dma_start3A_786 = arith.constant 0 : i32
    %dma_start3A_787 = tpu.memref_slice %arg4[%dma_start3A_781, %dma_start3A_786] : memref<32x1000000xf32, #tpu.memory_space<hbm>> -> memref<1x1000000xf32, #tpu.memory_space<hbm>>
    %dma_start3A_788 = tpu.memref_squeeze %dma_start3A_787 : memref<1x1000000xf32, #tpu.memory_space<hbm>> -> memref<1000000xf32, #tpu.memory_space<hbm>>
    %dma_start3A_789 = arith.constant 0 : i32
    %dma_start3A_790 = tpu.memref_slice %dma_start3A_788[%dma_start3A_789] : memref<1000000xf32, #tpu.memory_space<hbm>> -> memref<1000000xf32, #tpu.memory_space<hbm>>
    tpu.enqueue_indirect_dma source(%dma_start3A_790 : memref<1000000xf32, #tpu.memory_space<hbm>>) target(%dma_start3A_785 : memref<512xf32, #tpu.memory_space<vmem>>) offsets(%arg7 : memref<512xi32, #tpu.memory_space<vmem>>) semaphore(%arg12 : memref<!tpu.dma_semaphore, #tpu.memory_space<semaphore_mem>>)
    %dma_start3A_791 = arith.constant 23 : i32
    %dma_start3A_792 = arith.constant 23 : i32
    %dma_start3A_793 = arith.constant 0 : i32
    %dma_start3A_794 = tpu.memref_slice %arg10[%dma_start3A_792, %dma_start3A_793] : memref<32x512xf32, #tpu.memory_space<vmem>> -> memref<1x512xf32, #tpu.memory_space<vmem>>
    %dma_start3A_795 = tpu.memref_squeeze %dma_start3A_794 : memref<1x512xf32, #tpu.memory_space<vmem>> -> memref<512xf32, #tpu.memory_space<vmem>>
    %dma_start3A_796 = arith.constant 0 : i32
    %dma_start3A_797 = tpu.memref_slice %arg5[%dma_start3A_791, %dma_start3A_796] : memref<32x1000000xf32, #tpu.memory_space<hbm>> -> memref<1x1000000xf32, #tpu.memory_space<hbm>>
    %dma_start3A_798 = tpu.memref_squeeze %dma_start3A_797 : memref<1x1000000xf32, #tpu.memory_space<hbm>> -> memref<1000000xf32, #tpu.memory_space<hbm>>
    %dma_start3A_799 = arith.constant 0 : i32
    %dma_start3A_800 = tpu.memref_slice %dma_start3A_798[%dma_start3A_799] : memref<1000000xf32, #tpu.memory_space<hbm>> -> memref<1000000xf32, #tpu.memory_space<hbm>>
    tpu.enqueue_indirect_dma source(%dma_start3A_800 : memref<1000000xf32, #tpu.memory_space<hbm>>) target(%dma_start3A_795 : memref<512xf32, #tpu.memory_space<vmem>>) offsets(%arg8 : memref<512xi32, #tpu.memory_space<vmem>>) semaphore(%arg12 : memref<!tpu.dma_semaphore, #tpu.memory_space<semaphore_mem>>)
    %dma_wait3A_801 = arith.constant 16 : i32
    %dma_wait3A_802 = arith.constant 16 : i32
    %dma_wait3A_803 = arith.constant 0 : i32
    %dma_wait3A_804 = tpu.memref_slice %arg9[%dma_wait3A_802, %dma_wait3A_803] : memref<32x512xf32, #tpu.memory_space<vmem>> -> memref<1x512xf32, #tpu.memory_space<vmem>>
    %dma_wait3A_805 = tpu.memref_squeeze %dma_wait3A_804 : memref<1x512xf32, #tpu.memory_space<vmem>> -> memref<512xf32, #tpu.memory_space<vmem>>
    %dma_wait3A_806 = arith.constant 0 : i32
    %dma_wait3A_807 = tpu.memref_slice %arg4[%dma_wait3A_801, %dma_wait3A_806] : memref<32x1000000xf32, #tpu.memory_space<hbm>> -> memref<1x1000000xf32, #tpu.memory_space<hbm>>
    %dma_wait3A_808 = tpu.memref_squeeze %dma_wait3A_807 : memref<1x1000000xf32, #tpu.memory_space<hbm>> -> memref<1000000xf32, #tpu.memory_space<hbm>>
    %dma_wait3A_809 = arith.constant 0 : i32
    %dma_wait3A_810 = tpu.memref_slice %dma_wait3A_808[%dma_wait3A_809] : memref<1000000xf32, #tpu.memory_space<hbm>> -> memref<1000000xf32, #tpu.memory_space<hbm>>
    tpu.wait_indirect_dma semaphore(%arg12 : memref<!tpu.dma_semaphore, #tpu.memory_space<semaphore_mem>>) src(%dma_wait3A_810 : memref<1000000xf32, #tpu.memory_space<hbm>>) dst(%dma_wait3A_805 : memref<512xf32, #tpu.memory_space<vmem>>)
    %dma_wait3A_811 = arith.constant 16 : i32
    %dma_wait3A_812 = arith.constant 16 : i32
    %dma_wait3A_813 = arith.constant 0 : i32
    %dma_wait3A_814 = tpu.memref_slice %arg10[%dma_wait3A_812, %dma_wait3A_813] : memref<32x512xf32, #tpu.memory_space<vmem>> -> memref<1x512xf32, #tpu.memory_space<vmem>>
    %dma_wait3A_815 = tpu.memref_squeeze %dma_wait3A_814 : memref<1x512xf32, #tpu.memory_space<vmem>> -> memref<512xf32, #tpu.memory_space<vmem>>
    %dma_wait3A_816 = arith.constant 0 : i32
    %dma_wait3A_817 = tpu.memref_slice %arg5[%dma_wait3A_811, %dma_wait3A_816] : memref<32x1000000xf32, #tpu.memory_space<hbm>> -> memref<1x1000000xf32, #tpu.memory_space<hbm>>
    %dma_wait3A_818 = tpu.memref_squeeze %dma_wait3A_817 : memref<1x1000000xf32, #tpu.memory_space<hbm>> -> memref<1000000xf32, #tpu.memory_space<hbm>>
    %dma_wait3A_819 = arith.constant 0 : i32
    %dma_wait3A_820 = tpu.memref_slice %dma_wait3A_818[%dma_wait3A_819] : memref<1000000xf32, #tpu.memory_space<hbm>> -> memref<1000000xf32, #tpu.memory_space<hbm>>
    tpu.wait_indirect_dma semaphore(%arg12 : memref<!tpu.dma_semaphore, #tpu.memory_space<semaphore_mem>>) src(%dma_wait3A_820 : memref<1000000xf32, #tpu.memory_space<hbm>>) dst(%dma_wait3A_815 : memref<512xf32, #tpu.memory_space<vmem>>)
    %dma_wait3A_821 = arith.constant 17 : i32
    %dma_wait3A_822 = arith.constant 17 : i32
    %dma_wait3A_823 = arith.constant 0 : i32
    %dma_wait3A_824 = tpu.memref_slice %arg9[%dma_wait3A_822, %dma_wait3A_823] : memref<32x512xf32, #tpu.memory_space<vmem>> -> memref<1x512xf32, #tpu.memory_space<vmem>>
    %dma_wait3A_825 = tpu.memref_squeeze %dma_wait3A_824 : memref<1x512xf32, #tpu.memory_space<vmem>> -> memref<512xf32, #tpu.memory_space<vmem>>
    %dma_wait3A_826 = arith.constant 0 : i32
    %dma_wait3A_827 = tpu.memref_slice %arg4[%dma_wait3A_821, %dma_wait3A_826] : memref<32x1000000xf32, #tpu.memory_space<hbm>> -> memref<1x1000000xf32, #tpu.memory_space<hbm>>
    %dma_wait3A_828 = tpu.memref_squeeze %dma_wait3A_827 : memref<1x1000000xf32, #tpu.memory_space<hbm>> -> memref<1000000xf32, #tpu.memory_space<hbm>>
    %dma_wait3A_829 = arith.constant 0 : i32
    %dma_wait3A_830 = tpu.memref_slice %dma_wait3A_828[%dma_wait3A_829] : memref<1000000xf32, #tpu.memory_space<hbm>> -> memref<1000000xf32, #tpu.memory_space<hbm>>
    tpu.wait_indirect_dma semaphore(%arg12 : memref<!tpu.dma_semaphore, #tpu.memory_space<semaphore_mem>>) src(%dma_wait3A_830 : memref<1000000xf32, #tpu.memory_space<hbm>>) dst(%dma_wait3A_825 : memref<512xf32, #tpu.memory_space<vmem>>)
    %dma_wait3A_831 = arith.constant 17 : i32
    %dma_wait3A_832 = arith.constant 17 : i32
    %dma_wait3A_833 = arith.constant 0 : i32
    %dma_wait3A_834 = tpu.memref_slice %arg10[%dma_wait3A_832, %dma_wait3A_833] : memref<32x512xf32, #tpu.memory_space<vmem>> -> memref<1x512xf32, #tpu.memory_space<vmem>>
    %dma_wait3A_835 = tpu.memref_squeeze %dma_wait3A_834 : memref<1x512xf32, #tpu.memory_space<vmem>> -> memref<512xf32, #tpu.memory_space<vmem>>
    %dma_wait3A_836 = arith.constant 0 : i32
    %dma_wait3A_837 = tpu.memref_slice %arg5[%dma_wait3A_831, %dma_wait3A_836] : memref<32x1000000xf32, #tpu.memory_space<hbm>> -> memref<1x1000000xf32, #tpu.memory_space<hbm>>
    %dma_wait3A_838 = tpu.memref_squeeze %dma_wait3A_837 : memref<1x1000000xf32, #tpu.memory_space<hbm>> -> memref<1000000xf32, #tpu.memory_space<hbm>>
    %dma_wait3A_839 = arith.constant 0 : i32
    %dma_wait3A_840 = tpu.memref_slice %dma_wait3A_838[%dma_wait3A_839] : memref<1000000xf32, #tpu.memory_space<hbm>> -> memref<1000000xf32, #tpu.memory_space<hbm>>
    tpu.wait_indirect_dma semaphore(%arg12 : memref<!tpu.dma_semaphore, #tpu.memory_space<semaphore_mem>>) src(%dma_wait3A_840 : memref<1000000xf32, #tpu.memory_space<hbm>>) dst(%dma_wait3A_835 : memref<512xf32, #tpu.memory_space<vmem>>)
    %dma_wait3A_841 = arith.constant 18 : i32
    %dma_wait3A_842 = arith.constant 18 : i32
    %dma_wait3A_843 = arith.constant 0 : i32
    %dma_wait3A_844 = tpu.memref_slice %arg9[%dma_wait3A_842, %dma_wait3A_843] : memref<32x512xf32, #tpu.memory_space<vmem>> -> memref<1x512xf32, #tpu.memory_space<vmem>>
    %dma_wait3A_845 = tpu.memref_squeeze %dma_wait3A_844 : memref<1x512xf32, #tpu.memory_space<vmem>> -> memref<512xf32, #tpu.memory_space<vmem>>
    %dma_wait3A_846 = arith.constant 0 : i32
    %dma_wait3A_847 = tpu.memref_slice %arg4[%dma_wait3A_841, %dma_wait3A_846] : memref<32x1000000xf32, #tpu.memory_space<hbm>> -> memref<1x1000000xf32, #tpu.memory_space<hbm>>
    %dma_wait3A_848 = tpu.memref_squeeze %dma_wait3A_847 : memref<1x1000000xf32, #tpu.memory_space<hbm>> -> memref<1000000xf32, #tpu.memory_space<hbm>>
    %dma_wait3A_849 = arith.constant 0 : i32
    %dma_wait3A_850 = tpu.memref_slice %dma_wait3A_848[%dma_wait3A_849] : memref<1000000xf32, #tpu.memory_space<hbm>> -> memref<1000000xf32, #tpu.memory_space<hbm>>
    tpu.wait_indirect_dma semaphore(%arg12 : memref<!tpu.dma_semaphore, #tpu.memory_space<semaphore_mem>>) src(%dma_wait3A_850 : memref<1000000xf32, #tpu.memory_space<hbm>>) dst(%dma_wait3A_845 : memref<512xf32, #tpu.memory_space<vmem>>)
    %dma_wait3A_851 = arith.constant 18 : i32
    %dma_wait3A_852 = arith.constant 18 : i32
    %dma_wait3A_853 = arith.constant 0 : i32
    %dma_wait3A_854 = tpu.memref_slice %arg10[%dma_wait3A_852, %dma_wait3A_853] : memref<32x512xf32, #tpu.memory_space<vmem>> -> memref<1x512xf32, #tpu.memory_space<vmem>>
    %dma_wait3A_855 = tpu.memref_squeeze %dma_wait3A_854 : memref<1x512xf32, #tpu.memory_space<vmem>> -> memref<512xf32, #tpu.memory_space<vmem>>
    %dma_wait3A_856 = arith.constant 0 : i32
    %dma_wait3A_857 = tpu.memref_slice %arg5[%dma_wait3A_851, %dma_wait3A_856] : memref<32x1000000xf32, #tpu.memory_space<hbm>> -> memref<1x1000000xf32, #tpu.memory_space<hbm>>
    %dma_wait3A_858 = tpu.memref_squeeze %dma_wait3A_857 : memref<1x1000000xf32, #tpu.memory_space<hbm>> -> memref<1000000xf32, #tpu.memory_space<hbm>>
    %dma_wait3A_859 = arith.constant 0 : i32
    %dma_wait3A_860 = tpu.memref_slice %dma_wait3A_858[%dma_wait3A_859] : memref<1000000xf32, #tpu.memory_space<hbm>> -> memref<1000000xf32, #tpu.memory_space<hbm>>
    tpu.wait_indirect_dma semaphore(%arg12 : memref<!tpu.dma_semaphore, #tpu.memory_space<semaphore_mem>>) src(%dma_wait3A_860 : memref<1000000xf32, #tpu.memory_space<hbm>>) dst(%dma_wait3A_855 : memref<512xf32, #tpu.memory_space<vmem>>)
    %dma_wait3A_861 = arith.constant 19 : i32
    %dma_wait3A_862 = arith.constant 19 : i32
    %dma_wait3A_863 = arith.constant 0 : i32
    %dma_wait3A_864 = tpu.memref_slice %arg9[%dma_wait3A_862, %dma_wait3A_863] : memref<32x512xf32, #tpu.memory_space<vmem>> -> memref<1x512xf32, #tpu.memory_space<vmem>>
    %dma_wait3A_865 = tpu.memref_squeeze %dma_wait3A_864 : memref<1x512xf32, #tpu.memory_space<vmem>> -> memref<512xf32, #tpu.memory_space<vmem>>
    %dma_wait3A_866 = arith.constant 0 : i32
    %dma_wait3A_867 = tpu.memref_slice %arg4[%dma_wait3A_861, %dma_wait3A_866] : memref<32x1000000xf32, #tpu.memory_space<hbm>> -> memref<1x1000000xf32, #tpu.memory_space<hbm>>
    %dma_wait3A_868 = tpu.memref_squeeze %dma_wait3A_867 : memref<1x1000000xf32, #tpu.memory_space<hbm>> -> memref<1000000xf32, #tpu.memory_space<hbm>>
    %dma_wait3A_869 = arith.constant 0 : i32
    %dma_wait3A_870 = tpu.memref_slice %dma_wait3A_868[%dma_wait3A_869] : memref<1000000xf32, #tpu.memory_space<hbm>> -> memref<1000000xf32, #tpu.memory_space<hbm>>
    tpu.wait_indirect_dma semaphore(%arg12 : memref<!tpu.dma_semaphore, #tpu.memory_space<semaphore_mem>>) src(%dma_wait3A_870 : memref<1000000xf32, #tpu.memory_space<hbm>>) dst(%dma_wait3A_865 : memref<512xf32, #tpu.memory_space<vmem>>)
    %dma_wait3A_871 = arith.constant 19 : i32
    %dma_wait3A_872 = arith.constant 19 : i32
    %dma_wait3A_873 = arith.constant 0 : i32
    %dma_wait3A_874 = tpu.memref_slice %arg10[%dma_wait3A_872, %dma_wait3A_873] : memref<32x512xf32, #tpu.memory_space<vmem>> -> memref<1x512xf32, #tpu.memory_space<vmem>>
    %dma_wait3A_875 = tpu.memref_squeeze %dma_wait3A_874 : memref<1x512xf32, #tpu.memory_space<vmem>> -> memref<512xf32, #tpu.memory_space<vmem>>
    %dma_wait3A_876 = arith.constant 0 : i32
    %dma_wait3A_877 = tpu.memref_slice %arg5[%dma_wait3A_871, %dma_wait3A_876] : memref<32x1000000xf32, #tpu.memory_space<hbm>> -> memref<1x1000000xf32, #tpu.memory_space<hbm>>
    %dma_wait3A_878 = tpu.memref_squeeze %dma_wait3A_877 : memref<1x1000000xf32, #tpu.memory_space<hbm>> -> memref<1000000xf32, #tpu.memory_space<hbm>>
    %dma_wait3A_879 = arith.constant 0 : i32
    %dma_wait3A_880 = tpu.memref_slice %dma_wait3A_878[%dma_wait3A_879] : memref<1000000xf32, #tpu.memory_space<hbm>> -> memref<1000000xf32, #tpu.memory_space<hbm>>
    tpu.wait_indirect_dma semaphore(%arg12 : memref<!tpu.dma_semaphore, #tpu.memory_space<semaphore_mem>>) src(%dma_wait3A_880 : memref<1000000xf32, #tpu.memory_space<hbm>>) dst(%dma_wait3A_875 : memref<512xf32, #tpu.memory_space<vmem>>)
    %dma_wait3A_881 = arith.constant 20 : i32
    %dma_wait3A_882 = arith.constant 20 : i32
    %dma_wait3A_883 = arith.constant 0 : i32
    %dma_wait3A_884 = tpu.memref_slice %arg9[%dma_wait3A_882, %dma_wait3A_883] : memref<32x512xf32, #tpu.memory_space<vmem>> -> memref<1x512xf32, #tpu.memory_space<vmem>>
    %dma_wait3A_885 = tpu.memref_squeeze %dma_wait3A_884 : memref<1x512xf32, #tpu.memory_space<vmem>> -> memref<512xf32, #tpu.memory_space<vmem>>
    %dma_wait3A_886 = arith.constant 0 : i32
    %dma_wait3A_887 = tpu.memref_slice %arg4[%dma_wait3A_881, %dma_wait3A_886] : memref<32x1000000xf32, #tpu.memory_space<hbm>> -> memref<1x1000000xf32, #tpu.memory_space<hbm>>
    %dma_wait3A_888 = tpu.memref_squeeze %dma_wait3A_887 : memref<1x1000000xf32, #tpu.memory_space<hbm>> -> memref<1000000xf32, #tpu.memory_space<hbm>>
    %dma_wait3A_889 = arith.constant 0 : i32
    %dma_wait3A_890 = tpu.memref_slice %dma_wait3A_888[%dma_wait3A_889] : memref<1000000xf32, #tpu.memory_space<hbm>> -> memref<1000000xf32, #tpu.memory_space<hbm>>
    tpu.wait_indirect_dma semaphore(%arg12 : memref<!tpu.dma_semaphore, #tpu.memory_space<semaphore_mem>>) src(%dma_wait3A_890 : memref<1000000xf32, #tpu.memory_space<hbm>>) dst(%dma_wait3A_885 : memref<512xf32, #tpu.memory_space<vmem>>)
    %dma_wait3A_891 = arith.constant 20 : i32
    %dma_wait3A_892 = arith.constant 20 : i32
    %dma_wait3A_893 = arith.constant 0 : i32
    %dma_wait3A_894 = tpu.memref_slice %arg10[%dma_wait3A_892, %dma_wait3A_893] : memref<32x512xf32, #tpu.memory_space<vmem>> -> memref<1x512xf32, #tpu.memory_space<vmem>>
    %dma_wait3A_895 = tpu.memref_squeeze %dma_wait3A_894 : memref<1x512xf32, #tpu.memory_space<vmem>> -> memref<512xf32, #tpu.memory_space<vmem>>
    %dma_wait3A_896 = arith.constant 0 : i32
    %dma_wait3A_897 = tpu.memref_slice %arg5[%dma_wait3A_891, %dma_wait3A_896] : memref<32x1000000xf32, #tpu.memory_space<hbm>> -> memref<1x1000000xf32, #tpu.memory_space<hbm>>
    %dma_wait3A_898 = tpu.memref_squeeze %dma_wait3A_897 : memref<1x1000000xf32, #tpu.memory_space<hbm>> -> memref<1000000xf32, #tpu.memory_space<hbm>>
    %dma_wait3A_899 = arith.constant 0 : i32
    %dma_wait3A_900 = tpu.memref_slice %dma_wait3A_898[%dma_wait3A_899] : memref<1000000xf32, #tpu.memory_space<hbm>> -> memref<1000000xf32, #tpu.memory_space<hbm>>
    tpu.wait_indirect_dma semaphore(%arg12 : memref<!tpu.dma_semaphore, #tpu.memory_space<semaphore_mem>>) src(%dma_wait3A_900 : memref<1000000xf32, #tpu.memory_space<hbm>>) dst(%dma_wait3A_895 : memref<512xf32, #tpu.memory_space<vmem>>)
    %dma_wait3A_901 = arith.constant 21 : i32
    %dma_wait3A_902 = arith.constant 21 : i32
    %dma_wait3A_903 = arith.constant 0 : i32
    %dma_wait3A_904 = tpu.memref_slice %arg9[%dma_wait3A_902, %dma_wait3A_903] : memref<32x512xf32, #tpu.memory_space<vmem>> -> memref<1x512xf32, #tpu.memory_space<vmem>>
    %dma_wait3A_905 = tpu.memref_squeeze %dma_wait3A_904 : memref<1x512xf32, #tpu.memory_space<vmem>> -> memref<512xf32, #tpu.memory_space<vmem>>
    %dma_wait3A_906 = arith.constant 0 : i32
    %dma_wait3A_907 = tpu.memref_slice %arg4[%dma_wait3A_901, %dma_wait3A_906] : memref<32x1000000xf32, #tpu.memory_space<hbm>> -> memref<1x1000000xf32, #tpu.memory_space<hbm>>
    %dma_wait3A_908 = tpu.memref_squeeze %dma_wait3A_907 : memref<1x1000000xf32, #tpu.memory_space<hbm>> -> memref<1000000xf32, #tpu.memory_space<hbm>>
    %dma_wait3A_909 = arith.constant 0 : i32
    %dma_wait3A_910 = tpu.memref_slice %dma_wait3A_908[%dma_wait3A_909] : memref<1000000xf32, #tpu.memory_space<hbm>> -> memref<1000000xf32, #tpu.memory_space<hbm>>
    tpu.wait_indirect_dma semaphore(%arg12 : memref<!tpu.dma_semaphore, #tpu.memory_space<semaphore_mem>>) src(%dma_wait3A_910 : memref<1000000xf32, #tpu.memory_space<hbm>>) dst(%dma_wait3A_905 : memref<512xf32, #tpu.memory_space<vmem>>)
    %dma_wait3A_911 = arith.constant 21 : i32
    %dma_wait3A_912 = arith.constant 21 : i32
    %dma_wait3A_913 = arith.constant 0 : i32
    %dma_wait3A_914 = tpu.memref_slice %arg10[%dma_wait3A_912, %dma_wait3A_913] : memref<32x512xf32, #tpu.memory_space<vmem>> -> memref<1x512xf32, #tpu.memory_space<vmem>>
    %dma_wait3A_915 = tpu.memref_squeeze %dma_wait3A_914 : memref<1x512xf32, #tpu.memory_space<vmem>> -> memref<512xf32, #tpu.memory_space<vmem>>
    %dma_wait3A_916 = arith.constant 0 : i32
    %dma_wait3A_917 = tpu.memref_slice %arg5[%dma_wait3A_911, %dma_wait3A_916] : memref<32x1000000xf32, #tpu.memory_space<hbm>> -> memref<1x1000000xf32, #tpu.memory_space<hbm>>
    %dma_wait3A_918 = tpu.memref_squeeze %dma_wait3A_917 : memref<1x1000000xf32, #tpu.memory_space<hbm>> -> memref<1000000xf32, #tpu.memory_space<hbm>>
    %dma_wait3A_919 = arith.constant 0 : i32
    %dma_wait3A_920 = tpu.memref_slice %dma_wait3A_918[%dma_wait3A_919] : memref<1000000xf32, #tpu.memory_space<hbm>> -> memref<1000000xf32, #tpu.memory_space<hbm>>
    tpu.wait_indirect_dma semaphore(%arg12 : memref<!tpu.dma_semaphore, #tpu.memory_space<semaphore_mem>>) src(%dma_wait3A_920 : memref<1000000xf32, #tpu.memory_space<hbm>>) dst(%dma_wait3A_915 : memref<512xf32, #tpu.memory_space<vmem>>)
    %dma_wait3A_921 = arith.constant 22 : i32
    %dma_wait3A_922 = arith.constant 22 : i32
    %dma_wait3A_923 = arith.constant 0 : i32
    %dma_wait3A_924 = tpu.memref_slice %arg9[%dma_wait3A_922, %dma_wait3A_923] : memref<32x512xf32, #tpu.memory_space<vmem>> -> memref<1x512xf32, #tpu.memory_space<vmem>>
    %dma_wait3A_925 = tpu.memref_squeeze %dma_wait3A_924 : memref<1x512xf32, #tpu.memory_space<vmem>> -> memref<512xf32, #tpu.memory_space<vmem>>
    %dma_wait3A_926 = arith.constant 0 : i32
    %dma_wait3A_927 = tpu.memref_slice %arg4[%dma_wait3A_921, %dma_wait3A_926] : memref<32x1000000xf32, #tpu.memory_space<hbm>> -> memref<1x1000000xf32, #tpu.memory_space<hbm>>
    %dma_wait3A_928 = tpu.memref_squeeze %dma_wait3A_927 : memref<1x1000000xf32, #tpu.memory_space<hbm>> -> memref<1000000xf32, #tpu.memory_space<hbm>>
    %dma_wait3A_929 = arith.constant 0 : i32
    %dma_wait3A_930 = tpu.memref_slice %dma_wait3A_928[%dma_wait3A_929] : memref<1000000xf32, #tpu.memory_space<hbm>> -> memref<1000000xf32, #tpu.memory_space<hbm>>
    tpu.wait_indirect_dma semaphore(%arg12 : memref<!tpu.dma_semaphore, #tpu.memory_space<semaphore_mem>>) src(%dma_wait3A_930 : memref<1000000xf32, #tpu.memory_space<hbm>>) dst(%dma_wait3A_925 : memref<512xf32, #tpu.memory_space<vmem>>)
    %dma_wait3A_931 = arith.constant 22 : i32
    %dma_wait3A_932 = arith.constant 22 : i32
    %dma_wait3A_933 = arith.constant 0 : i32
    %dma_wait3A_934 = tpu.memref_slice %arg10[%dma_wait3A_932, %dma_wait3A_933] : memref<32x512xf32, #tpu.memory_space<vmem>> -> memref<1x512xf32, #tpu.memory_space<vmem>>
    %dma_wait3A_935 = tpu.memref_squeeze %dma_wait3A_934 : memref<1x512xf32, #tpu.memory_space<vmem>> -> memref<512xf32, #tpu.memory_space<vmem>>
    %dma_wait3A_936 = arith.constant 0 : i32
    %dma_wait3A_937 = tpu.memref_slice %arg5[%dma_wait3A_931, %dma_wait3A_936] : memref<32x1000000xf32, #tpu.memory_space<hbm>> -> memref<1x1000000xf32, #tpu.memory_space<hbm>>
    %dma_wait3A_938 = tpu.memref_squeeze %dma_wait3A_937 : memref<1x1000000xf32, #tpu.memory_space<hbm>> -> memref<1000000xf32, #tpu.memory_space<hbm>>
    %dma_wait3A_939 = arith.constant 0 : i32
    %dma_wait3A_940 = tpu.memref_slice %dma_wait3A_938[%dma_wait3A_939] : memref<1000000xf32, #tpu.memory_space<hbm>> -> memref<1000000xf32, #tpu.memory_space<hbm>>
    tpu.wait_indirect_dma semaphore(%arg12 : memref<!tpu.dma_semaphore, #tpu.memory_space<semaphore_mem>>) src(%dma_wait3A_940 : memref<1000000xf32, #tpu.memory_space<hbm>>) dst(%dma_wait3A_935 : memref<512xf32, #tpu.memory_space<vmem>>)
    %dma_wait3A_941 = arith.constant 23 : i32
    %dma_wait3A_942 = arith.constant 23 : i32
    %dma_wait3A_943 = arith.constant 0 : i32
    %dma_wait3A_944 = tpu.memref_slice %arg9[%dma_wait3A_942, %dma_wait3A_943] : memref<32x512xf32, #tpu.memory_space<vmem>> -> memref<1x512xf32, #tpu.memory_space<vmem>>
    %dma_wait3A_945 = tpu.memref_squeeze %dma_wait3A_944 : memref<1x512xf32, #tpu.memory_space<vmem>> -> memref<512xf32, #tpu.memory_space<vmem>>
    %dma_wait3A_946 = arith.constant 0 : i32
    %dma_wait3A_947 = tpu.memref_slice %arg4[%dma_wait3A_941, %dma_wait3A_946] : memref<32x1000000xf32, #tpu.memory_space<hbm>> -> memref<1x1000000xf32, #tpu.memory_space<hbm>>
    %dma_wait3A_948 = tpu.memref_squeeze %dma_wait3A_947 : memref<1x1000000xf32, #tpu.memory_space<hbm>> -> memref<1000000xf32, #tpu.memory_space<hbm>>
    %dma_wait3A_949 = arith.constant 0 : i32
    %dma_wait3A_950 = tpu.memref_slice %dma_wait3A_948[%dma_wait3A_949] : memref<1000000xf32, #tpu.memory_space<hbm>> -> memref<1000000xf32, #tpu.memory_space<hbm>>
    tpu.wait_indirect_dma semaphore(%arg12 : memref<!tpu.dma_semaphore, #tpu.memory_space<semaphore_mem>>) src(%dma_wait3A_950 : memref<1000000xf32, #tpu.memory_space<hbm>>) dst(%dma_wait3A_945 : memref<512xf32, #tpu.memory_space<vmem>>)
    %dma_wait3A_951 = arith.constant 23 : i32
    %dma_wait3A_952 = arith.constant 23 : i32
    %dma_wait3A_953 = arith.constant 0 : i32
    %dma_wait3A_954 = tpu.memref_slice %arg10[%dma_wait3A_952, %dma_wait3A_953] : memref<32x512xf32, #tpu.memory_space<vmem>> -> memref<1x512xf32, #tpu.memory_space<vmem>>
    %dma_wait3A_955 = tpu.memref_squeeze %dma_wait3A_954 : memref<1x512xf32, #tpu.memory_space<vmem>> -> memref<512xf32, #tpu.memory_space<vmem>>
    %dma_wait3A_956 = arith.constant 0 : i32
    %dma_wait3A_957 = tpu.memref_slice %arg5[%dma_wait3A_951, %dma_wait3A_956] : memref<32x1000000xf32, #tpu.memory_space<hbm>> -> memref<1x1000000xf32, #tpu.memory_space<hbm>>
    %dma_wait3A_958 = tpu.memref_squeeze %dma_wait3A_957 : memref<1x1000000xf32, #tpu.memory_space<hbm>> -> memref<1000000xf32, #tpu.memory_space<hbm>>
    %dma_wait3A_959 = arith.constant 0 : i32
    %dma_wait3A_960 = tpu.memref_slice %dma_wait3A_958[%dma_wait3A_959] : memref<1000000xf32, #tpu.memory_space<hbm>> -> memref<1000000xf32, #tpu.memory_space<hbm>>
    tpu.wait_indirect_dma semaphore(%arg12 : memref<!tpu.dma_semaphore, #tpu.memory_space<semaphore_mem>>) src(%dma_wait3A_960 : memref<1000000xf32, #tpu.memory_space<hbm>>) dst(%dma_wait3A_955 : memref<512xf32, #tpu.memory_space<vmem>>)
    %dma_start3A_961 = arith.constant 24 : i32
    %dma_start3A_962 = arith.constant 24 : i32
    %dma_start3A_963 = arith.constant 0 : i32
    %dma_start3A_964 = tpu.memref_slice %arg9[%dma_start3A_962, %dma_start3A_963] : memref<32x512xf32, #tpu.memory_space<vmem>> -> memref<1x512xf32, #tpu.memory_space<vmem>>
    %dma_start3A_965 = tpu.memref_squeeze %dma_start3A_964 : memref<1x512xf32, #tpu.memory_space<vmem>> -> memref<512xf32, #tpu.memory_space<vmem>>
    %dma_start3A_966 = arith.constant 0 : i32
    %dma_start3A_967 = tpu.memref_slice %arg4[%dma_start3A_961, %dma_start3A_966] : memref<32x1000000xf32, #tpu.memory_space<hbm>> -> memref<1x1000000xf32, #tpu.memory_space<hbm>>
    %dma_start3A_968 = tpu.memref_squeeze %dma_start3A_967 : memref<1x1000000xf32, #tpu.memory_space<hbm>> -> memref<1000000xf32, #tpu.memory_space<hbm>>
    %dma_start3A_969 = arith.constant 0 : i32
    %dma_start3A_970 = tpu.memref_slice %dma_start3A_968[%dma_start3A_969] : memref<1000000xf32, #tpu.memory_space<hbm>> -> memref<1000000xf32, #tpu.memory_space<hbm>>
    tpu.enqueue_indirect_dma source(%dma_start3A_970 : memref<1000000xf32, #tpu.memory_space<hbm>>) target(%dma_start3A_965 : memref<512xf32, #tpu.memory_space<vmem>>) offsets(%arg7 : memref<512xi32, #tpu.memory_space<vmem>>) semaphore(%arg12 : memref<!tpu.dma_semaphore, #tpu.memory_space<semaphore_mem>>)
    %dma_start3A_971 = arith.constant 24 : i32
    %dma_start3A_972 = arith.constant 24 : i32
    %dma_start3A_973 = arith.constant 0 : i32
    %dma_start3A_974 = tpu.memref_slice %arg10[%dma_start3A_972, %dma_start3A_973] : memref<32x512xf32, #tpu.memory_space<vmem>> -> memref<1x512xf32, #tpu.memory_space<vmem>>
    %dma_start3A_975 = tpu.memref_squeeze %dma_start3A_974 : memref<1x512xf32, #tpu.memory_space<vmem>> -> memref<512xf32, #tpu.memory_space<vmem>>
    %dma_start3A_976 = arith.constant 0 : i32
    %dma_start3A_977 = tpu.memref_slice %arg5[%dma_start3A_971, %dma_start3A_976] : memref<32x1000000xf32, #tpu.memory_space<hbm>> -> memref<1x1000000xf32, #tpu.memory_space<hbm>>
    %dma_start3A_978 = tpu.memref_squeeze %dma_start3A_977 : memref<1x1000000xf32, #tpu.memory_space<hbm>> -> memref<1000000xf32, #tpu.memory_space<hbm>>
    %dma_start3A_979 = arith.constant 0 : i32
    %dma_start3A_980 = tpu.memref_slice %dma_start3A_978[%dma_start3A_979] : memref<1000000xf32, #tpu.memory_space<hbm>> -> memref<1000000xf32, #tpu.memory_space<hbm>>
    tpu.enqueue_indirect_dma source(%dma_start3A_980 : memref<1000000xf32, #tpu.memory_space<hbm>>) target(%dma_start3A_975 : memref<512xf32, #tpu.memory_space<vmem>>) offsets(%arg8 : memref<512xi32, #tpu.memory_space<vmem>>) semaphore(%arg12 : memref<!tpu.dma_semaphore, #tpu.memory_space<semaphore_mem>>)
    %dma_start3A_981 = arith.constant 25 : i32
    %dma_start3A_982 = arith.constant 25 : i32
    %dma_start3A_983 = arith.constant 0 : i32
    %dma_start3A_984 = tpu.memref_slice %arg9[%dma_start3A_982, %dma_start3A_983] : memref<32x512xf32, #tpu.memory_space<vmem>> -> memref<1x512xf32, #tpu.memory_space<vmem>>
    %dma_start3A_985 = tpu.memref_squeeze %dma_start3A_984 : memref<1x512xf32, #tpu.memory_space<vmem>> -> memref<512xf32, #tpu.memory_space<vmem>>
    %dma_start3A_986 = arith.constant 0 : i32
    %dma_start3A_987 = tpu.memref_slice %arg4[%dma_start3A_981, %dma_start3A_986] : memref<32x1000000xf32, #tpu.memory_space<hbm>> -> memref<1x1000000xf32, #tpu.memory_space<hbm>>
    %dma_start3A_988 = tpu.memref_squeeze %dma_start3A_987 : memref<1x1000000xf32, #tpu.memory_space<hbm>> -> memref<1000000xf32, #tpu.memory_space<hbm>>
    %dma_start3A_989 = arith.constant 0 : i32
    %dma_start3A_990 = tpu.memref_slice %dma_start3A_988[%dma_start3A_989] : memref<1000000xf32, #tpu.memory_space<hbm>> -> memref<1000000xf32, #tpu.memory_space<hbm>>
    tpu.enqueue_indirect_dma source(%dma_start3A_990 : memref<1000000xf32, #tpu.memory_space<hbm>>) target(%dma_start3A_985 : memref<512xf32, #tpu.memory_space<vmem>>) offsets(%arg7 : memref<512xi32, #tpu.memory_space<vmem>>) semaphore(%arg12 : memref<!tpu.dma_semaphore, #tpu.memory_space<semaphore_mem>>)
    %dma_start3A_991 = arith.constant 25 : i32
    %dma_start3A_992 = arith.constant 25 : i32
    %dma_start3A_993 = arith.constant 0 : i32
    %dma_start3A_994 = tpu.memref_slice %arg10[%dma_start3A_992, %dma_start3A_993] : memref<32x512xf32, #tpu.memory_space<vmem>> -> memref<1x512xf32, #tpu.memory_space<vmem>>
    %dma_start3A_995 = tpu.memref_squeeze %dma_start3A_994 : memref<1x512xf32, #tpu.memory_space<vmem>> -> memref<512xf32, #tpu.memory_space<vmem>>
    %dma_start3A_996 = arith.constant 0 : i32
    %dma_start3A_997 = tpu.memref_slice %arg5[%dma_start3A_991, %dma_start3A_996] : memref<32x1000000xf32, #tpu.memory_space<hbm>> -> memref<1x1000000xf32, #tpu.memory_space<hbm>>
    %dma_start3A_998 = tpu.memref_squeeze %dma_start3A_997 : memref<1x1000000xf32, #tpu.memory_space<hbm>> -> memref<1000000xf32, #tpu.memory_space<hbm>>
    %dma_start3A_999 = arith.constant 0 : i32
    %dma_start3A_1000 = tpu.memref_slice %dma_start3A_998[%dma_start3A_999] : memref<1000000xf32, #tpu.memory_space<hbm>> -> memref<1000000xf32, #tpu.memory_space<hbm>>
    tpu.enqueue_indirect_dma source(%dma_start3A_1000 : memref<1000000xf32, #tpu.memory_space<hbm>>) target(%dma_start3A_995 : memref<512xf32, #tpu.memory_space<vmem>>) offsets(%arg8 : memref<512xi32, #tpu.memory_space<vmem>>) semaphore(%arg12 : memref<!tpu.dma_semaphore, #tpu.memory_space<semaphore_mem>>)
    %dma_start3A_1001 = arith.constant 26 : i32
    %dma_start3A_1002 = arith.constant 26 : i32
    %dma_start3A_1003 = arith.constant 0 : i32
    %dma_start3A_1004 = tpu.memref_slice %arg9[%dma_start3A_1002, %dma_start3A_1003] : memref<32x512xf32, #tpu.memory_space<vmem>> -> memref<1x512xf32, #tpu.memory_space<vmem>>
    %dma_start3A_1005 = tpu.memref_squeeze %dma_start3A_1004 : memref<1x512xf32, #tpu.memory_space<vmem>> -> memref<512xf32, #tpu.memory_space<vmem>>
    %dma_start3A_1006 = arith.constant 0 : i32
    %dma_start3A_1007 = tpu.memref_slice %arg4[%dma_start3A_1001, %dma_start3A_1006] : memref<32x1000000xf32, #tpu.memory_space<hbm>> -> memref<1x1000000xf32, #tpu.memory_space<hbm>>
    %dma_start3A_1008 = tpu.memref_squeeze %dma_start3A_1007 : memref<1x1000000xf32, #tpu.memory_space<hbm>> -> memref<1000000xf32, #tpu.memory_space<hbm>>
    %dma_start3A_1009 = arith.constant 0 : i32
    %dma_start3A_1010 = tpu.memref_slice %dma_start3A_1008[%dma_start3A_1009] : memref<1000000xf32, #tpu.memory_space<hbm>> -> memref<1000000xf32, #tpu.memory_space<hbm>>
    tpu.enqueue_indirect_dma source(%dma_start3A_1010 : memref<1000000xf32, #tpu.memory_space<hbm>>) target(%dma_start3A_1005 : memref<512xf32, #tpu.memory_space<vmem>>) offsets(%arg7 : memref<512xi32, #tpu.memory_space<vmem>>) semaphore(%arg12 : memref<!tpu.dma_semaphore, #tpu.memory_space<semaphore_mem>>)
    %dma_start3A_1011 = arith.constant 26 : i32
    %dma_start3A_1012 = arith.constant 26 : i32
    %dma_start3A_1013 = arith.constant 0 : i32
    %dma_start3A_1014 = tpu.memref_slice %arg10[%dma_start3A_1012, %dma_start3A_1013] : memref<32x512xf32, #tpu.memory_space<vmem>> -> memref<1x512xf32, #tpu.memory_space<vmem>>
    %dma_start3A_1015 = tpu.memref_squeeze %dma_start3A_1014 : memref<1x512xf32, #tpu.memory_space<vmem>> -> memref<512xf32, #tpu.memory_space<vmem>>
    %dma_start3A_1016 = arith.constant 0 : i32
    %dma_start3A_1017 = tpu.memref_slice %arg5[%dma_start3A_1011, %dma_start3A_1016] : memref<32x1000000xf32, #tpu.memory_space<hbm>> -> memref<1x1000000xf32, #tpu.memory_space<hbm>>
    %dma_start3A_1018 = tpu.memref_squeeze %dma_start3A_1017 : memref<1x1000000xf32, #tpu.memory_space<hbm>> -> memref<1000000xf32, #tpu.memory_space<hbm>>
    %dma_start3A_1019 = arith.constant 0 : i32
    %dma_start3A_1020 = tpu.memref_slice %dma_start3A_1018[%dma_start3A_1019] : memref<1000000xf32, #tpu.memory_space<hbm>> -> memref<1000000xf32, #tpu.memory_space<hbm>>
    tpu.enqueue_indirect_dma source(%dma_start3A_1020 : memref<1000000xf32, #tpu.memory_space<hbm>>) target(%dma_start3A_1015 : memref<512xf32, #tpu.memory_space<vmem>>) offsets(%arg8 : memref<512xi32, #tpu.memory_space<vmem>>) semaphore(%arg12 : memref<!tpu.dma_semaphore, #tpu.memory_space<semaphore_mem>>)
    %dma_start3A_1021 = arith.constant 27 : i32
    %dma_start3A_1022 = arith.constant 27 : i32
    %dma_start3A_1023 = arith.constant 0 : i32
    %dma_start3A_1024 = tpu.memref_slice %arg9[%dma_start3A_1022, %dma_start3A_1023] : memref<32x512xf32, #tpu.memory_space<vmem>> -> memref<1x512xf32, #tpu.memory_space<vmem>>
    %dma_start3A_1025 = tpu.memref_squeeze %dma_start3A_1024 : memref<1x512xf32, #tpu.memory_space<vmem>> -> memref<512xf32, #tpu.memory_space<vmem>>
    %dma_start3A_1026 = arith.constant 0 : i32
    %dma_start3A_1027 = tpu.memref_slice %arg4[%dma_start3A_1021, %dma_start3A_1026] : memref<32x1000000xf32, #tpu.memory_space<hbm>> -> memref<1x1000000xf32, #tpu.memory_space<hbm>>
    %dma_start3A_1028 = tpu.memref_squeeze %dma_start3A_1027 : memref<1x1000000xf32, #tpu.memory_space<hbm>> -> memref<1000000xf32, #tpu.memory_space<hbm>>
    %dma_start3A_1029 = arith.constant 0 : i32
    %dma_start3A_1030 = tpu.memref_slice %dma_start3A_1028[%dma_start3A_1029] : memref<1000000xf32, #tpu.memory_space<hbm>> -> memref<1000000xf32, #tpu.memory_space<hbm>>
    tpu.enqueue_indirect_dma source(%dma_start3A_1030 : memref<1000000xf32, #tpu.memory_space<hbm>>) target(%dma_start3A_1025 : memref<512xf32, #tpu.memory_space<vmem>>) offsets(%arg7 : memref<512xi32, #tpu.memory_space<vmem>>) semaphore(%arg12 : memref<!tpu.dma_semaphore, #tpu.memory_space<semaphore_mem>>)
    %dma_start3A_1031 = arith.constant 27 : i32
    %dma_start3A_1032 = arith.constant 27 : i32
    %dma_start3A_1033 = arith.constant 0 : i32
    %dma_start3A_1034 = tpu.memref_slice %arg10[%dma_start3A_1032, %dma_start3A_1033] : memref<32x512xf32, #tpu.memory_space<vmem>> -> memref<1x512xf32, #tpu.memory_space<vmem>>
    %dma_start3A_1035 = tpu.memref_squeeze %dma_start3A_1034 : memref<1x512xf32, #tpu.memory_space<vmem>> -> memref<512xf32, #tpu.memory_space<vmem>>
    %dma_start3A_1036 = arith.constant 0 : i32
    %dma_start3A_1037 = tpu.memref_slice %arg5[%dma_start3A_1031, %dma_start3A_1036] : memref<32x1000000xf32, #tpu.memory_space<hbm>> -> memref<1x1000000xf32, #tpu.memory_space<hbm>>
    %dma_start3A_1038 = tpu.memref_squeeze %dma_start3A_1037 : memref<1x1000000xf32, #tpu.memory_space<hbm>> -> memref<1000000xf32, #tpu.memory_space<hbm>>
    %dma_start3A_1039 = arith.constant 0 : i32
    %dma_start3A_1040 = tpu.memref_slice %dma_start3A_1038[%dma_start3A_1039] : memref<1000000xf32, #tpu.memory_space<hbm>> -> memref<1000000xf32, #tpu.memory_space<hbm>>
    tpu.enqueue_indirect_dma source(%dma_start3A_1040 : memref<1000000xf32, #tpu.memory_space<hbm>>) target(%dma_start3A_1035 : memref<512xf32, #tpu.memory_space<vmem>>) offsets(%arg8 : memref<512xi32, #tpu.memory_space<vmem>>) semaphore(%arg12 : memref<!tpu.dma_semaphore, #tpu.memory_space<semaphore_mem>>)
    %dma_start3A_1041 = arith.constant 28 : i32
    %dma_start3A_1042 = arith.constant 28 : i32
    %dma_start3A_1043 = arith.constant 0 : i32
    %dma_start3A_1044 = tpu.memref_slice %arg9[%dma_start3A_1042, %dma_start3A_1043] : memref<32x512xf32, #tpu.memory_space<vmem>> -> memref<1x512xf32, #tpu.memory_space<vmem>>
    %dma_start3A_1045 = tpu.memref_squeeze %dma_start3A_1044 : memref<1x512xf32, #tpu.memory_space<vmem>> -> memref<512xf32, #tpu.memory_space<vmem>>
    %dma_start3A_1046 = arith.constant 0 : i32
    %dma_start3A_1047 = tpu.memref_slice %arg4[%dma_start3A_1041, %dma_start3A_1046] : memref<32x1000000xf32, #tpu.memory_space<hbm>> -> memref<1x1000000xf32, #tpu.memory_space<hbm>>
    %dma_start3A_1048 = tpu.memref_squeeze %dma_start3A_1047 : memref<1x1000000xf32, #tpu.memory_space<hbm>> -> memref<1000000xf32, #tpu.memory_space<hbm>>
    %dma_start3A_1049 = arith.constant 0 : i32
    %dma_start3A_1050 = tpu.memref_slice %dma_start3A_1048[%dma_start3A_1049] : memref<1000000xf32, #tpu.memory_space<hbm>> -> memref<1000000xf32, #tpu.memory_space<hbm>>
    tpu.enqueue_indirect_dma source(%dma_start3A_1050 : memref<1000000xf32, #tpu.memory_space<hbm>>) target(%dma_start3A_1045 : memref<512xf32, #tpu.memory_space<vmem>>) offsets(%arg7 : memref<512xi32, #tpu.memory_space<vmem>>) semaphore(%arg12 : memref<!tpu.dma_semaphore, #tpu.memory_space<semaphore_mem>>)
    %dma_start3A_1051 = arith.constant 28 : i32
    %dma_start3A_1052 = arith.constant 28 : i32
    %dma_start3A_1053 = arith.constant 0 : i32
    %dma_start3A_1054 = tpu.memref_slice %arg10[%dma_start3A_1052, %dma_start3A_1053] : memref<32x512xf32, #tpu.memory_space<vmem>> -> memref<1x512xf32, #tpu.memory_space<vmem>>
    %dma_start3A_1055 = tpu.memref_squeeze %dma_start3A_1054 : memref<1x512xf32, #tpu.memory_space<vmem>> -> memref<512xf32, #tpu.memory_space<vmem>>
    %dma_start3A_1056 = arith.constant 0 : i32
    %dma_start3A_1057 = tpu.memref_slice %arg5[%dma_start3A_1051, %dma_start3A_1056] : memref<32x1000000xf32, #tpu.memory_space<hbm>> -> memref<1x1000000xf32, #tpu.memory_space<hbm>>
    %dma_start3A_1058 = tpu.memref_squeeze %dma_start3A_1057 : memref<1x1000000xf32, #tpu.memory_space<hbm>> -> memref<1000000xf32, #tpu.memory_space<hbm>>
    %dma_start3A_1059 = arith.constant 0 : i32
    %dma_start3A_1060 = tpu.memref_slice %dma_start3A_1058[%dma_start3A_1059] : memref<1000000xf32, #tpu.memory_space<hbm>> -> memref<1000000xf32, #tpu.memory_space<hbm>>
    tpu.enqueue_indirect_dma source(%dma_start3A_1060 : memref<1000000xf32, #tpu.memory_space<hbm>>) target(%dma_start3A_1055 : memref<512xf32, #tpu.memory_space<vmem>>) offsets(%arg8 : memref<512xi32, #tpu.memory_space<vmem>>) semaphore(%arg12 : memref<!tpu.dma_semaphore, #tpu.memory_space<semaphore_mem>>)
    %dma_start3A_1061 = arith.constant 29 : i32
    %dma_start3A_1062 = arith.constant 29 : i32
    %dma_start3A_1063 = arith.constant 0 : i32
    %dma_start3A_1064 = tpu.memref_slice %arg9[%dma_start3A_1062, %dma_start3A_1063] : memref<32x512xf32, #tpu.memory_space<vmem>> -> memref<1x512xf32, #tpu.memory_space<vmem>>
    %dma_start3A_1065 = tpu.memref_squeeze %dma_start3A_1064 : memref<1x512xf32, #tpu.memory_space<vmem>> -> memref<512xf32, #tpu.memory_space<vmem>>
    %dma_start3A_1066 = arith.constant 0 : i32
    %dma_start3A_1067 = tpu.memref_slice %arg4[%dma_start3A_1061, %dma_start3A_1066] : memref<32x1000000xf32, #tpu.memory_space<hbm>> -> memref<1x1000000xf32, #tpu.memory_space<hbm>>
    %dma_start3A_1068 = tpu.memref_squeeze %dma_start3A_1067 : memref<1x1000000xf32, #tpu.memory_space<hbm>> -> memref<1000000xf32, #tpu.memory_space<hbm>>
    %dma_start3A_1069 = arith.constant 0 : i32
    %dma_start3A_1070 = tpu.memref_slice %dma_start3A_1068[%dma_start3A_1069] : memref<1000000xf32, #tpu.memory_space<hbm>> -> memref<1000000xf32, #tpu.memory_space<hbm>>
    tpu.enqueue_indirect_dma source(%dma_start3A_1070 : memref<1000000xf32, #tpu.memory_space<hbm>>) target(%dma_start3A_1065 : memref<512xf32, #tpu.memory_space<vmem>>) offsets(%arg7 : memref<512xi32, #tpu.memory_space<vmem>>) semaphore(%arg12 : memref<!tpu.dma_semaphore, #tpu.memory_space<semaphore_mem>>)
    %dma_start3A_1071 = arith.constant 29 : i32
    %dma_start3A_1072 = arith.constant 29 : i32
    %dma_start3A_1073 = arith.constant 0 : i32
    %dma_start3A_1074 = tpu.memref_slice %arg10[%dma_start3A_1072, %dma_start3A_1073] : memref<32x512xf32, #tpu.memory_space<vmem>> -> memref<1x512xf32, #tpu.memory_space<vmem>>
    %dma_start3A_1075 = tpu.memref_squeeze %dma_start3A_1074 : memref<1x512xf32, #tpu.memory_space<vmem>> -> memref<512xf32, #tpu.memory_space<vmem>>
    %dma_start3A_1076 = arith.constant 0 : i32
    %dma_start3A_1077 = tpu.memref_slice %arg5[%dma_start3A_1071, %dma_start3A_1076] : memref<32x1000000xf32, #tpu.memory_space<hbm>> -> memref<1x1000000xf32, #tpu.memory_space<hbm>>
    %dma_start3A_1078 = tpu.memref_squeeze %dma_start3A_1077 : memref<1x1000000xf32, #tpu.memory_space<hbm>> -> memref<1000000xf32, #tpu.memory_space<hbm>>
    %dma_start3A_1079 = arith.constant 0 : i32
    %dma_start3A_1080 = tpu.memref_slice %dma_start3A_1078[%dma_start3A_1079] : memref<1000000xf32, #tpu.memory_space<hbm>> -> memref<1000000xf32, #tpu.memory_space<hbm>>
    tpu.enqueue_indirect_dma source(%dma_start3A_1080 : memref<1000000xf32, #tpu.memory_space<hbm>>) target(%dma_start3A_1075 : memref<512xf32, #tpu.memory_space<vmem>>) offsets(%arg8 : memref<512xi32, #tpu.memory_space<vmem>>) semaphore(%arg12 : memref<!tpu.dma_semaphore, #tpu.memory_space<semaphore_mem>>)
    %dma_start3A_1081 = arith.constant 30 : i32
    %dma_start3A_1082 = arith.constant 30 : i32
    %dma_start3A_1083 = arith.constant 0 : i32
    %dma_start3A_1084 = tpu.memref_slice %arg9[%dma_start3A_1082, %dma_start3A_1083] : memref<32x512xf32, #tpu.memory_space<vmem>> -> memref<1x512xf32, #tpu.memory_space<vmem>>
    %dma_start3A_1085 = tpu.memref_squeeze %dma_start3A_1084 : memref<1x512xf32, #tpu.memory_space<vmem>> -> memref<512xf32, #tpu.memory_space<vmem>>
    %dma_start3A_1086 = arith.constant 0 : i32
    %dma_start3A_1087 = tpu.memref_slice %arg4[%dma_start3A_1081, %dma_start3A_1086] : memref<32x1000000xf32, #tpu.memory_space<hbm>> -> memref<1x1000000xf32, #tpu.memory_space<hbm>>
    %dma_start3A_1088 = tpu.memref_squeeze %dma_start3A_1087 : memref<1x1000000xf32, #tpu.memory_space<hbm>> -> memref<1000000xf32, #tpu.memory_space<hbm>>
    %dma_start3A_1089 = arith.constant 0 : i32
    %dma_start3A_1090 = tpu.memref_slice %dma_start3A_1088[%dma_start3A_1089] : memref<1000000xf32, #tpu.memory_space<hbm>> -> memref<1000000xf32, #tpu.memory_space<hbm>>
    tpu.enqueue_indirect_dma source(%dma_start3A_1090 : memref<1000000xf32, #tpu.memory_space<hbm>>) target(%dma_start3A_1085 : memref<512xf32, #tpu.memory_space<vmem>>) offsets(%arg7 : memref<512xi32, #tpu.memory_space<vmem>>) semaphore(%arg12 : memref<!tpu.dma_semaphore, #tpu.memory_space<semaphore_mem>>)
    %dma_start3A_1091 = arith.constant 30 : i32
    %dma_start3A_1092 = arith.constant 30 : i32
    %dma_start3A_1093 = arith.constant 0 : i32
    %dma_start3A_1094 = tpu.memref_slice %arg10[%dma_start3A_1092, %dma_start3A_1093] : memref<32x512xf32, #tpu.memory_space<vmem>> -> memref<1x512xf32, #tpu.memory_space<vmem>>
    %dma_start3A_1095 = tpu.memref_squeeze %dma_start3A_1094 : memref<1x512xf32, #tpu.memory_space<vmem>> -> memref<512xf32, #tpu.memory_space<vmem>>
    %dma_start3A_1096 = arith.constant 0 : i32
    %dma_start3A_1097 = tpu.memref_slice %arg5[%dma_start3A_1091, %dma_start3A_1096] : memref<32x1000000xf32, #tpu.memory_space<hbm>> -> memref<1x1000000xf32, #tpu.memory_space<hbm>>
    %dma_start3A_1098 = tpu.memref_squeeze %dma_start3A_1097 : memref<1x1000000xf32, #tpu.memory_space<hbm>> -> memref<1000000xf32, #tpu.memory_space<hbm>>
    %dma_start3A_1099 = arith.constant 0 : i32
    %dma_start3A_1100 = tpu.memref_slice %dma_start3A_1098[%dma_start3A_1099] : memref<1000000xf32, #tpu.memory_space<hbm>> -> memref<1000000xf32, #tpu.memory_space<hbm>>
    tpu.enqueue_indirect_dma source(%dma_start3A_1100 : memref<1000000xf32, #tpu.memory_space<hbm>>) target(%dma_start3A_1095 : memref<512xf32, #tpu.memory_space<vmem>>) offsets(%arg8 : memref<512xi32, #tpu.memory_space<vmem>>) semaphore(%arg12 : memref<!tpu.dma_semaphore, #tpu.memory_space<semaphore_mem>>)
    %dma_start3A_1101 = arith.constant 31 : i32
    %dma_start3A_1102 = arith.constant 31 : i32
    %dma_start3A_1103 = arith.constant 0 : i32
    %dma_start3A_1104 = tpu.memref_slice %arg9[%dma_start3A_1102, %dma_start3A_1103] : memref<32x512xf32, #tpu.memory_space<vmem>> -> memref<1x512xf32, #tpu.memory_space<vmem>>
    %dma_start3A_1105 = tpu.memref_squeeze %dma_start3A_1104 : memref<1x512xf32, #tpu.memory_space<vmem>> -> memref<512xf32, #tpu.memory_space<vmem>>
    %dma_start3A_1106 = arith.constant 0 : i32
    %dma_start3A_1107 = tpu.memref_slice %arg4[%dma_start3A_1101, %dma_start3A_1106] : memref<32x1000000xf32, #tpu.memory_space<hbm>> -> memref<1x1000000xf32, #tpu.memory_space<hbm>>
    %dma_start3A_1108 = tpu.memref_squeeze %dma_start3A_1107 : memref<1x1000000xf32, #tpu.memory_space<hbm>> -> memref<1000000xf32, #tpu.memory_space<hbm>>
    %dma_start3A_1109 = arith.constant 0 : i32
    %dma_start3A_1110 = tpu.memref_slice %dma_start3A_1108[%dma_start3A_1109] : memref<1000000xf32, #tpu.memory_space<hbm>> -> memref<1000000xf32, #tpu.memory_space<hbm>>
    tpu.enqueue_indirect_dma source(%dma_start3A_1110 : memref<1000000xf32, #tpu.memory_space<hbm>>) target(%dma_start3A_1105 : memref<512xf32, #tpu.memory_space<vmem>>) offsets(%arg7 : memref<512xi32, #tpu.memory_space<vmem>>) semaphore(%arg12 : memref<!tpu.dma_semaphore, #tpu.memory_space<semaphore_mem>>)
    %dma_start3A_1111 = arith.constant 31 : i32
    %dma_start3A_1112 = arith.constant 31 : i32
    %dma_start3A_1113 = arith.constant 0 : i32
    %dma_start3A_1114 = tpu.memref_slice %arg10[%dma_start3A_1112, %dma_start3A_1113] : memref<32x512xf32, #tpu.memory_space<vmem>> -> memref<1x512xf32, #tpu.memory_space<vmem>>
    %dma_start3A_1115 = tpu.memref_squeeze %dma_start3A_1114 : memref<1x512xf32, #tpu.memory_space<vmem>> -> memref<512xf32, #tpu.memory_space<vmem>>
    %dma_start3A_1116 = arith.constant 0 : i32
    %dma_start3A_1117 = tpu.memref_slice %arg5[%dma_start3A_1111, %dma_start3A_1116] : memref<32x1000000xf32, #tpu.memory_space<hbm>> -> memref<1x1000000xf32, #tpu.memory_space<hbm>>
    %dma_start3A_1118 = tpu.memref_squeeze %dma_start3A_1117 : memref<1x1000000xf32, #tpu.memory_space<hbm>> -> memref<1000000xf32, #tpu.memory_space<hbm>>
    %dma_start3A_1119 = arith.constant 0 : i32
    %dma_start3A_1120 = tpu.memref_slice %dma_start3A_1118[%dma_start3A_1119] : memref<1000000xf32, #tpu.memory_space<hbm>> -> memref<1000000xf32, #tpu.memory_space<hbm>>
    tpu.enqueue_indirect_dma source(%dma_start3A_1120 : memref<1000000xf32, #tpu.memory_space<hbm>>) target(%dma_start3A_1115 : memref<512xf32, #tpu.memory_space<vmem>>) offsets(%arg8 : memref<512xi32, #tpu.memory_space<vmem>>) semaphore(%arg12 : memref<!tpu.dma_semaphore, #tpu.memory_space<semaphore_mem>>)
    %dma_wait3A_1121 = arith.constant 24 : i32
    %dma_wait3A_1122 = arith.constant 24 : i32
    %dma_wait3A_1123 = arith.constant 0 : i32
    %dma_wait3A_1124 = tpu.memref_slice %arg9[%dma_wait3A_1122, %dma_wait3A_1123] : memref<32x512xf32, #tpu.memory_space<vmem>> -> memref<1x512xf32, #tpu.memory_space<vmem>>
    %dma_wait3A_1125 = tpu.memref_squeeze %dma_wait3A_1124 : memref<1x512xf32, #tpu.memory_space<vmem>> -> memref<512xf32, #tpu.memory_space<vmem>>
    %dma_wait3A_1126 = arith.constant 0 : i32
    %dma_wait3A_1127 = tpu.memref_slice %arg4[%dma_wait3A_1121, %dma_wait3A_1126] : memref<32x1000000xf32, #tpu.memory_space<hbm>> -> memref<1x1000000xf32, #tpu.memory_space<hbm>>
    %dma_wait3A_1128 = tpu.memref_squeeze %dma_wait3A_1127 : memref<1x1000000xf32, #tpu.memory_space<hbm>> -> memref<1000000xf32, #tpu.memory_space<hbm>>
    %dma_wait3A_1129 = arith.constant 0 : i32
    %dma_wait3A_1130 = tpu.memref_slice %dma_wait3A_1128[%dma_wait3A_1129] : memref<1000000xf32, #tpu.memory_space<hbm>> -> memref<1000000xf32, #tpu.memory_space<hbm>>
    tpu.wait_indirect_dma semaphore(%arg12 : memref<!tpu.dma_semaphore, #tpu.memory_space<semaphore_mem>>) src(%dma_wait3A_1130 : memref<1000000xf32, #tpu.memory_space<hbm>>) dst(%dma_wait3A_1125 : memref<512xf32, #tpu.memory_space<vmem>>)
    %dma_wait3A_1131 = arith.constant 24 : i32
    %dma_wait3A_1132 = arith.constant 24 : i32
    %dma_wait3A_1133 = arith.constant 0 : i32
    %dma_wait3A_1134 = tpu.memref_slice %arg10[%dma_wait3A_1132, %dma_wait3A_1133] : memref<32x512xf32, #tpu.memory_space<vmem>> -> memref<1x512xf32, #tpu.memory_space<vmem>>
    %dma_wait3A_1135 = tpu.memref_squeeze %dma_wait3A_1134 : memref<1x512xf32, #tpu.memory_space<vmem>> -> memref<512xf32, #tpu.memory_space<vmem>>
    %dma_wait3A_1136 = arith.constant 0 : i32
    %dma_wait3A_1137 = tpu.memref_slice %arg5[%dma_wait3A_1131, %dma_wait3A_1136] : memref<32x1000000xf32, #tpu.memory_space<hbm>> -> memref<1x1000000xf32, #tpu.memory_space<hbm>>
    %dma_wait3A_1138 = tpu.memref_squeeze %dma_wait3A_1137 : memref<1x1000000xf32, #tpu.memory_space<hbm>> -> memref<1000000xf32, #tpu.memory_space<hbm>>
    %dma_wait3A_1139 = arith.constant 0 : i32
    %dma_wait3A_1140 = tpu.memref_slice %dma_wait3A_1138[%dma_wait3A_1139] : memref<1000000xf32, #tpu.memory_space<hbm>> -> memref<1000000xf32, #tpu.memory_space<hbm>>
    tpu.wait_indirect_dma semaphore(%arg12 : memref<!tpu.dma_semaphore, #tpu.memory_space<semaphore_mem>>) src(%dma_wait3A_1140 : memref<1000000xf32, #tpu.memory_space<hbm>>) dst(%dma_wait3A_1135 : memref<512xf32, #tpu.memory_space<vmem>>)
    %dma_wait3A_1141 = arith.constant 25 : i32
    %dma_wait3A_1142 = arith.constant 25 : i32
    %dma_wait3A_1143 = arith.constant 0 : i32
    %dma_wait3A_1144 = tpu.memref_slice %arg9[%dma_wait3A_1142, %dma_wait3A_1143] : memref<32x512xf32, #tpu.memory_space<vmem>> -> memref<1x512xf32, #tpu.memory_space<vmem>>
    %dma_wait3A_1145 = tpu.memref_squeeze %dma_wait3A_1144 : memref<1x512xf32, #tpu.memory_space<vmem>> -> memref<512xf32, #tpu.memory_space<vmem>>
    %dma_wait3A_1146 = arith.constant 0 : i32
    %dma_wait3A_1147 = tpu.memref_slice %arg4[%dma_wait3A_1141, %dma_wait3A_1146] : memref<32x1000000xf32, #tpu.memory_space<hbm>> -> memref<1x1000000xf32, #tpu.memory_space<hbm>>
    %dma_wait3A_1148 = tpu.memref_squeeze %dma_wait3A_1147 : memref<1x1000000xf32, #tpu.memory_space<hbm>> -> memref<1000000xf32, #tpu.memory_space<hbm>>
    %dma_wait3A_1149 = arith.constant 0 : i32
    %dma_wait3A_1150 = tpu.memref_slice %dma_wait3A_1148[%dma_wait3A_1149] : memref<1000000xf32, #tpu.memory_space<hbm>> -> memref<1000000xf32, #tpu.memory_space<hbm>>
    tpu.wait_indirect_dma semaphore(%arg12 : memref<!tpu.dma_semaphore, #tpu.memory_space<semaphore_mem>>) src(%dma_wait3A_1150 : memref<1000000xf32, #tpu.memory_space<hbm>>) dst(%dma_wait3A_1145 : memref<512xf32, #tpu.memory_space<vmem>>)
    %dma_wait3A_1151 = arith.constant 25 : i32
    %dma_wait3A_1152 = arith.constant 25 : i32
    %dma_wait3A_1153 = arith.constant 0 : i32
    %dma_wait3A_1154 = tpu.memref_slice %arg10[%dma_wait3A_1152, %dma_wait3A_1153] : memref<32x512xf32, #tpu.memory_space<vmem>> -> memref<1x512xf32, #tpu.memory_space<vmem>>
    %dma_wait3A_1155 = tpu.memref_squeeze %dma_wait3A_1154 : memref<1x512xf32, #tpu.memory_space<vmem>> -> memref<512xf32, #tpu.memory_space<vmem>>
    %dma_wait3A_1156 = arith.constant 0 : i32
    %dma_wait3A_1157 = tpu.memref_slice %arg5[%dma_wait3A_1151, %dma_wait3A_1156] : memref<32x1000000xf32, #tpu.memory_space<hbm>> -> memref<1x1000000xf32, #tpu.memory_space<hbm>>
    %dma_wait3A_1158 = tpu.memref_squeeze %dma_wait3A_1157 : memref<1x1000000xf32, #tpu.memory_space<hbm>> -> memref<1000000xf32, #tpu.memory_space<hbm>>
    %dma_wait3A_1159 = arith.constant 0 : i32
    %dma_wait3A_1160 = tpu.memref_slice %dma_wait3A_1158[%dma_wait3A_1159] : memref<1000000xf32, #tpu.memory_space<hbm>> -> memref<1000000xf32, #tpu.memory_space<hbm>>
    tpu.wait_indirect_dma semaphore(%arg12 : memref<!tpu.dma_semaphore, #tpu.memory_space<semaphore_mem>>) src(%dma_wait3A_1160 : memref<1000000xf32, #tpu.memory_space<hbm>>) dst(%dma_wait3A_1155 : memref<512xf32, #tpu.memory_space<vmem>>)
    %dma_wait3A_1161 = arith.constant 26 : i32
    %dma_wait3A_1162 = arith.constant 26 : i32
    %dma_wait3A_1163 = arith.constant 0 : i32
    %dma_wait3A_1164 = tpu.memref_slice %arg9[%dma_wait3A_1162, %dma_wait3A_1163] : memref<32x512xf32, #tpu.memory_space<vmem>> -> memref<1x512xf32, #tpu.memory_space<vmem>>
    %dma_wait3A_1165 = tpu.memref_squeeze %dma_wait3A_1164 : memref<1x512xf32, #tpu.memory_space<vmem>> -> memref<512xf32, #tpu.memory_space<vmem>>
    %dma_wait3A_1166 = arith.constant 0 : i32
    %dma_wait3A_1167 = tpu.memref_slice %arg4[%dma_wait3A_1161, %dma_wait3A_1166] : memref<32x1000000xf32, #tpu.memory_space<hbm>> -> memref<1x1000000xf32, #tpu.memory_space<hbm>>
    %dma_wait3A_1168 = tpu.memref_squeeze %dma_wait3A_1167 : memref<1x1000000xf32, #tpu.memory_space<hbm>> -> memref<1000000xf32, #tpu.memory_space<hbm>>
    %dma_wait3A_1169 = arith.constant 0 : i32
    %dma_wait3A_1170 = tpu.memref_slice %dma_wait3A_1168[%dma_wait3A_1169] : memref<1000000xf32, #tpu.memory_space<hbm>> -> memref<1000000xf32, #tpu.memory_space<hbm>>
    tpu.wait_indirect_dma semaphore(%arg12 : memref<!tpu.dma_semaphore, #tpu.memory_space<semaphore_mem>>) src(%dma_wait3A_1170 : memref<1000000xf32, #tpu.memory_space<hbm>>) dst(%dma_wait3A_1165 : memref<512xf32, #tpu.memory_space<vmem>>)
    %dma_wait3A_1171 = arith.constant 26 : i32
    %dma_wait3A_1172 = arith.constant 26 : i32
    %dma_wait3A_1173 = arith.constant 0 : i32
    %dma_wait3A_1174 = tpu.memref_slice %arg10[%dma_wait3A_1172, %dma_wait3A_1173] : memref<32x512xf32, #tpu.memory_space<vmem>> -> memref<1x512xf32, #tpu.memory_space<vmem>>
    %dma_wait3A_1175 = tpu.memref_squeeze %dma_wait3A_1174 : memref<1x512xf32, #tpu.memory_space<vmem>> -> memref<512xf32, #tpu.memory_space<vmem>>
    %dma_wait3A_1176 = arith.constant 0 : i32
    %dma_wait3A_1177 = tpu.memref_slice %arg5[%dma_wait3A_1171, %dma_wait3A_1176] : memref<32x1000000xf32, #tpu.memory_space<hbm>> -> memref<1x1000000xf32, #tpu.memory_space<hbm>>
    %dma_wait3A_1178 = tpu.memref_squeeze %dma_wait3A_1177 : memref<1x1000000xf32, #tpu.memory_space<hbm>> -> memref<1000000xf32, #tpu.memory_space<hbm>>
    %dma_wait3A_1179 = arith.constant 0 : i32
    %dma_wait3A_1180 = tpu.memref_slice %dma_wait3A_1178[%dma_wait3A_1179] : memref<1000000xf32, #tpu.memory_space<hbm>> -> memref<1000000xf32, #tpu.memory_space<hbm>>
    tpu.wait_indirect_dma semaphore(%arg12 : memref<!tpu.dma_semaphore, #tpu.memory_space<semaphore_mem>>) src(%dma_wait3A_1180 : memref<1000000xf32, #tpu.memory_space<hbm>>) dst(%dma_wait3A_1175 : memref<512xf32, #tpu.memory_space<vmem>>)
    %dma_wait3A_1181 = arith.constant 27 : i32
    %dma_wait3A_1182 = arith.constant 27 : i32
    %dma_wait3A_1183 = arith.constant 0 : i32
    %dma_wait3A_1184 = tpu.memref_slice %arg9[%dma_wait3A_1182, %dma_wait3A_1183] : memref<32x512xf32, #tpu.memory_space<vmem>> -> memref<1x512xf32, #tpu.memory_space<vmem>>
    %dma_wait3A_1185 = tpu.memref_squeeze %dma_wait3A_1184 : memref<1x512xf32, #tpu.memory_space<vmem>> -> memref<512xf32, #tpu.memory_space<vmem>>
    %dma_wait3A_1186 = arith.constant 0 : i32
    %dma_wait3A_1187 = tpu.memref_slice %arg4[%dma_wait3A_1181, %dma_wait3A_1186] : memref<32x1000000xf32, #tpu.memory_space<hbm>> -> memref<1x1000000xf32, #tpu.memory_space<hbm>>
    %dma_wait3A_1188 = tpu.memref_squeeze %dma_wait3A_1187 : memref<1x1000000xf32, #tpu.memory_space<hbm>> -> memref<1000000xf32, #tpu.memory_space<hbm>>
    %dma_wait3A_1189 = arith.constant 0 : i32
    %dma_wait3A_1190 = tpu.memref_slice %dma_wait3A_1188[%dma_wait3A_1189] : memref<1000000xf32, #tpu.memory_space<hbm>> -> memref<1000000xf32, #tpu.memory_space<hbm>>
    tpu.wait_indirect_dma semaphore(%arg12 : memref<!tpu.dma_semaphore, #tpu.memory_space<semaphore_mem>>) src(%dma_wait3A_1190 : memref<1000000xf32, #tpu.memory_space<hbm>>) dst(%dma_wait3A_1185 : memref<512xf32, #tpu.memory_space<vmem>>)
    %dma_wait3A_1191 = arith.constant 27 : i32
    %dma_wait3A_1192 = arith.constant 27 : i32
    %dma_wait3A_1193 = arith.constant 0 : i32
    %dma_wait3A_1194 = tpu.memref_slice %arg10[%dma_wait3A_1192, %dma_wait3A_1193] : memref<32x512xf32, #tpu.memory_space<vmem>> -> memref<1x512xf32, #tpu.memory_space<vmem>>
    %dma_wait3A_1195 = tpu.memref_squeeze %dma_wait3A_1194 : memref<1x512xf32, #tpu.memory_space<vmem>> -> memref<512xf32, #tpu.memory_space<vmem>>
    %dma_wait3A_1196 = arith.constant 0 : i32
    %dma_wait3A_1197 = tpu.memref_slice %arg5[%dma_wait3A_1191, %dma_wait3A_1196] : memref<32x1000000xf32, #tpu.memory_space<hbm>> -> memref<1x1000000xf32, #tpu.memory_space<hbm>>
    %dma_wait3A_1198 = tpu.memref_squeeze %dma_wait3A_1197 : memref<1x1000000xf32, #tpu.memory_space<hbm>> -> memref<1000000xf32, #tpu.memory_space<hbm>>
    %dma_wait3A_1199 = arith.constant 0 : i32
    %dma_wait3A_1200 = tpu.memref_slice %dma_wait3A_1198[%dma_wait3A_1199] : memref<1000000xf32, #tpu.memory_space<hbm>> -> memref<1000000xf32, #tpu.memory_space<hbm>>
    tpu.wait_indirect_dma semaphore(%arg12 : memref<!tpu.dma_semaphore, #tpu.memory_space<semaphore_mem>>) src(%dma_wait3A_1200 : memref<1000000xf32, #tpu.memory_space<hbm>>) dst(%dma_wait3A_1195 : memref<512xf32, #tpu.memory_space<vmem>>)
    %dma_wait3A_1201 = arith.constant 28 : i32
    %dma_wait3A_1202 = arith.constant 28 : i32
    %dma_wait3A_1203 = arith.constant 0 : i32
    %dma_wait3A_1204 = tpu.memref_slice %arg9[%dma_wait3A_1202, %dma_wait3A_1203] : memref<32x512xf32, #tpu.memory_space<vmem>> -> memref<1x512xf32, #tpu.memory_space<vmem>>
    %dma_wait3A_1205 = tpu.memref_squeeze %dma_wait3A_1204 : memref<1x512xf32, #tpu.memory_space<vmem>> -> memref<512xf32, #tpu.memory_space<vmem>>
    %dma_wait3A_1206 = arith.constant 0 : i32
    %dma_wait3A_1207 = tpu.memref_slice %arg4[%dma_wait3A_1201, %dma_wait3A_1206] : memref<32x1000000xf32, #tpu.memory_space<hbm>> -> memref<1x1000000xf32, #tpu.memory_space<hbm>>
    %dma_wait3A_1208 = tpu.memref_squeeze %dma_wait3A_1207 : memref<1x1000000xf32, #tpu.memory_space<hbm>> -> memref<1000000xf32, #tpu.memory_space<hbm>>
    %dma_wait3A_1209 = arith.constant 0 : i32
    %dma_wait3A_1210 = tpu.memref_slice %dma_wait3A_1208[%dma_wait3A_1209] : memref<1000000xf32, #tpu.memory_space<hbm>> -> memref<1000000xf32, #tpu.memory_space<hbm>>
    tpu.wait_indirect_dma semaphore(%arg12 : memref<!tpu.dma_semaphore, #tpu.memory_space<semaphore_mem>>) src(%dma_wait3A_1210 : memref<1000000xf32, #tpu.memory_space<hbm>>) dst(%dma_wait3A_1205 : memref<512xf32, #tpu.memory_space<vmem>>)
    %dma_wait3A_1211 = arith.constant 28 : i32
    %dma_wait3A_1212 = arith.constant 28 : i32
    %dma_wait3A_1213 = arith.constant 0 : i32
    %dma_wait3A_1214 = tpu.memref_slice %arg10[%dma_wait3A_1212, %dma_wait3A_1213] : memref<32x512xf32, #tpu.memory_space<vmem>> -> memref<1x512xf32, #tpu.memory_space<vmem>>
    %dma_wait3A_1215 = tpu.memref_squeeze %dma_wait3A_1214 : memref<1x512xf32, #tpu.memory_space<vmem>> -> memref<512xf32, #tpu.memory_space<vmem>>
    %dma_wait3A_1216 = arith.constant 0 : i32
    %dma_wait3A_1217 = tpu.memref_slice %arg5[%dma_wait3A_1211, %dma_wait3A_1216] : memref<32x1000000xf32, #tpu.memory_space<hbm>> -> memref<1x1000000xf32, #tpu.memory_space<hbm>>
    %dma_wait3A_1218 = tpu.memref_squeeze %dma_wait3A_1217 : memref<1x1000000xf32, #tpu.memory_space<hbm>> -> memref<1000000xf32, #tpu.memory_space<hbm>>
    %dma_wait3A_1219 = arith.constant 0 : i32
    %dma_wait3A_1220 = tpu.memref_slice %dma_wait3A_1218[%dma_wait3A_1219] : memref<1000000xf32, #tpu.memory_space<hbm>> -> memref<1000000xf32, #tpu.memory_space<hbm>>
    tpu.wait_indirect_dma semaphore(%arg12 : memref<!tpu.dma_semaphore, #tpu.memory_space<semaphore_mem>>) src(%dma_wait3A_1220 : memref<1000000xf32, #tpu.memory_space<hbm>>) dst(%dma_wait3A_1215 : memref<512xf32, #tpu.memory_space<vmem>>)
    %dma_wait3A_1221 = arith.constant 29 : i32
    %dma_wait3A_1222 = arith.constant 29 : i32
    %dma_wait3A_1223 = arith.constant 0 : i32
    %dma_wait3A_1224 = tpu.memref_slice %arg9[%dma_wait3A_1222, %dma_wait3A_1223] : memref<32x512xf32, #tpu.memory_space<vmem>> -> memref<1x512xf32, #tpu.memory_space<vmem>>
    %dma_wait3A_1225 = tpu.memref_squeeze %dma_wait3A_1224 : memref<1x512xf32, #tpu.memory_space<vmem>> -> memref<512xf32, #tpu.memory_space<vmem>>
    %dma_wait3A_1226 = arith.constant 0 : i32
    %dma_wait3A_1227 = tpu.memref_slice %arg4[%dma_wait3A_1221, %dma_wait3A_1226] : memref<32x1000000xf32, #tpu.memory_space<hbm>> -> memref<1x1000000xf32, #tpu.memory_space<hbm>>
    %dma_wait3A_1228 = tpu.memref_squeeze %dma_wait3A_1227 : memref<1x1000000xf32, #tpu.memory_space<hbm>> -> memref<1000000xf32, #tpu.memory_space<hbm>>
    %dma_wait3A_1229 = arith.constant 0 : i32
    %dma_wait3A_1230 = tpu.memref_slice %dma_wait3A_1228[%dma_wait3A_1229] : memref<1000000xf32, #tpu.memory_space<hbm>> -> memref<1000000xf32, #tpu.memory_space<hbm>>
    tpu.wait_indirect_dma semaphore(%arg12 : memref<!tpu.dma_semaphore, #tpu.memory_space<semaphore_mem>>) src(%dma_wait3A_1230 : memref<1000000xf32, #tpu.memory_space<hbm>>) dst(%dma_wait3A_1225 : memref<512xf32, #tpu.memory_space<vmem>>)
    %dma_wait3A_1231 = arith.constant 29 : i32
    %dma_wait3A_1232 = arith.constant 29 : i32
    %dma_wait3A_1233 = arith.constant 0 : i32
    %dma_wait3A_1234 = tpu.memref_slice %arg10[%dma_wait3A_1232, %dma_wait3A_1233] : memref<32x512xf32, #tpu.memory_space<vmem>> -> memref<1x512xf32, #tpu.memory_space<vmem>>
    %dma_wait3A_1235 = tpu.memref_squeeze %dma_wait3A_1234 : memref<1x512xf32, #tpu.memory_space<vmem>> -> memref<512xf32, #tpu.memory_space<vmem>>
    %dma_wait3A_1236 = arith.constant 0 : i32
    %dma_wait3A_1237 = tpu.memref_slice %arg5[%dma_wait3A_1231, %dma_wait3A_1236] : memref<32x1000000xf32, #tpu.memory_space<hbm>> -> memref<1x1000000xf32, #tpu.memory_space<hbm>>
    %dma_wait3A_1238 = tpu.memref_squeeze %dma_wait3A_1237 : memref<1x1000000xf32, #tpu.memory_space<hbm>> -> memref<1000000xf32, #tpu.memory_space<hbm>>
    %dma_wait3A_1239 = arith.constant 0 : i32
    %dma_wait3A_1240 = tpu.memref_slice %dma_wait3A_1238[%dma_wait3A_1239] : memref<1000000xf32, #tpu.memory_space<hbm>> -> memref<1000000xf32, #tpu.memory_space<hbm>>
    tpu.wait_indirect_dma semaphore(%arg12 : memref<!tpu.dma_semaphore, #tpu.memory_space<semaphore_mem>>) src(%dma_wait3A_1240 : memref<1000000xf32, #tpu.memory_space<hbm>>) dst(%dma_wait3A_1235 : memref<512xf32, #tpu.memory_space<vmem>>)
    %dma_wait3A_1241 = arith.constant 30 : i32
    %dma_wait3A_1242 = arith.constant 30 : i32
    %dma_wait3A_1243 = arith.constant 0 : i32
    %dma_wait3A_1244 = tpu.memref_slice %arg9[%dma_wait3A_1242, %dma_wait3A_1243] : memref<32x512xf32, #tpu.memory_space<vmem>> -> memref<1x512xf32, #tpu.memory_space<vmem>>
    %dma_wait3A_1245 = tpu.memref_squeeze %dma_wait3A_1244 : memref<1x512xf32, #tpu.memory_space<vmem>> -> memref<512xf32, #tpu.memory_space<vmem>>
    %dma_wait3A_1246 = arith.constant 0 : i32
    %dma_wait3A_1247 = tpu.memref_slice %arg4[%dma_wait3A_1241, %dma_wait3A_1246] : memref<32x1000000xf32, #tpu.memory_space<hbm>> -> memref<1x1000000xf32, #tpu.memory_space<hbm>>
    %dma_wait3A_1248 = tpu.memref_squeeze %dma_wait3A_1247 : memref<1x1000000xf32, #tpu.memory_space<hbm>> -> memref<1000000xf32, #tpu.memory_space<hbm>>
    %dma_wait3A_1249 = arith.constant 0 : i32
    %dma_wait3A_1250 = tpu.memref_slice %dma_wait3A_1248[%dma_wait3A_1249] : memref<1000000xf32, #tpu.memory_space<hbm>> -> memref<1000000xf32, #tpu.memory_space<hbm>>
    tpu.wait_indirect_dma semaphore(%arg12 : memref<!tpu.dma_semaphore, #tpu.memory_space<semaphore_mem>>) src(%dma_wait3A_1250 : memref<1000000xf32, #tpu.memory_space<hbm>>) dst(%dma_wait3A_1245 : memref<512xf32, #tpu.memory_space<vmem>>)
    %dma_wait3A_1251 = arith.constant 30 : i32
    %dma_wait3A_1252 = arith.constant 30 : i32
    %dma_wait3A_1253 = arith.constant 0 : i32
    %dma_wait3A_1254 = tpu.memref_slice %arg10[%dma_wait3A_1252, %dma_wait3A_1253] : memref<32x512xf32, #tpu.memory_space<vmem>> -> memref<1x512xf32, #tpu.memory_space<vmem>>
    %dma_wait3A_1255 = tpu.memref_squeeze %dma_wait3A_1254 : memref<1x512xf32, #tpu.memory_space<vmem>> -> memref<512xf32, #tpu.memory_space<vmem>>
    %dma_wait3A_1256 = arith.constant 0 : i32
    %dma_wait3A_1257 = tpu.memref_slice %arg5[%dma_wait3A_1251, %dma_wait3A_1256] : memref<32x1000000xf32, #tpu.memory_space<hbm>> -> memref<1x1000000xf32, #tpu.memory_space<hbm>>
    %dma_wait3A_1258 = tpu.memref_squeeze %dma_wait3A_1257 : memref<1x1000000xf32, #tpu.memory_space<hbm>> -> memref<1000000xf32, #tpu.memory_space<hbm>>
    %dma_wait3A_1259 = arith.constant 0 : i32
    %dma_wait3A_1260 = tpu.memref_slice %dma_wait3A_1258[%dma_wait3A_1259] : memref<1000000xf32, #tpu.memory_space<hbm>> -> memref<1000000xf32, #tpu.memory_space<hbm>>
    tpu.wait_indirect_dma semaphore(%arg12 : memref<!tpu.dma_semaphore, #tpu.memory_space<semaphore_mem>>) src(%dma_wait3A_1260 : memref<1000000xf32, #tpu.memory_space<hbm>>) dst(%dma_wait3A_1255 : memref<512xf32, #tpu.memory_space<vmem>>)
    %dma_wait3A_1261 = arith.constant 31 : i32
    %dma_wait3A_1262 = arith.constant 31 : i32
    %dma_wait3A_1263 = arith.constant 0 : i32
    %dma_wait3A_1264 = tpu.memref_slice %arg9[%dma_wait3A_1262, %dma_wait3A_1263] : memref<32x512xf32, #tpu.memory_space<vmem>> -> memref<1x512xf32, #tpu.memory_space<vmem>>
    %dma_wait3A_1265 = tpu.memref_squeeze %dma_wait3A_1264 : memref<1x512xf32, #tpu.memory_space<vmem>> -> memref<512xf32, #tpu.memory_space<vmem>>
    %dma_wait3A_1266 = arith.constant 0 : i32
    %dma_wait3A_1267 = tpu.memref_slice %arg4[%dma_wait3A_1261, %dma_wait3A_1266] : memref<32x1000000xf32, #tpu.memory_space<hbm>> -> memref<1x1000000xf32, #tpu.memory_space<hbm>>
    %dma_wait3A_1268 = tpu.memref_squeeze %dma_wait3A_1267 : memref<1x1000000xf32, #tpu.memory_space<hbm>> -> memref<1000000xf32, #tpu.memory_space<hbm>>
    %dma_wait3A_1269 = arith.constant 0 : i32
    %dma_wait3A_1270 = tpu.memref_slice %dma_wait3A_1268[%dma_wait3A_1269] : memref<1000000xf32, #tpu.memory_space<hbm>> -> memref<1000000xf32, #tpu.memory_space<hbm>>
    tpu.wait_indirect_dma semaphore(%arg12 : memref<!tpu.dma_semaphore, #tpu.memory_space<semaphore_mem>>) src(%dma_wait3A_1270 : memref<1000000xf32, #tpu.memory_space<hbm>>) dst(%dma_wait3A_1265 : memref<512xf32, #tpu.memory_space<vmem>>)
    %dma_wait3A_1271 = arith.constant 31 : i32
    %dma_wait3A_1272 = arith.constant 31 : i32
    %dma_wait3A_1273 = arith.constant 0 : i32
    %dma_wait3A_1274 = tpu.memref_slice %arg10[%dma_wait3A_1272, %dma_wait3A_1273] : memref<32x512xf32, #tpu.memory_space<vmem>> -> memref<1x512xf32, #tpu.memory_space<vmem>>
    %dma_wait3A_1275 = tpu.memref_squeeze %dma_wait3A_1274 : memref<1x512xf32, #tpu.memory_space<vmem>> -> memref<512xf32, #tpu.memory_space<vmem>>
    %dma_wait3A_1276 = arith.constant 0 : i32
    %dma_wait3A_1277 = tpu.memref_slice %arg5[%dma_wait3A_1271, %dma_wait3A_1276] : memref<32x1000000xf32, #tpu.memory_space<hbm>> -> memref<1x1000000xf32, #tpu.memory_space<hbm>>
    %dma_wait3A_1278 = tpu.memref_squeeze %dma_wait3A_1277 : memref<1x1000000xf32, #tpu.memory_space<hbm>> -> memref<1000000xf32, #tpu.memory_space<hbm>>
    %dma_wait3A_1279 = arith.constant 0 : i32
    %dma_wait3A_1280 = tpu.memref_slice %dma_wait3A_1278[%dma_wait3A_1279] : memref<1000000xf32, #tpu.memory_space<hbm>> -> memref<1000000xf32, #tpu.memory_space<hbm>>
    tpu.wait_indirect_dma semaphore(%arg12 : memref<!tpu.dma_semaphore, #tpu.memory_space<semaphore_mem>>) src(%dma_wait3A_1280 : memref<1000000xf32, #tpu.memory_space<hbm>>) dst(%dma_wait3A_1275 : memref<512xf32, #tpu.memory_space<vmem>>)
    %scan3A = arith.constant 0 : i32
    %scan3A_1281 = arith.constant 32 : i32
    %scan3A_1282 = arith.addi %scan3A, %scan3A_1281 : i32
    %scan3A_1283 = arith.constant 1 : i32
    scf.for %scan3A_1285 = %scan3A to %scan3A_1282 step %scan3A_1283  : i32 {
      %mul3A_1286 = arith.constant 1 : i32
      %mul3A_1287 = arith.muli %scan3A_1285, %mul3A_1286 : i32
      %add3A_1288 = arith.constant 0 : i32
      %add3A_1289 = arith.addi %add3A_1288, %mul3A_1287 : i32
      %mul3A_1290 = arith.constant 16 : i32
      %mul3A_1291 = arith.muli %add3A_1289, %mul3A_1290 : i32
      %get3A = arith.constant 0 : i32
      %get3A_1292 = arith.index_cast %get3A : i32 to index
      %get3A_1293 = arith.index_cast %mul3A_1291 : i32 to index
      %get3A_1294 = tpu.vector_load %arg9[%get3A_1292, %get3A_1293] {strides = array<i32>} : memref<32x512xf32, #tpu.memory_space<vmem>>, vector<16xf32>,
      %get3A_1295 = arith.constant 0 : i32
      %get3A_1296 = arith.index_cast %get3A_1295 : i32 to index
      %get3A_1297 = arith.index_cast %mul3A_1291 : i32 to index
      %get3A_1298 = tpu.vector_load %arg10[%get3A_1296, %get3A_1297] {strides = array<i32>} : memref<32x512xf32, #tpu.memory_space<vmem>>, vector<16xf32>,
      %mul3A_1299 = arith.mulf %get3A_1294, %get3A_1298 : vector<16xf32>
      %get3A_1300 = arith.constant 1 : i32
      %get3A_1301 = arith.index_cast %get3A_1300 : i32 to index
      %get3A_1302 = arith.index_cast %mul3A_1291 : i32 to index
      %get3A_1303 = tpu.vector_load %arg9[%get3A_1301, %get3A_1302] {strides = array<i32>} : memref<32x512xf32, #tpu.memory_space<vmem>>, vector<16xf32>,
      %get3A_1304 = arith.constant 1 : i32
      %get3A_1305 = arith.index_cast %get3A_1304 : i32 to index
      %get3A_1306 = arith.index_cast %mul3A_1291 : i32 to index
      %get3A_1307 = tpu.vector_load %arg10[%get3A_1305, %get3A_1306] {strides = array<i32>} : memref<32x512xf32, #tpu.memory_space<vmem>>, vector<16xf32>,
      %mul3A_1308 = arith.mulf %get3A_1303, %get3A_1307 : vector<16xf32>
      %add3A_1309 = arith.addf %mul3A_1299, %mul3A_1308 : vector<16xf32>
      %get3A_1310 = arith.constant 2 : i32
      %get3A_1311 = arith.index_cast %get3A_1310 : i32 to index
      %get3A_1312 = arith.index_cast %mul3A_1291 : i32 to index
      %get3A_1313 = tpu.vector_load %arg9[%get3A_1311, %get3A_1312] {strides = array<i32>} : memref<32x512xf32, #tpu.memory_space<vmem>>, vector<16xf32>,
      %get3A_1314 = arith.constant 2 : i32
      %get3A_1315 = arith.index_cast %get3A_1314 : i32 to index
      %get3A_1316 = arith.index_cast %mul3A_1291 : i32 to index
      %get3A_1317 = tpu.vector_load %arg10[%get3A_1315, %get3A_1316] {strides = array<i32>} : memref<32x512xf32, #tpu.memory_space<vmem>>, vector<16xf32>,
      %mul3A_1318 = arith.mulf %get3A_1313, %get3A_1317 : vector<16xf32>
      %add3A_1319 = arith.addf %add3A_1309, %mul3A_1318 : vector<16xf32>
      %get3A_1320 = arith.constant 3 : i32
      %get3A_1321 = arith.index_cast %get3A_1320 : i32 to index
      %get3A_1322 = arith.index_cast %mul3A_1291 : i32 to index
      %get3A_1323 = tpu.vector_load %arg9[%get3A_1321, %get3A_1322] {strides = array<i32>} : memref<32x512xf32, #tpu.memory_space<vmem>>, vector<16xf32>,
      %get3A_1324 = arith.constant 3 : i32
      %get3A_1325 = arith.index_cast %get3A_1324 : i32 to index
      %get3A_1326 = arith.index_cast %mul3A_1291 : i32 to index
      %get3A_1327 = tpu.vector_load %arg10[%get3A_1325, %get3A_1326] {strides = array<i32>} : memref<32x512xf32, #tpu.memory_space<vmem>>, vector<16xf32>,
      %mul3A_1328 = arith.mulf %get3A_1323, %get3A_1327 : vector<16xf32>
      %add3A_1329 = arith.addf %add3A_1319, %mul3A_1328 : vector<16xf32>
      %get3A_1330 = arith.constant 4 : i32
      %get3A_1331 = arith.index_cast %get3A_1330 : i32 to index
      %get3A_1332 = arith.index_cast %mul3A_1291 : i32 to index
      %get3A_1333 = tpu.vector_load %arg9[%get3A_1331, %get3A_1332] {strides = array<i32>} : memref<32x512xf32, #tpu.memory_space<vmem>>, vector<16xf32>,
      %get3A_1334 = arith.constant 4 : i32
      %get3A_1335 = arith.index_cast %get3A_1334 : i32 to index
      %get3A_1336 = arith.index_cast %mul3A_1291 : i32 to index
      %get3A_1337 = tpu.vector_load %arg10[%get3A_1335, %get3A_1336] {strides = array<i32>} : memref<32x512xf32, #tpu.memory_space<vmem>>, vector<16xf32>,
      %mul3A_1338 = arith.mulf %get3A_1333, %get3A_1337 : vector<16xf32>
      %add3A_1339 = arith.addf %add3A_1329, %mul3A_1338 : vector<16xf32>
      %get3A_1340 = arith.constant 5 : i32
      %get3A_1341 = arith.index_cast %get3A_1340 : i32 to index
      %get3A_1342 = arith.index_cast %mul3A_1291 : i32 to index
      %get3A_1343 = tpu.vector_load %arg9[%get3A_1341, %get3A_1342] {strides = array<i32>} : memref<32x512xf32, #tpu.memory_space<vmem>>, vector<16xf32>,
      %get3A_1344 = arith.constant 5 : i32
      %get3A_1345 = arith.index_cast %get3A_1344 : i32 to index
      %get3A_1346 = arith.index_cast %mul3A_1291 : i32 to index
      %get3A_1347 = tpu.vector_load %arg10[%get3A_1345, %get3A_1346] {strides = array<i32>} : memref<32x512xf32, #tpu.memory_space<vmem>>, vector<16xf32>,
      %mul3A_1348 = arith.mulf %get3A_1343, %get3A_1347 : vector<16xf32>
      %add3A_1349 = arith.addf %add3A_1339, %mul3A_1348 : vector<16xf32>
      %get3A_1350 = arith.constant 6 : i32
      %get3A_1351 = arith.index_cast %get3A_1350 : i32 to index
      %get3A_1352 = arith.index_cast %mul3A_1291 : i32 to index
      %get3A_1353 = tpu.vector_load %arg9[%get3A_1351, %get3A_1352] {strides = array<i32>} : memref<32x512xf32, #tpu.memory_space<vmem>>, vector<16xf32>,
      %get3A_1354 = arith.constant 6 : i32
      %get3A_1355 = arith.index_cast %get3A_1354 : i32 to index
      %get3A_1356 = arith.index_cast %mul3A_1291 : i32 to index
      %get3A_1357 = tpu.vector_load %arg10[%get3A_1355, %get3A_1356] {strides = array<i32>} : memref<32x512xf32, #tpu.memory_space<vmem>>, vector<16xf32>,
      %mul3A_1358 = arith.mulf %get3A_1353, %get3A_1357 : vector<16xf32>
      %add3A_1359 = arith.addf %add3A_1349, %mul3A_1358 : vector<16xf32>
      %get3A_1360 = arith.constant 7 : i32
      %get3A_1361 = arith.index_cast %get3A_1360 : i32 to index
      %get3A_1362 = arith.index_cast %mul3A_1291 : i32 to index
      %get3A_1363 = tpu.vector_load %arg9[%get3A_1361, %get3A_1362] {strides = array<i32>} : memref<32x512xf32, #tpu.memory_space<vmem>>, vector<16xf32>,
      %get3A_1364 = arith.constant 7 : i32
      %get3A_1365 = arith.index_cast %get3A_1364 : i32 to index
      %get3A_1366 = arith.index_cast %mul3A_1291 : i32 to index
      %get3A_1367 = tpu.vector_load %arg10[%get3A_1365, %get3A_1366] {strides = array<i32>} : memref<32x512xf32, #tpu.memory_space<vmem>>, vector<16xf32>,
      %mul3A_1368 = arith.mulf %get3A_1363, %get3A_1367 : vector<16xf32>
      %add3A_1369 = arith.addf %add3A_1359, %mul3A_1368 : vector<16xf32>
      %get3A_1370 = arith.constant 8 : i32
      %get3A_1371 = arith.index_cast %get3A_1370 : i32 to index
      %get3A_1372 = arith.index_cast %mul3A_1291 : i32 to index
      %get3A_1373 = tpu.vector_load %arg9[%get3A_1371, %get3A_1372] {strides = array<i32>} : memref<32x512xf32, #tpu.memory_space<vmem>>, vector<16xf32>,
      %get3A_1374 = arith.constant 8 : i32
      %get3A_1375 = arith.index_cast %get3A_1374 : i32 to index
      %get3A_1376 = arith.index_cast %mul3A_1291 : i32 to index
      %get3A_1377 = tpu.vector_load %arg10[%get3A_1375, %get3A_1376] {strides = array<i32>} : memref<32x512xf32, #tpu.memory_space<vmem>>, vector<16xf32>,
      %mul3A_1378 = arith.mulf %get3A_1373, %get3A_1377 : vector<16xf32>
      %add3A_1379 = arith.addf %add3A_1369, %mul3A_1378 : vector<16xf32>
      %get3A_1380 = arith.constant 9 : i32
      %get3A_1381 = arith.index_cast %get3A_1380 : i32 to index
      %get3A_1382 = arith.index_cast %mul3A_1291 : i32 to index
      %get3A_1383 = tpu.vector_load %arg9[%get3A_1381, %get3A_1382] {strides = array<i32>} : memref<32x512xf32, #tpu.memory_space<vmem>>, vector<16xf32>,
      %get3A_1384 = arith.constant 9 : i32
      %get3A_1385 = arith.index_cast %get3A_1384 : i32 to index
      %get3A_1386 = arith.index_cast %mul3A_1291 : i32 to index
      %get3A_1387 = tpu.vector_load %arg10[%get3A_1385, %get3A_1386] {strides = array<i32>} : memref<32x512xf32, #tpu.memory_space<vmem>>, vector<16xf32>,
      %mul3A_1388 = arith.mulf %get3A_1383, %get3A_1387 : vector<16xf32>
      %add3A_1389 = arith.addf %add3A_1379, %mul3A_1388 : vector<16xf32>
      %get3A_1390 = arith.constant 10 : i32
      %get3A_1391 = arith.index_cast %get3A_1390 : i32 to index
      %get3A_1392 = arith.index_cast %mul3A_1291 : i32 to index
      %get3A_1393 = tpu.vector_load %arg9[%get3A_1391, %get3A_1392] {strides = array<i32>} : memref<32x512xf32, #tpu.memory_space<vmem>>, vector<16xf32>,
      %get3A_1394 = arith.constant 10 : i32
      %get3A_1395 = arith.index_cast %get3A_1394 : i32 to index
      %get3A_1396 = arith.index_cast %mul3A_1291 : i32 to index
      %get3A_1397 = tpu.vector_load %arg10[%get3A_1395, %get3A_1396] {strides = array<i32>} : memref<32x512xf32, #tpu.memory_space<vmem>>, vector<16xf32>,
      %mul3A_1398 = arith.mulf %get3A_1393, %get3A_1397 : vector<16xf32>
      %add3A_1399 = arith.addf %add3A_1389, %mul3A_1398 : vector<16xf32>
      %get3A_1400 = arith.constant 11 : i32
      %get3A_1401 = arith.index_cast %get3A_1400 : i32 to index
      %get3A_1402 = arith.index_cast %mul3A_1291 : i32 to index
      %get3A_1403 = tpu.vector_load %arg9[%get3A_1401, %get3A_1402] {strides = array<i32>} : memref<32x512xf32, #tpu.memory_space<vmem>>, vector<16xf32>,
      %get3A_1404 = arith.constant 11 : i32
      %get3A_1405 = arith.index_cast %get3A_1404 : i32 to index
      %get3A_1406 = arith.index_cast %mul3A_1291 : i32 to index
      %get3A_1407 = tpu.vector_load %arg10[%get3A_1405, %get3A_1406] {strides = array<i32>} : memref<32x512xf32, #tpu.memory_space<vmem>>, vector<16xf32>,
      %mul3A_1408 = arith.mulf %get3A_1403, %get3A_1407 : vector<16xf32>
      %add3A_1409 = arith.addf %add3A_1399, %mul3A_1408 : vector<16xf32>
      %get3A_1410 = arith.constant 12 : i32
      %get3A_1411 = arith.index_cast %get3A_1410 : i32 to index
      %get3A_1412 = arith.index_cast %mul3A_1291 : i32 to index
      %get3A_1413 = tpu.vector_load %arg9[%get3A_1411, %get3A_1412] {strides = array<i32>} : memref<32x512xf32, #tpu.memory_space<vmem>>, vector<16xf32>,
      %get3A_1414 = arith.constant 12 : i32
      %get3A_1415 = arith.index_cast %get3A_1414 : i32 to index
      %get3A_1416 = arith.index_cast %mul3A_1291 : i32 to index
      %get3A_1417 = tpu.vector_load %arg10[%get3A_1415, %get3A_1416] {strides = array<i32>} : memref<32x512xf32, #tpu.memory_space<vmem>>, vector<16xf32>,
      %mul3A_1418 = arith.mulf %get3A_1413, %get3A_1417 : vector<16xf32>
      %add3A_1419 = arith.addf %add3A_1409, %mul3A_1418 : vector<16xf32>
      %get3A_1420 = arith.constant 13 : i32
      %get3A_1421 = arith.index_cast %get3A_1420 : i32 to index
      %get3A_1422 = arith.index_cast %mul3A_1291 : i32 to index
      %get3A_1423 = tpu.vector_load %arg9[%get3A_1421, %get3A_1422] {strides = array<i32>} : memref<32x512xf32, #tpu.memory_space<vmem>>, vector<16xf32>,
      %get3A_1424 = arith.constant 13 : i32
      %get3A_1425 = arith.index_cast %get3A_1424 : i32 to index
      %get3A_1426 = arith.index_cast %mul3A_1291 : i32 to index
      %get3A_1427 = tpu.vector_load %arg10[%get3A_1425, %get3A_1426] {strides = array<i32>} : memref<32x512xf32, #tpu.memory_space<vmem>>, vector<16xf32>,
      %mul3A_1428 = arith.mulf %get3A_1423, %get3A_1427 : vector<16xf32>
      %add3A_1429 = arith.addf %add3A_1419, %mul3A_1428 : vector<16xf32>
      %get3A_1430 = arith.constant 14 : i32
      %get3A_1431 = arith.index_cast %get3A_1430 : i32 to index
      %get3A_1432 = arith.index_cast %mul3A_1291 : i32 to index
      %get3A_1433 = tpu.vector_load %arg9[%get3A_1431, %get3A_1432] {strides = array<i32>} : memref<32x512xf32, #tpu.memory_space<vmem>>, vector<16xf32>,
      %get3A_1434 = arith.constant 14 : i32
      %get3A_1435 = arith.index_cast %get3A_1434 : i32 to index
      %get3A_1436 = arith.index_cast %mul3A_1291 : i32 to index
      %get3A_1437 = tpu.vector_load %arg10[%get3A_1435, %get3A_1436] {strides = array<i32>} : memref<32x512xf32, #tpu.memory_space<vmem>>, vector<16xf32>,
      %mul3A_1438 = arith.mulf %get3A_1433, %get3A_1437 : vector<16xf32>
      %add3A_1439 = arith.addf %add3A_1429, %mul3A_1438 : vector<16xf32>
      %get3A_1440 = arith.constant 15 : i32
      %get3A_1441 = arith.index_cast %get3A_1440 : i32 to index
      %get3A_1442 = arith.index_cast %mul3A_1291 : i32 to index
      %get3A_1443 = tpu.vector_load %arg9[%get3A_1441, %get3A_1442] {strides = array<i32>} : memref<32x512xf32, #tpu.memory_space<vmem>>, vector<16xf32>,
      %get3A_1444 = arith.constant 15 : i32
      %get3A_1445 = arith.index_cast %get3A_1444 : i32 to index
      %get3A_1446 = arith.index_cast %mul3A_1291 : i32 to index
      %get3A_1447 = tpu.vector_load %arg10[%get3A_1445, %get3A_1446] {strides = array<i32>} : memref<32x512xf32, #tpu.memory_space<vmem>>, vector<16xf32>,
      %mul3A_1448 = arith.mulf %get3A_1443, %get3A_1447 : vector<16xf32>
      %add3A_1449 = arith.addf %add3A_1439, %mul3A_1448 : vector<16xf32>
      %get3A_1450 = arith.constant 16 : i32
      %get3A_1451 = arith.index_cast %get3A_1450 : i32 to index
      %get3A_1452 = arith.index_cast %mul3A_1291 : i32 to index
      %get3A_1453 = tpu.vector_load %arg9[%get3A_1451, %get3A_1452] {strides = array<i32>} : memref<32x512xf32, #tpu.memory_space<vmem>>, vector<16xf32>,
      %get3A_1454 = arith.constant 16 : i32
      %get3A_1455 = arith.index_cast %get3A_1454 : i32 to index
      %get3A_1456 = arith.index_cast %mul3A_1291 : i32 to index
      %get3A_1457 = tpu.vector_load %arg10[%get3A_1455, %get3A_1456] {strides = array<i32>} : memref<32x512xf32, #tpu.memory_space<vmem>>, vector<16xf32>,
      %mul3A_1458 = arith.mulf %get3A_1453, %get3A_1457 : vector<16xf32>
      %add3A_1459 = arith.addf %add3A_1449, %mul3A_1458 : vector<16xf32>
      %get3A_1460 = arith.constant 17 : i32
      %get3A_1461 = arith.index_cast %get3A_1460 : i32 to index
      %get3A_1462 = arith.index_cast %mul3A_1291 : i32 to index
      %get3A_1463 = tpu.vector_load %arg9[%get3A_1461, %get3A_1462] {strides = array<i32>} : memref<32x512xf32, #tpu.memory_space<vmem>>, vector<16xf32>,
      %get3A_1464 = arith.constant 17 : i32
      %get3A_1465 = arith.index_cast %get3A_1464 : i32 to index
      %get3A_1466 = arith.index_cast %mul3A_1291 : i32 to index
      %get3A_1467 = tpu.vector_load %arg10[%get3A_1465, %get3A_1466] {strides = array<i32>} : memref<32x512xf32, #tpu.memory_space<vmem>>, vector<16xf32>,
      %mul3A_1468 = arith.mulf %get3A_1463, %get3A_1467 : vector<16xf32>
      %add3A_1469 = arith.addf %add3A_1459, %mul3A_1468 : vector<16xf32>
      %get3A_1470 = arith.constant 18 : i32
      %get3A_1471 = arith.index_cast %get3A_1470 : i32 to index
      %get3A_1472 = arith.index_cast %mul3A_1291 : i32 to index
      %get3A_1473 = tpu.vector_load %arg9[%get3A_1471, %get3A_1472] {strides = array<i32>} : memref<32x512xf32, #tpu.memory_space<vmem>>, vector<16xf32>,
      %get3A_1474 = arith.constant 18 : i32
      %get3A_1475 = arith.index_cast %get3A_1474 : i32 to index
      %get3A_1476 = arith.index_cast %mul3A_1291 : i32 to index
      %get3A_1477 = tpu.vector_load %arg10[%get3A_1475, %get3A_1476] {strides = array<i32>} : memref<32x512xf32, #tpu.memory_space<vmem>>, vector<16xf32>,
      %mul3A_1478 = arith.mulf %get3A_1473, %get3A_1477 : vector<16xf32>
      %add3A_1479 = arith.addf %add3A_1469, %mul3A_1478 : vector<16xf32>
      %get3A_1480 = arith.constant 19 : i32
      %get3A_1481 = arith.index_cast %get3A_1480 : i32 to index
      %get3A_1482 = arith.index_cast %mul3A_1291 : i32 to index
      %get3A_1483 = tpu.vector_load %arg9[%get3A_1481, %get3A_1482] {strides = array<i32>} : memref<32x512xf32, #tpu.memory_space<vmem>>, vector<16xf32>,
      %get3A_1484 = arith.constant 19 : i32
      %get3A_1485 = arith.index_cast %get3A_1484 : i32 to index
      %get3A_1486 = arith.index_cast %mul3A_1291 : i32 to index
      %get3A_1487 = tpu.vector_load %arg10[%get3A_1485, %get3A_1486] {strides = array<i32>} : memref<32x512xf32, #tpu.memory_space<vmem>>, vector<16xf32>,
      %mul3A_1488 = arith.mulf %get3A_1483, %get3A_1487 : vector<16xf32>
      %add3A_1489 = arith.addf %add3A_1479, %mul3A_1488 : vector<16xf32>
      %get3A_1490 = arith.constant 20 : i32
      %get3A_1491 = arith.index_cast %get3A_1490 : i32 to index
      %get3A_1492 = arith.index_cast %mul3A_1291 : i32 to index
      %get3A_1493 = tpu.vector_load %arg9[%get3A_1491, %get3A_1492] {strides = array<i32>} : memref<32x512xf32, #tpu.memory_space<vmem>>, vector<16xf32>,
      %get3A_1494 = arith.constant 20 : i32
      %get3A_1495 = arith.index_cast %get3A_1494 : i32 to index
      %get3A_1496 = arith.index_cast %mul3A_1291 : i32 to index
      %get3A_1497 = tpu.vector_load %arg10[%get3A_1495, %get3A_1496] {strides = array<i32>} : memref<32x512xf32, #tpu.memory_space<vmem>>, vector<16xf32>,
      %mul3A_1498 = arith.mulf %get3A_1493, %get3A_1497 : vector<16xf32>
      %add3A_1499 = arith.addf %add3A_1489, %mul3A_1498 : vector<16xf32>
      %get3A_1500 = arith.constant 21 : i32
      %get3A_1501 = arith.index_cast %get3A_1500 : i32 to index
      %get3A_1502 = arith.index_cast %mul3A_1291 : i32 to index
      %get3A_1503 = tpu.vector_load %arg9[%get3A_1501, %get3A_1502] {strides = array<i32>} : memref<32x512xf32, #tpu.memory_space<vmem>>, vector<16xf32>,
      %get3A_1504 = arith.constant 21 : i32
      %get3A_1505 = arith.index_cast %get3A_1504 : i32 to index
      %get3A_1506 = arith.index_cast %mul3A_1291 : i32 to index
      %get3A_1507 = tpu.vector_load %arg10[%get3A_1505, %get3A_1506] {strides = array<i32>} : memref<32x512xf32, #tpu.memory_space<vmem>>, vector<16xf32>,
      %mul3A_1508 = arith.mulf %get3A_1503, %get3A_1507 : vector<16xf32>
      %add3A_1509 = arith.addf %add3A_1499, %mul3A_1508 : vector<16xf32>
      %get3A_1510 = arith.constant 22 : i32
      %get3A_1511 = arith.index_cast %get3A_1510 : i32 to index
      %get3A_1512 = arith.index_cast %mul3A_1291 : i32 to index
      %get3A_1513 = tpu.vector_load %arg9[%get3A_1511, %get3A_1512] {strides = array<i32>} : memref<32x512xf32, #tpu.memory_space<vmem>>, vector<16xf32>,
      %get3A_1514 = arith.constant 22 : i32
      %get3A_1515 = arith.index_cast %get3A_1514 : i32 to index
      %get3A_1516 = arith.index_cast %mul3A_1291 : i32 to index
      %get3A_1517 = tpu.vector_load %arg10[%get3A_1515, %get3A_1516] {strides = array<i32>} : memref<32x512xf32, #tpu.memory_space<vmem>>, vector<16xf32>,
      %mul3A_1518 = arith.mulf %get3A_1513, %get3A_1517 : vector<16xf32>
      %add3A_1519 = arith.addf %add3A_1509, %mul3A_1518 : vector<16xf32>
      %get3A_1520 = arith.constant 23 : i32
      %get3A_1521 = arith.index_cast %get3A_1520 : i32 to index
      %get3A_1522 = arith.index_cast %mul3A_1291 : i32 to index
      %get3A_1523 = tpu.vector_load %arg9[%get3A_1521, %get3A_1522] {strides = array<i32>} : memref<32x512xf32, #tpu.memory_space<vmem>>, vector<16xf32>,
      %get3A_1524 = arith.constant 23 : i32
      %get3A_1525 = arith.index_cast %get3A_1524 : i32 to index
      %get3A_1526 = arith.index_cast %mul3A_1291 : i32 to index
      %get3A_1527 = tpu.vector_load %arg10[%get3A_1525, %get3A_1526] {strides = array<i32>} : memref<32x512xf32, #tpu.memory_space<vmem>>, vector<16xf32>,
      %mul3A_1528 = arith.mulf %get3A_1523, %get3A_1527 : vector<16xf32>
      %add3A_1529 = arith.addf %add3A_1519, %mul3A_1528 : vector<16xf32>
      %get3A_1530 = arith.constant 24 : i32
      %get3A_1531 = arith.index_cast %get3A_1530 : i32 to index
      %get3A_1532 = arith.index_cast %mul3A_1291 : i32 to index
      %get3A_1533 = tpu.vector_load %arg9[%get3A_1531, %get3A_1532] {strides = array<i32>} : memref<32x512xf32, #tpu.memory_space<vmem>>, vector<16xf32>,
      %get3A_1534 = arith.constant 24 : i32
      %get3A_1535 = arith.index_cast %get3A_1534 : i32 to index
      %get3A_1536 = arith.index_cast %mul3A_1291 : i32 to index
      %get3A_1537 = tpu.vector_load %arg10[%get3A_1535, %get3A_1536] {strides = array<i32>} : memref<32x512xf32, #tpu.memory_space<vmem>>, vector<16xf32>,
      %mul3A_1538 = arith.mulf %get3A_1533, %get3A_1537 : vector<16xf32>
      %add3A_1539 = arith.addf %add3A_1529, %mul3A_1538 : vector<16xf32>
      %get3A_1540 = arith.constant 25 : i32
      %get3A_1541 = arith.index_cast %get3A_1540 : i32 to index
      %get3A_1542 = arith.index_cast %mul3A_1291 : i32 to index
      %get3A_1543 = tpu.vector_load %arg9[%get3A_1541, %get3A_1542] {strides = array<i32>} : memref<32x512xf32, #tpu.memory_space<vmem>>, vector<16xf32>,
      %get3A_1544 = arith.constant 25 : i32
      %get3A_1545 = arith.index_cast %get3A_1544 : i32 to index
      %get3A_1546 = arith.index_cast %mul3A_1291 : i32 to index
      %get3A_1547 = tpu.vector_load %arg10[%get3A_1545, %get3A_1546] {strides = array<i32>} : memref<32x512xf32, #tpu.memory_space<vmem>>, vector<16xf32>,
      %mul3A_1548 = arith.mulf %get3A_1543, %get3A_1547 : vector<16xf32>
      %add3A_1549 = arith.addf %add3A_1539, %mul3A_1548 : vector<16xf32>
      %get3A_1550 = arith.constant 26 : i32
      %get3A_1551 = arith.index_cast %get3A_1550 : i32 to index
      %get3A_1552 = arith.index_cast %mul3A_1291 : i32 to index
      %get3A_1553 = tpu.vector_load %arg9[%get3A_1551, %get3A_1552] {strides = array<i32>} : memref<32x512xf32, #tpu.memory_space<vmem>>, vector<16xf32>,
      %get3A_1554 = arith.constant 26 : i32
      %get3A_1555 = arith.index_cast %get3A_1554 : i32 to index
      %get3A_1556 = arith.index_cast %mul3A_1291 : i32 to index
      %get3A_1557 = tpu.vector_load %arg10[%get3A_1555, %get3A_1556] {strides = array<i32>} : memref<32x512xf32, #tpu.memory_space<vmem>>, vector<16xf32>,
      %mul3A_1558 = arith.mulf %get3A_1553, %get3A_1557 : vector<16xf32>
      %add3A_1559 = arith.addf %add3A_1549, %mul3A_1558 : vector<16xf32>
      %get3A_1560 = arith.constant 27 : i32
      %get3A_1561 = arith.index_cast %get3A_1560 : i32 to index
      %get3A_1562 = arith.index_cast %mul3A_1291 : i32 to index
      %get3A_1563 = tpu.vector_load %arg9[%get3A_1561, %get3A_1562] {strides = array<i32>} : memref<32x512xf32, #tpu.memory_space<vmem>>, vector<16xf32>,
      %get3A_1564 = arith.constant 27 : i32
      %get3A_1565 = arith.index_cast %get3A_1564 : i32 to index
      %get3A_1566 = arith.index_cast %mul3A_1291 : i32 to index
      %get3A_1567 = tpu.vector_load %arg10[%get3A_1565, %get3A_1566] {strides = array<i32>} : memref<32x512xf32, #tpu.memory_space<vmem>>, vector<16xf32>,
      %mul3A_1568 = arith.mulf %get3A_1563, %get3A_1567 : vector<16xf32>
      %add3A_1569 = arith.addf %add3A_1559, %mul3A_1568 : vector<16xf32>
      %get3A_1570 = arith.constant 28 : i32
      %get3A_1571 = arith.index_cast %get3A_1570 : i32 to index
      %get3A_1572 = arith.index_cast %mul3A_1291 : i32 to index
      %get3A_1573 = tpu.vector_load %arg9[%get3A_1571, %get3A_1572] {strides = array<i32>} : memref<32x512xf32, #tpu.memory_space<vmem>>, vector<16xf32>,
      %get3A_1574 = arith.constant 28 : i32
      %get3A_1575 = arith.index_cast %get3A_1574 : i32 to index
      %get3A_1576 = arith.index_cast %mul3A_1291 : i32 to index
      %get3A_1577 = tpu.vector_load %arg10[%get3A_1575, %get3A_1576] {strides = array<i32>} : memref<32x512xf32, #tpu.memory_space<vmem>>, vector<16xf32>,
      %mul3A_1578 = arith.mulf %get3A_1573, %get3A_1577 : vector<16xf32>
      %add3A_1579 = arith.addf %add3A_1569, %mul3A_1578 : vector<16xf32>
      %get3A_1580 = arith.constant 29 : i32
      %get3A_1581 = arith.index_cast %get3A_1580 : i32 to index
      %get3A_1582 = arith.index_cast %mul3A_1291 : i32 to index
      %get3A_1583 = tpu.vector_load %arg9[%get3A_1581, %get3A_1582] {strides = array<i32>} : memref<32x512xf32, #tpu.memory_space<vmem>>, vector<16xf32>,
      %get3A_1584 = arith.constant 29 : i32
      %get3A_1585 = arith.index_cast %get3A_1584 : i32 to index
      %get3A_1586 = arith.index_cast %mul3A_1291 : i32 to index
      %get3A_1587 = tpu.vector_load %arg10[%get3A_1585, %get3A_1586] {strides = array<i32>} : memref<32x512xf32, #tpu.memory_space<vmem>>, vector<16xf32>,
      %mul3A_1588 = arith.mulf %get3A_1583, %get3A_1587 : vector<16xf32>
      %add3A_1589 = arith.addf %add3A_1579, %mul3A_1588 : vector<16xf32>
      %get3A_1590 = arith.constant 30 : i32
      %get3A_1591 = arith.index_cast %get3A_1590 : i32 to index
      %get3A_1592 = arith.index_cast %mul3A_1291 : i32 to index
      %get3A_1593 = tpu.vector_load %arg9[%get3A_1591, %get3A_1592] {strides = array<i32>} : memref<32x512xf32, #tpu.memory_space<vmem>>, vector<16xf32>,
      %get3A_1594 = arith.constant 30 : i32
      %get3A_1595 = arith.index_cast %get3A_1594 : i32 to index
      %get3A_1596 = arith.index_cast %mul3A_1291 : i32 to index
      %get3A_1597 = tpu.vector_load %arg10[%get3A_1595, %get3A_1596] {strides = array<i32>} : memref<32x512xf32, #tpu.memory_space<vmem>>, vector<16xf32>,
      %mul3A_1598 = arith.mulf %get3A_1593, %get3A_1597 : vector<16xf32>
      %add3A_1599 = arith.addf %add3A_1589, %mul3A_1598 : vector<16xf32>
      %get3A_1600 = arith.constant 31 : i32
      %get3A_1601 = arith.index_cast %get3A_1600 : i32 to index
      %get3A_1602 = arith.index_cast %mul3A_1291 : i32 to index
      %get3A_1603 = tpu.vector_load %arg9[%get3A_1601, %get3A_1602] {strides = array<i32>} : memref<32x512xf32, #tpu.memory_space<vmem>>, vector<16xf32>,
      %get3A_1604 = arith.constant 31 : i32
      %get3A_1605 = arith.index_cast %get3A_1604 : i32 to index
      %get3A_1606 = arith.index_cast %mul3A_1291 : i32 to index
      %get3A_1607 = tpu.vector_load %arg10[%get3A_1605, %get3A_1606] {strides = array<i32>} : memref<32x512xf32, #tpu.memory_space<vmem>>, vector<16xf32>,
      %mul3A_1608 = arith.mulf %get3A_1603, %get3A_1607 : vector<16xf32>
      %add3A_1609 = arith.addf %add3A_1599, %mul3A_1608 : vector<16xf32>
      %swap3A = arith.index_cast %mul3A_1291 : i32 to index
      %swap3A_1610 = tpu.vector_load %arg11[%swap3A] {strides = array<i32>} : memref<512xf32, #tpu.memory_space<vmem>>, vector<16xf32>,
      tpu.vector_store %arg11[%swap3A], %add3A_1609 {strides = array<i32>} : memref<512xf32, #tpu.memory_space<vmem>>, vector<16xf32>,
    }
    %scan3A_1284 = arith.constant 32 : i32
    "tpu.region"() ({
      %run_scoped3A = tpu.sem_alloc : memref<!tpu.dma_semaphore, #tpu.memory_space<semaphore_mem>>
      %dma_start3A_1285 = tpu.memref_slice %arg6[%mul3A_2] : memref<16384xf32, #tpu.memory_space<hbm>> -> memref<512xf32, #tpu.memory_space<hbm>>
      %dma_start3A_1286 = tpu.memref_slice %arg6[%mul3A_2] : memref<16384xf32, #tpu.memory_space<hbm>> -> memref<512xf32, #tpu.memory_space<hbm>>
      tpu.enqueue_dma source(%arg11 : memref<512xf32, #tpu.memory_space<vmem>>) target(%dma_start3A_1286 : memref<512xf32, #tpu.memory_space<hbm>>) target_semaphore(%run_scoped3A : memref<!tpu.dma_semaphore, #tpu.memory_space<semaphore_mem>>)
      %dma_wait3A_1287 = tpu.memref_slice %arg6[%mul3A_2] : memref<16384xf32, #tpu.memory_space<hbm>> -> memref<512xf32, #tpu.memory_space<hbm>>
      %dma_wait3A_1288 = tpu.memref_slice %arg6[%mul3A_2] : memref<16384xf32, #tpu.memory_space<hbm>> -> memref<512xf32, #tpu.memory_space<hbm>>
      tpu.wait_dma2 semaphore(%run_scoped3A : memref<!tpu.dma_semaphore, #tpu.memory_space<semaphore_mem>>) src(%arg11 : memref<512xf32, #tpu.memory_space<vmem>>) dst(%dma_wait3A_1288 : memref<512xf32, #tpu.memory_space<hbm>>)
      tpu.yield
    }) : () -> ()
    return
  }
}

</mosaic_0001>

<sc_bundles>
// kernel: kernel.3.cloned.1.call-start
scs
__scs_entry_jumppad:
0x0: {  	(pc) =	sbr.rel $0x88, $3  }
0x1: {  	(tag) =	ssettag $0x0;
	lr =	simm.s32 $0x1  }
0x2: {  	[smem:$0x3F9D] =	sst lr;
	_ =	strace $0xD0000000  }
0x3: {  	_ = 	snop  }
0x4: {  	_ = 	snop  }
0x5: {  	_ = 	snop  }
0x6: {  	_ = 	snop  }
0x7: {  	_ = 	snop  }
__scs_overlays_trampoline_lowered:
0x8: {  	[smem:$0x3FAC] =	sst s0  }
0x9: {  	[smem:$0x3FAD] =	sst s1  }
0xa: {  	[smem:$0x3FAE] =	sst s2  }
0xb: {  	[smem:$0x3FAF] =	sst s3  }
0xc: {  	[smem:$0x3FB0] =	sst s4  }
0xd: {  	[smem:$0x3FB1] =	sst s5  }
0xe: {  	[smem:$0x3FB2] =	sst s6  }
0xf: {  	[smem:$0x3FB3] =	sst s7  }
0x10: {  	[smem:$0x3FB4] =	sst s8  }
0x11: {  	[smem:$0x3FB5] =	sst s9;
	s0 =	simm.s32 @!p0 $0x0  }
0x12: {  	s1 =	sld [smem:$0x3F9B];
	s0 =	simm.s32 @p0 $0x1  }
0x13: {  	[smem:$0x3FB6] =	sst s0;
	s0 =	simm.s32 @!p1 $0x0  }
0x14: {  	s2 =	sld [smem:$0x3F9A];
	s0 =	simm.s32 @p1 $0x1  }
0x15: {  	[smem:$0x3FB7] =	sst s0;
	s0 =	simm.s32 @!p2 $0x0  }
0x16: {  	s3 =	sld [smem:$0x3FDB];
	s0 =	simm.s32 @p2 $0x1  }
0x17: {  	s4 =	simm.s32 $0x1BF5;
	[smem:$0x3FB9] =	sst s0  }
0x18: {  	s0 =	sld [smem:$0x3F9C];
	_ =	swait.ge [sflag:s4], $0x0  }
0x19: {  	s7 =	sld [smem:$0x3F9D]  }
0x1a: {  	s8 =	sadd.s32 $0xFFFFE003, lr  }
0x1b: {  	s9 =	sadd.s32 $0xFFFFFEF7, lr;
	s5 =	simm.s32 $0xFFFFFFFF;
	p2 =	slt.u32 s8, $0xFFFFF086  }
0x1c: {  	p1 =	slt.u32 s9, $0xF7A;
	s5 =	simm.s32 @!p2 $0x0  }
0x1d: {  	s5 =	simm.s32 @p1 $0x1;
	p0 =	seq.s32 s7, s2  }
0x1e: {  	s7 =	smul.u32 @!p0 $0xF7A, s2;
	p2 =	seq.s32 @!p0 s5, $0x0  }
0x1f: {  	s9 =	smul.u32 $0xF7A, s1;
	s8 =	simm.s32 @!p0 $0x1BF5;
	p2 =	por !p2, p0  }
0x20: {  	[sflag:s8] =	ssyncset.s32 @!p0 $0xFFFFF086;
	s6 =	sadd.s32 @!p0 s3, s7;
	s7 =	simm.s32 @!p0 $0x108  }
0x21: {  	s3 =	sadd.s32 s3, s9;
	s6 =	sadd.s32 @!p0 $0x88, s6;
	s7 =	simm.s32 @p2 $0x1082  }
0x22: {  	[simem:s7], [sflag:s8] =	dma.local @!p0 [hbm:s6], $0xF7A  }
0x23: {  	s9 =	sor.u32 $0xD0000000, s2;
	s6 =	simm.s32 $0x108;
	_ =	swait.ge @!p0 [sflag:s8], $0x0  }
0x24: {  	s3 =	sadd.s32 $0x88, s3;
	s6 =	simm.s32 @!p1 $0x1082;
	[sflag:s4] =	ssyncset.s32 $0xFFFFF086  }
0x25: {  	[simem:s6], [sflag:s4] =	dma.local [hbm:s3], $0xF7A  }
0x26: {  	[smem:$0x3F9D] =	sst s1;
	(tag) =	ssettag s2;
	_ =	strace s9  }
0x27: {  	s1 =	sld [smem:$0x3FAD]  }
0x28: {  	s2 =	sld [smem:$0x3FAE]  }
0x29: {  	s4 =	sld [smem:$0x3FB0]  }
0x2a: {  	p0 =	seq.s32 s5, $0x0;
	s5 =	sld [smem:$0x3FB1]  }
0x2b: {  	s6 =	sld [smem:$0x3FB2]  }
0x2c: {  	s7 =	sld [smem:$0x3FB3]  }
0x2d: {  	s3 =	simm.s32 $0x108;
	s8 =	sld [smem:$0x3FB4]  }
0x2e: {  	s3 =	simm.s32 @!p0 $0x1082;
	s9 =	sld [smem:$0x3FB5]  }
0x2f: {  	lr =	sadd.s32 s0, s3;
	s0 =	sld [smem:$0x3FAC]  }
0x30: {  	s3 =	sld [smem:$0x3FAF]  }
0x31: {  	[smem:$0x3FB8] =	sst s10  }
0x32: {  	s10 =	sld [smem:$0x3FB6];
	_ =	sdelay $0x3  }
0x33: {  	p0 =	seq.s32 s10, $0x1;
	s10 =	sld [smem:$0x3FB8];
	_ =	sdelay $0x3  }
0x34: {  	[smem:$0x3FB8] =	sst s10  }
0x35: {  	s10 =	sld [smem:$0x3FB7];
	_ =	sdelay $0x3  }
0x36: {  	p1 =	seq.s32 s10, $0x1;
	s10 =	sld [smem:$0x3FB8];
	_ =	sdelay $0x3  }
0x37: {  	[smem:$0x3FB8] =	sst s10  }
0x38: {  	s10 =	sld [smem:$0x3FB9]  }
0x39: {  	_ = 	snop;
	(pc) =	sbr.ind lr, $3  }
0x3a: {  	_ = 	snop  }
0x3b: {  	_ = 	snop  }
0x3c: {  	p2 =	seq.s32 s10, $0x1;
	s10 =	sld [smem:$0x3FB8]  }
0x3d: {  	_ =	shalt  }
0x3e: {  	_ =	shalt  }
0x3f: {  	_ =	shalt  }
0x40: {  	_ =	shalt  }
0x41: {  	_ =	shalt  }
0x42: {  	_ =	shalt  }
0x43: {  	_ =	shalt  }
0x44: {  	_ =	shalt  }
0x45: {  	_ =	shalt  }
0x46: {  	_ =	shalt  }
0x47: {  	_ =	shalt  }
0x48: {  	_ =	shalt  }
0x49: {  	_ =	shalt  }
0x4a: {  	_ =	shalt  }
0x4b: {  	_ =	shalt  }
0x4c: {  	_ =	shalt  }
0x4d: {  	_ =	shalt  }
0x4e: {  	_ =	shalt  }
0x4f: {  	_ =	shalt  }
0x50: {  	_ =	shalt  }
0x51: {  	_ =	shalt  }
0x52: {  	_ =	shalt  }
0x53: {  	_ =	shalt  }
0x54: {  	_ =	shalt  }
0x55: {  	_ =	shalt  }
0x56: {  	_ =	shalt  }
0x57: {  	_ =	shalt  }
0x58: {  	_ =	shalt  }
0x59: {  	_ =	shalt  }
0x5a: {  	_ =	shalt  }
0x5b: {  	_ =	shalt  }
0x5c: {  	_ =	shalt  }
0x5d: {  	_ =	shalt  }
0x5e: {  	_ =	shalt  }
0x5f: {  	_ =	shalt  }
0x60: {  	_ =	shalt  }
0x61: {  	_ =	shalt  }
0x62: {  	_ =	shalt  }
0x63: {  	_ =	shalt  }
0x64: {  	_ =	shalt  }
0x65: {  	_ =	shalt  }
0x66: {  	_ =	shalt  }
0x67: {  	_ =	shalt  }
0x68: {  	_ =	shalt  }
0x69: {  	_ =	shalt  }
0x6a: {  	_ =	shalt  }
0x6b: {  	_ =	shalt  }
0x6c: {  	_ =	shalt  }
0x6d: {  	_ =	shalt  }
0x6e: {  	_ =	shalt  }
0x6f: {  	_ =	shalt  }
0x70: {  	_ =	shalt  }
0x71: {  	_ =	shalt  }
0x72: {  	_ =	shalt  }
0x73: {  	_ =	shalt  }
0x74: {  	_ =	shalt  }
0x75: {  	_ =	shalt  }
0x76: {  	_ =	shalt  }
0x77: {  	_ =	shalt  }
0x78: {  	_ =	shalt  }
0x79: {  	_ =	shalt  }
0x7a: {  	_ =	shalt  }
0x7b: {  	_ =	shalt  }
0x7c: {  	_ =	shalt  }
0x7d: {  	_ =	shalt  }
0x7e: {  	_ =	shalt  }
0x7f: {  	_ =	shalt  }
0x80: {  	_ =	shalt  }
0x81: {  	_ =	shalt  }
0x82: {  	_ =	shalt  }
0x83: {  	_ =	shalt  }
0x84: {  	_ =	shalt  }
0x85: {  	_ =	shalt  }
0x86: {  	_ =	shalt  }
0x87: {  	_ =	shalt  }
.Lfunc_end0:
.L_simem_size_0:
called_computation_lowered:
.L_overlay_start_0:
0x88: {  	s2 =	sld [smem:$0x3FD9]  }
0x89: {  	s3 =	sld [smem:$0x3FFE];
	_ =	sdelay $0x1  }
0x8a: {  	s1 =	srdreg.scid  }
0x8b: {  	s0 =	sand.u32 $0x1, s1  }
0x8c: {  	s17 =	sshll.u32 s0, $0xA;
	s2 =	sadd.s32 s3, s2  }
0x8d: {  	s2 =	sadd.s32 s2, s17  }
0x8e: {  	[smem:$0x3FC4] =	sst s2  }
0x8f: {  	_ = 	snop  }
0x90: {  	s2 =	sld [smem:$0x3FC9]  }
0x91: {  	s18 =	sld [smem:$0x3FC8]  }
0x92: {  	s4 =	sld [smem:$0x3FD0];
	(tm) =	ssettm $0x1  }
0x93: {  	s5 =	sld [smem:$0x3FFB];
	_ =	sdelay $0x3  }
0x94: {  	_ =	strace s5  }
0x95: {  	s5 =	sld [smem:$0x3FFC];
	_ =	sdelay $0x3  }
0x96: {  	_ =	strace s5  }
0x97: {  	s5 =	sld [smem:$0x3FFD];
	_ =	sdelay $0x3  }
0x98: {  	_ =	strace s5  }
0x99: {  	_ =	strace $0x8FFFFFFF  }
0x9a: {  	s19 =	sld [smem:$0x3FDB];
	_ =	sdelay $0x1  }
0x9b: {  	s6 =	simm.s32 $_scs_section_size  }
0x9c: {  	s7 =	simm.s32 $_size__tile_overlayer_lowered;
	s8 =	simm.s32 $_tile_overlayer_lowered  }
0x9d: {  	s22 =	simm.s32 $0x1BFF;
	s21 =	sshll.u32 s8, $0x1;
	s5 =	sadd.s32 s6, s19  }
0x9e: {  	s9 =	simm.s32 $0x0;
	s20 =	sshll.u32 s7, $0x1;
	s7 =	sadd.s32 s21, s5  }
0x9f: {  	[timem:s9], [sflag:s22] =	dma.local [hbm:s7], s20  }
0xa0: {  	_ =	swait.ge [sflag:s22], s20  }
0xa1: {  	s6 =	ssub.s32 $0x0, s20;
	[sflag:s22] =	ssyncset.done $0x0  }
0xa2: {  	[sflag:s22] =	ssyncadd.s32 s6;
	_ =	sdelay $0x1  }
0xa3: {  	s23 =	simm.s32 $0x1B8B  }
0xa4: {  	_ =	swait.ge [sflag:s23], $0x1  }
0xa5: {  	[sflag:s23] =	ssyncset.done $0x0  }
0xa6: {  	s25 =	simm.s32 $0x1B8E;
	s24 =	sld [smem:$0x3FFE];
	[sflag:s23] =	ssyncadd.s32 $0xFFFFFFFF  }
0xa7: {  	s26 =	simm.s32 $execute0_lowered;
	[smem:$0x3FD2] =	sst s25  }
0xa8: {  	s7 =	sshll.u32 s26, $0x1;
	_ =	strace $0x80000046;
	[dreg:$0x1] =	wrdreg $0xFFFFFFFF  }
0xa9: {  	s28 =	simm.s32 $_size_execute0_lowered;
	s5 =	sadd.s32 s5, s7;
	[dreg:$0x0] =	wrdreg $0x0  }
0xaa: {  	s7 =	sshll.u32 s28, $0x1;
	[dreg:$0x2] =	wrdreg s5  }
0xab: {  	[dreg:$0x3] =	wrdreg s7  }
0xac: {  	[dreg:$0x4] =	wrdreg $0xC0  }
0xad: {  	_ =	task [dreg:s9], $0x5FFFF  }
0xae: {  	[dreg:$0x1] =	wrdreg $0xFFFFFFFF  }
0xaf: {  	[dreg:$0x0] =	wrdreg $0x60  }
0xb0: {  	[dreg:$0x2] =	wrdreg s2  }
0xb1: {  	[dreg:$0x3] =	wrdreg s18  }
0xb2: {  	[dreg:$0x4] =	wrdreg s24  }
0xb3: {  	[dreg:$0x5] =	wrdreg s4  }
0xb4: {  	[dreg:$0x6] =	wrdreg $0x9  }
0xb5: {  	_ =	task.clear_ibuf [dreg:s9], $0x7FFFF;
	_ =	strace $0x90000046  }
0xb6: {  	s29 =	simm.s32 $0x9;
	_ =	strace $0x80000048  }
0xb7: {  	_ =	swait.ge [sflag:s29], $0x1  }
0xb8: {  	[sflag:s29] =	ssyncadd.s32 $0xFFFFFFFF  }
0xb9: {  	_ =	strace $0x90000048  }
0xba: {  	_ =	sfence  }
0xbb: {  	s30 =	sld [smem:$0x0];
	_ =	sdelay $0x2  }
0xbc: {  	s31 =	sshll.u32 s1, $0xD;
	s1 =	sshrl.u32 s1, $0x2  }
0xbd: {  	s3 =	sand.u32 $0x4000, s31;
	s1 =	sadd.s32 s1, s30  }
0xbe: {  	s0 =	sor.u32 s3, s0;
	s1 =	sshll.u32 s1, $0x11  }
0xbf: {  	s0 =	sor.u32 s1, s0  }
0xc0: {  	s0 =	sadd.s32 $0x8F2B, s0  }
0xc1: {  	[sflag:s0] =	ssyncadd.remote.s32 $0x1  }
0xc2: {  	_ =	sfence.sel $0xFFFF  }
0xc3: {  	[dreg:$0x0] =	wrdreg $0xFFFFFFFF;
	(pc) =	sbr.abs _section_cstart, $3  }
0xc4: {  	[dreg:$0x1] =	wrdreg $0xFFFFFFFF  }
0xc5: {  	_ =	task.clear_ibuf [dreg:s9], $0x2FFFF;
	_ =	strace $0x9FFFFFFF  }
0xc6: {  	(tm) =	ssettm $0x7FFFFFFF  }
0xc7: {  	_ =	shalt  }
tec
execute0_lowered:
.L_overlay_start_1:
0x0: {  	(tag) =	ssettag $0x1  }
0x1: {  	s0 =	rddreg [dreg:$0x0]  }
0x2: {  	s3 =	rddreg [dreg:$0x1]  }
0x3: {  	s1 =	rddreg [dreg:$0x2]  }
0x4: {  	s6 =	rddreg [dreg:$0x3];
	s2 =	simm.s32 $0x0  }
0x5: {  	[smem:$0x7FF] =	sst s2;
	s4 =	sadd.s32 $0x3D0A00, s1  }
0x6: {  	s15 =	sadd.s32 $0x3EF248, s1;
	_ =	strace $0x80000047;
	[dreg:$0x5] =	wrdreg s4  }
0x7: {  	s16 =	sadd.s32 $0x40DA90, s1;
	[dreg:$0x6] =	wrdreg s15  }
0x8: {  	s17 =	sadd.s32 $0x1E848, s1;
	[dreg:$0x7] =	wrdreg s16  }
0x9: {  	s18 =	sadd.s32 $0x3D090, s1;
	[dreg:$0x8] =	wrdreg s17  }
0xa: {  	s19 =	sadd.s32 $0x42C2D8, s1;
	[dreg:$0x9] =	wrdreg s18  }
0xb: {  	s20 =	sadd.s32 $0x5B8D8, s1;
	[dreg:$0xa] =	wrdreg s19  }
0xc: {  	s21 =	sadd.s32 $0x44AB20, s1;
	[dreg:$0xb] =	wrdreg s20  }
0xd: {  	s22 =	sadd.s32 $0x7A120, s1;
	[dreg:$0xc] =	wrdreg s21  }
0xe: {  	s23 =	sadd.s32 $0x469368, s1;
	[dreg:$0xd] =	wrdreg s22  }
0xf: {  	s24 =	sadd.s32 $0x487BB0, s1;
	[dreg:$0xe] =	wrdreg s23  }
0x10: {  	s25 =	sadd.s32 $0x98968, s1;
	[dreg:$0xf] =	wrdreg s24  }
0x11: {  	s26 =	sadd.s32 $0xB71B0, s1;
	[dreg:$0x10] =	wrdreg s25  }
0x12: {  	s5 =	sadd.s32 $0x4A63F8, s1;
	[dreg:$0x11] =	wrdreg s26  }
0x13: {  	s7 =	sadd.s32 $0xD59F8, s1;
	s8 =	sadd.s32 $0x4C4C40, s1;
	[dreg:$0x12] =	wrdreg s5  }
0x14: {  	s9 =	sadd.s32 $0xF4240, s1;
	s10 =	sadd.s32 $0x4E3488, s1;
	[dreg:$0x13] =	wrdreg s7  }
0x15: {  	s11 =	sadd.s32 $0x112A88, s1;
	s12 =	sadd.s32 $0x501CD0, s1;
	[dreg:$0x14] =	wrdreg s8  }
0x16: {  	s13 =	sadd.s32 $0x1312D0, s1;
	s14 =	sadd.s32 $0x520518, s1;
	[dreg:$0x15] =	wrdreg s9  }
0x17: {  	s28 =	sadd.s32 $0x708998, s1;
	s29 =	sadd.s32 $0x337F98, s1;
	[dreg:$0x16] =	wrdreg s10  }
0x18: {  	s31 =	sadd.s32 $0x7271E0, s1;
	[dreg:$0x17] =	wrdreg s11;
	s15 =	sadd.s32 $0x14FB18, s1  }
0x19: {  	[dreg:$0x18] =	wrdreg s12;
	s16 =	sadd.s32 $0x53ED60, s1;
	s17 =	sadd.s32 $0x16E360, s1  }
0x1a: {  	[dreg:$0x19] =	wrdreg s13;
	s18 =	sadd.s32 $0x55D5A8, s1;
	s19 =	sadd.s32 $0x18CBA8, s1  }
0x1b: {  	[dreg:$0x1a] =	wrdreg s14;
	s20 =	sadd.s32 $0x57BDF0, s1;
	s21 =	sadd.s32 $0x1AB3F0, s1  }
0x1c: {  	s22 =	sadd.s32 $0x59A638, s1;
	[smem:$0x7EC] =	sst s20  }
0x1d: {  	s23 =	sadd.s32 $0x1C9C38, s1;
	[smem:$0x7ED] =	sst s21  }
0x1e: {  	s24 =	sadd.s32 $0x5B8E80, s1;
	[smem:$0x7EE] =	sst s22  }
0x1f: {  	s25 =	sadd.s32 $0x1E8480, s1;
	[smem:$0x7EF] =	sst s23  }
0x20: {  	s26 =	sadd.s32 $0x5D76C8, s1;
	[smem:$0x7F0] =	sst s24  }
0x21: {  	s5 =	sadd.s32 $0x206CC8, s1;
	[smem:$0x7F1] =	sst s25  }
0x22: {  	s7 =	sadd.s32 $0x5F5F10, s1;
	[smem:$0x7F2] =	sst s26  }
0x23: {  	s8 =	sadd.s32 $0x225510, s1;
	[smem:$0x7F3] =	sst s5  }
0x24: {  	s10 =	sadd.s32 $0x243D58, s1;
	[smem:$0x7F4] =	sst s7  }
0x25: {  	s11 =	sadd.s32 $0x632FA0, s1;
	[smem:$0x7F5] =	sst s8  }
0x26: {  	s12 =	sadd.s32 $0x2625A0, s1;
	[smem:$0x7F7] =	sst s10  }
0x27: {  	s14 =	sadd.s32 $0x280DE8, s1;
	[smem:$0x7F8] =	sst s11  }
0x28: {  	s5 =	sadd.s32 $0x614758, s1;
	[smem:$0x7F9] =	sst s12  }
0x29: {  	s9 =	srdreg.scid;
	s7 =	sadd.s32 $0x6517E8, s1;
	[smem:$0x7FB] =	sst s14  }
0x2a: {  	[dreg:$0x1c] =	wrdreg s16;
	s8 =	sadd.s32 $0x670030, s1;
	s16 =	sadd.s32 $0x29F630, s1  }
0x2b: {  	[dreg:$0x1f] =	wrdreg s19;
	s19 =	sadd.s32 $0x68E878, s1;
	s20 =	sadd.s32 $0x2BDE78, s1  }
0x2c: {  	[dreg:$0x1b] =	wrdreg s15;
	s21 =	sadd.s32 $0x6AD0C0, s1;
	s22 =	sadd.s32 $0x2DC6C0, s1  }
0x2d: {  	[dreg:$0x1d] =	wrdreg s17;
	s23 =	sadd.s32 $0x6CB908, s1;
	s24 =	sadd.s32 $0x2FAF08, s1  }
0x2e: {  	[dreg:$0x1e] =	wrdreg s18;
	s25 =	sadd.s32 $0x6EA150, s1;
	s26 =	sadd.s32 $0x319750, s1  }
0x2f: {  	s4 =	sand.u32 $0x1, s9;
	s10 =	sadd.s32 $0x782AB8, s1;
	[smem:$0x7F6] =	sst s5  }
0x30: {  	s17 =	stileid.u32;
	s11 =	sadd.s32 $0x3B20B8, s1;
	[smem:$0x7FA] =	sst s7  }
0x31: {  	s12 =	simm.s32 $0x2;
	s14 =	simm.s32 $0x1;
	[smem:$0x7FC] =	sst s8  }
0x32: {  	s13 =	ssub.s32 $0x2, s4;
	[smem:$0x7FD] =	sst s16;
	s4 =	sshll.u32 s4, $0x6  }
0x33: {  	s5 =	sshll.u32 s17, $0x7;
	s7 =	sadd.s32 $0x764270, s1;
	s8 =	sadd.s32 $0x393870, s1  }
0x34: {  	s15 =	sshrl.u32 s13, $0x1;
	s18 =	sor.u32 s4, s5;
	s4 =	sadd.s32 $0x745A28, s1  }
0x35: {  	s5 =	sadd.s32 $0x375028, s1;
	s9 =	ssub.s32 s13, s15;
	s30 =	sadd.s32 s0, s18  }
0x36: {  	s0 =	sadd.s32 $0x3567E0, s1;
	s3 =	sadd.s32 s3, s18;
	s6 =	sadd.s32 s6, s18  }
0x37: {  	s13 =	simm.s32 $0x200;
	s15 =	simm.s32 $0x0;
	s9 =	smax.u32 s9, $0x1  }
.LBB2_1:
0x38: {  	[tilespmem:s2], [sflag:$0x2] =	stream.linear.gather [hbm4b:s30+s2], $0x200, $0x38;
	[tilespmem:$0x8600] =	vst v63  }
0x39: {  	_ =	swait.ge [sflag:s12], $0x200  }
0x3a: {  	[sflag:s12] =	ssyncset.done $0x0  }
0x3b: {  	[sflag:s12] =	ssyncadd.s32 $0xFFFFFE00  }
0x3c: {  	[tilespmem:s13], [sflag:$0x2] =	stream.linear.gather [hbm4b:s3+s2], $0x200, $0x38;
	[tilespmem:$0x8600] =	vst v63  }
0x3d: {  	_ =	swait.ge [sflag:s12], $0x200  }
0x3e: {  	[sflag:s12] =	ssyncset.done $0x0  }
0x3f: {  	s17 =	simm.s32 $0x400;
	s16 =	rddreg [dreg:$0x5];
	[sflag:s12] =	ssyncadd.s32 $0xFFFFFE00  }
0x40: {  	[tilespmem:s17], [sflag:$0x1] =	stream.indirect.gather [hbm4b:s16+s13], $0x1, s2, s13, $0xb8;
	[tilespmem:$0x8600] =	vst v63  }
0x41: {  	s18 =	simm.s32 $0x4400  }
0x42: {  	[tilespmem:s18], [sflag:$0x1] =	stream.indirect.gather [hbm4b:s1+s13], $0x1, s13, s13, $0xb8;
	[tilespmem:$0x8600] =	vst v63  }
0x43: {  	s17 =	rddreg [dreg:$0x6];
	s18 =	simm.s32 $0x600  }
0x44: {  	[tilespmem:s18], [sflag:$0x1] =	stream.indirect.gather [hbm4b:s17+s13], $0x1, s2, s13, $0xb8;
	[tilespmem:$0x8600] =	vst v63  }
0x45: {  	s17 =	rddreg [dreg:$0x8];
	s18 =	simm.s32 $0x4600  }
0x46: {  	[tilespmem:s18], [sflag:$0x1] =	stream.indirect.gather [hbm4b:s17+s13], $0x1, s13, s13, $0xb8;
	[tilespmem:$0x8600] =	vst v63  }
0x47: {  	s17 =	rddreg [dreg:$0x7];
	s18 =	simm.s32 $0x800  }
0x48: {  	[tilespmem:s18], [sflag:$0x1] =	stream.indirect.gather [hbm4b:s17+s13], $0x1, s2, s13, $0xb8;
	[tilespmem:$0x8600] =	vst v63  }
0x49: {  	s17 =	rddreg [dreg:$0x9];
	s18 =	simm.s32 $0x4800  }
0x4a: {  	[tilespmem:s18], [sflag:$0x1] =	stream.indirect.gather [hbm4b:s17+s13], $0x1, s13, s13, $0xb8;
	[tilespmem:$0x8600] =	vst v63  }
0x4b: {  	s17 =	rddreg [dreg:$0xa];
	s18 =	simm.s32 $0xA00  }
0x4c: {  	[tilespmem:s18], [sflag:$0x1] =	stream.indirect.gather [hbm4b:s17+s13], $0x1, s2, s13, $0xb8;
	[tilespmem:$0x8600] =	vst v63  }
0x4d: {  	s17 =	rddreg [dreg:$0xb];
	s18 =	simm.s32 $0x4A00  }
0x4e: {  	[tilespmem:s18], [sflag:$0x1] =	stream.indirect.gather [hbm4b:s17+s13], $0x1, s13, s13, $0xb8;
	[tilespmem:$0x8600] =	vst v63  }
0x4f: {  	s17 =	rddreg [dreg:$0xc];
	s18 =	simm.s32 $0xC00  }
0x50: {  	[tilespmem:s18], [sflag:$0x1] =	stream.indirect.gather [hbm4b:s17+s13], $0x1, s2, s13, $0xb8;
	[tilespmem:$0x8600] =	vst v63  }
0x51: {  	s17 =	rddreg [dreg:$0xd];
	s18 =	simm.s32 $0x4C00  }
0x52: {  	[tilespmem:s18], [sflag:$0x1] =	stream.indirect.gather [hbm4b:s17+s13], $0x1, s13, s13, $0xb8;
	[tilespmem:$0x8600] =	vst v63  }
0x53: {  	s17 =	rddreg [dreg:$0xe];
	s18 =	simm.s32 $0xE00  }
0x54: {  	[tilespmem:s18], [sflag:$0x1] =	stream.indirect.gather [hbm4b:s17+s13], $0x1, s2, s13, $0xb8;
	[tilespmem:$0x8600] =	vst v63  }
0x55: {  	s17 =	rddreg [dreg:$0x10];
	s18 =	simm.s32 $0x4E00  }
0x56: {  	[tilespmem:s18], [sflag:$0x1] =	stream.indirect.gather [hbm4b:s17+s13], $0x1, s13, s13, $0xb8;
	[tilespmem:$0x8600] =	vst v63  }
0x57: {  	s17 =	rddreg [dreg:$0xf];
	s18 =	simm.s32 $0x1000  }
0x58: {  	[tilespmem:s18], [sflag:$0x1] =	stream.indirect.gather [hbm4b:s17+s13], $0x1, s2, s13, $0xb8;
	[tilespmem:$0x8600] =	vst v63  }
0x59: {  	s17 =	rddreg [dreg:$0x11];
	s18 =	simm.s32 $0x5000  }
0x5a: {  	[tilespmem:s18], [sflag:$0x1] =	stream.indirect.gather [hbm4b:s17+s13], $0x1, s13, s13, $0xb8;
	[tilespmem:$0x8600] =	vst v63  }
0x5b: {  	s17 =	rddreg [dreg:$0x12];
	s18 =	simm.s32 $0x1200  }
0x5c: {  	[tilespmem:s18], [sflag:$0x1] =	stream.indirect.gather [hbm4b:s17+s13], $0x1, s2, s13, $0xb8;
	[tilespmem:$0x8600] =	vst v63  }
0x5d: {  	s17 =	rddreg [dreg:$0x13];
	s18 =	simm.s32 $0x5200  }
0x5e: {  	[tilespmem:s18], [sflag:$0x1] =	stream.indirect.gather [hbm4b:s17+s13], $0x1, s13, s13, $0xb8;
	[tilespmem:$0x8600] =	vst v63  }
0x5f: {  	_ =	swait.ge [sflag:s14], $0x200  }
0x60: {  	[sflag:s14] =	ssyncset.done $0x0  }
0x61: {  	[sflag:s14] =	ssyncadd.s32 $0xFFFFFE00  }
0x62: {  	_ =	swait.ge [sflag:s14], $0x200  }
0x63: {  	[sflag:s14] =	ssyncset.done $0x0  }
0x64: {  	[sflag:s14] =	ssyncadd.s32 $0xFFFFFE00  }
0x65: {  	_ =	swait.ge [sflag:s14], $0x200  }
0x66: {  	[sflag:s14] =	ssyncset.done $0x0  }
0x67: {  	[sflag:s14] =	ssyncadd.s32 $0xFFFFFE00  }
0x68: {  	_ =	swait.ge [sflag:s14], $0x200  }
0x69: {  	[sflag:s14] =	ssyncset.done $0x0  }
0x6a: {  	[sflag:s14] =	ssyncadd.s32 $0xFFFFFE00  }
0x6b: {  	_ =	swait.ge [sflag:s14], $0x200  }
0x6c: {  	[sflag:s14] =	ssyncset.done $0x0  }
0x6d: {  	[sflag:s14] =	ssyncadd.s32 $0xFFFFFE00  }
0x6e: {  	_ =	swait.ge [sflag:s14], $0x200  }
0x6f: {  	[sflag:s14] =	ssyncset.done $0x0  }
0x70: {  	[sflag:s14] =	ssyncadd.s32 $0xFFFFFE00  }
0x71: {  	_ =	swait.ge [sflag:s14], $0x200  }
0x72: {  	[sflag:s14] =	ssyncset.done $0x0  }
0x73: {  	[sflag:s14] =	ssyncadd.s32 $0xFFFFFE00  }
0x74: {  	_ =	swait.ge [sflag:s14], $0x200  }
0x75: {  	[sflag:s14] =	ssyncset.done $0x0  }
0x76: {  	[sflag:s14] =	ssyncadd.s32 $0xFFFFFE00  }
0x77: {  	_ =	swait.ge [sflag:s14], $0x200  }
0x78: {  	[sflag:s14] =	ssyncset.done $0x0  }
0x79: {  	[sflag:s14] =	ssyncadd.s32 $0xFFFFFE00  }
0x7a: {  	_ =	swait.ge [sflag:s14], $0x200  }
0x7b: {  	[sflag:s14] =	ssyncset.done $0x0  }
0x7c: {  	[sflag:s14] =	ssyncadd.s32 $0xFFFFFE00  }
0x7d: {  	_ =	swait.ge [sflag:s14], $0x200  }
0x7e: {  	[sflag:s14] =	ssyncset.done $0x0  }
0x7f: {  	[sflag:s14] =	ssyncadd.s32 $0xFFFFFE00  }
0x80: {  	_ =	swait.ge [sflag:s14], $0x200  }
0x81: {  	[sflag:s14] =	ssyncset.done $0x0  }
0x82: {  	[sflag:s14] =	ssyncadd.s32 $0xFFFFFE00  }
0x83: {  	_ =	swait.ge [sflag:s14], $0x200  }
0x84: {  	[sflag:s14] =	ssyncset.done $0x0  }
0x85: {  	[sflag:s14] =	ssyncadd.s32 $0xFFFFFE00  }
0x86: {  	_ =	swait.ge [sflag:s14], $0x200  }
0x87: {  	[sflag:s14] =	ssyncset.done $0x0  }
0x88: {  	[sflag:s14] =	ssyncadd.s32 $0xFFFFFE00  }
0x89: {  	_ =	swait.ge [sflag:s14], $0x200  }
0x8a: {  	[sflag:s14] =	ssyncset.done $0x0  }
0x8b: {  	[sflag:s14] =	ssyncadd.s32 $0xFFFFFE00  }
0x8c: {  	_ =	swait.ge [sflag:s14], $0x200  }
0x8d: {  	[sflag:s14] =	ssyncset.done $0x0  }
0x8e: {  	s18 =	simm.s32 $0x1400;
	s17 =	rddreg [dreg:$0x14];
	[sflag:s14] =	ssyncadd.s32 $0xFFFFFE00  }
0x8f: {  	[tilespmem:s18], [sflag:$0x1] =	stream.indirect.gather [hbm4b:s17+s13], $0x1, s2, s13, $0xb8;
	[tilespmem:$0x8600] =	vst v63  }
0x90: {  	s17 =	rddreg [dreg:$0x15];
	s18 =	simm.s32 $0x5400  }
0x91: {  	[tilespmem:s18], [sflag:$0x1] =	stream.indirect.gather [hbm4b:s17+s13], $0x1, s13, s13, $0xb8;
	[tilespmem:$0x8600] =	vst v63  }
0x92: {  	s17 =	rddreg [dreg:$0x16];
	s18 =	simm.s32 $0x1600  }
0x93: {  	[tilespmem:s18], [sflag:$0x1] =	stream.indirect.gather [hbm4b:s17+s13], $0x1, s2, s13, $0xb8;
	[tilespmem:$0x8600] =	vst v63  }
0x94: {  	s17 =	rddreg [dreg:$0x17];
	s18 =	simm.s32 $0x5600  }
0x95: {  	[tilespmem:s18], [sflag:$0x1] =	stream.indirect.gather [hbm4b:s17+s13], $0x1, s13, s13, $0xb8;
	[tilespmem:$0x8600] =	vst v63  }
0x96: {  	s17 =	rddreg [dreg:$0x18];
	s18 =	simm.s32 $0x1800  }
0x97: {  	[tilespmem:s18], [sflag:$0x1] =	stream.indirect.gather [hbm4b:s17+s13], $0x1, s2, s13, $0xb8;
	[tilespmem:$0x8600] =	vst v63  }
0x98: {  	s17 =	rddreg [dreg:$0x19];
	s18 =	simm.s32 $0x5800  }
0x99: {  	[tilespmem:s18], [sflag:$0x1] =	stream.indirect.gather [hbm4b:s17+s13], $0x1, s13, s13, $0xb8;
	[tilespmem:$0x8600] =	vst v63  }
0x9a: {  	s17 =	rddreg [dreg:$0x1a];
	s18 =	simm.s32 $0x1A00  }
0x9b: {  	[tilespmem:s18], [sflag:$0x1] =	stream.indirect.gather [hbm4b:s17+s13], $0x1, s2, s13, $0xb8;
	[tilespmem:$0x8600] =	vst v63  }
0x9c: {  	s17 =	rddreg [dreg:$0x1b];
	s18 =	simm.s32 $0x5A00  }
0x9d: {  	[tilespmem:s18], [sflag:$0x1] =	stream.indirect.gather [hbm4b:s17+s13], $0x1, s13, s13, $0xb8;
	[tilespmem:$0x8600] =	vst v63  }
0x9e: {  	s17 =	rddreg [dreg:$0x1c];
	s18 =	simm.s32 $0x1C00  }
0x9f: {  	[tilespmem:s18], [sflag:$0x1] =	stream.indirect.gather [hbm4b:s17+s13], $0x1, s2, s13, $0xb8;
	[tilespmem:$0x8600] =	vst v63  }
0xa0: {  	s17 =	rddreg [dreg:$0x1d];
	s18 =	simm.s32 $0x5C00  }
0xa1: {  	[tilespmem:s18], [sflag:$0x1] =	stream.indirect.gather [hbm4b:s17+s13], $0x1, s13, s13, $0xb8;
	[tilespmem:$0x8600] =	vst v63  }
0xa2: {  	s17 =	rddreg [dreg:$0x1e];
	s18 =	simm.s32 $0x1E00  }
0xa3: {  	[tilespmem:s18], [sflag:$0x1] =	stream.indirect.gather [hbm4b:s17+s13], $0x1, s2, s13, $0xb8;
	[tilespmem:$0x8600] =	vst v63  }
0xa4: {  	s17 =	rddreg [dreg:$0x1f];
	s18 =	simm.s32 $0x5E00  }
0xa5: {  	[tilespmem:s18], [sflag:$0x1] =	stream.indirect.gather [hbm4b:s17+s13], $0x1, s13, s13, $0xb8;
	[tilespmem:$0x8600] =	vst v63  }
0xa6: {  	s17 =	sld [smem:$0x7EC];
	_ =	sdelay $0x1  }
0xa7: {  	s18 =	simm.s32 $0x2000  }
0xa8: {  	[tilespmem:s18], [sflag:$0x1] =	stream.indirect.gather [hbm4b:s17+s13], $0x1, s2, s13, $0xb8;
	[tilespmem:$0x8600] =	vst v63  }
0xa9: {  	s17 =	sld [smem:$0x7ED];
	_ =	sdelay $0x1  }
0xaa: {  	s18 =	simm.s32 $0x6000  }
0xab: {  	[tilespmem:s18], [sflag:$0x1] =	stream.indirect.gather [hbm4b:s17+s13], $0x1, s13, s13, $0xb8;
	[tilespmem:$0x8600] =	vst v63  }
0xac: {  	s17 =	sld [smem:$0x7EE];
	_ =	sdelay $0x1  }
0xad: {  	s18 =	simm.s32 $0x2200  }
0xae: {  	[tilespmem:s18], [sflag:$0x1] =	stream.indirect.gather [hbm4b:s17+s13], $0x1, s2, s13, $0xb8;
	[tilespmem:$0x8600] =	vst v63  }
0xaf: {  	s17 =	sld [smem:$0x7EF];
	_ =	sdelay $0x1  }
0xb0: {  	s18 =	simm.s32 $0x6200  }
0xb1: {  	[tilespmem:s18], [sflag:$0x1] =	stream.indirect.gather [hbm4b:s17+s13], $0x1, s13, s13, $0xb8;
	[tilespmem:$0x8600] =	vst v63  }
0xb2: {  	_ =	swait.ge [sflag:s14], $0x200  }
0xb3: {  	[sflag:s14] =	ssyncset.done $0x0  }
0xb4: {  	[sflag:s14] =	ssyncadd.s32 $0xFFFFFE00  }
0xb5: {  	_ =	swait.ge [sflag:s14], $0x200  }
0xb6: {  	[sflag:s14] =	ssyncset.done $0x0  }
0xb7: {  	[sflag:s14] =	ssyncadd.s32 $0xFFFFFE00  }
0xb8: {  	_ =	swait.ge [sflag:s14], $0x200  }
0xb9: {  	[sflag:s14] =	ssyncset.done $0x0  }
0xba: {  	[sflag:s14] =	ssyncadd.s32 $0xFFFFFE00  }
0xbb: {  	_ =	swait.ge [sflag:s14], $0x200  }
0xbc: {  	[sflag:s14] =	ssyncset.done $0x0  }
0xbd: {  	[sflag:s14] =	ssyncadd.s32 $0xFFFFFE00  }
0xbe: {  	_ =	swait.ge [sflag:s14], $0x200  }
0xbf: {  	[sflag:s14] =	ssyncset.done $0x0  }
0xc0: {  	[sflag:s14] =	ssyncadd.s32 $0xFFFFFE00  }
0xc1: {  	_ =	swait.ge [sflag:s14], $0x200  }
0xc2: {  	[sflag:s14] =	ssyncset.done $0x0  }
0xc3: {  	[sflag:s14] =	ssyncadd.s32 $0xFFFFFE00  }
0xc4: {  	_ =	swait.ge [sflag:s14], $0x200  }
0xc5: {  	[sflag:s14] =	ssyncset.done $0x0  }
0xc6: {  	[sflag:s14] =	ssyncadd.s32 $0xFFFFFE00  }
0xc7: {  	_ =	swait.ge [sflag:s14], $0x200  }
0xc8: {  	[sflag:s14] =	ssyncset.done $0x0  }
0xc9: {  	[sflag:s14] =	ssyncadd.s32 $0xFFFFFE00  }
0xca: {  	_ =	swait.ge [sflag:s14], $0x200  }
0xcb: {  	[sflag:s14] =	ssyncset.done $0x0  }
0xcc: {  	[sflag:s14] =	ssyncadd.s32 $0xFFFFFE00  }
0xcd: {  	_ =	swait.ge [sflag:s14], $0x200  }
0xce: {  	[sflag:s14] =	ssyncset.done $0x0  }
0xcf: {  	[sflag:s14] =	ssyncadd.s32 $0xFFFFFE00  }
0xd0: {  	_ =	swait.ge [sflag:s14], $0x200  }
0xd1: {  	[sflag:s14] =	ssyncset.done $0x0  }
0xd2: {  	[sflag:s14] =	ssyncadd.s32 $0xFFFFFE00  }
0xd3: {  	_ =	swait.ge [sflag:s14], $0x200  }
0xd4: {  	[sflag:s14] =	ssyncset.done $0x0  }
0xd5: {  	[sflag:s14] =	ssyncadd.s32 $0xFFFFFE00  }
0xd6: {  	_ =	swait.ge [sflag:s14], $0x200  }
0xd7: {  	[sflag:s14] =	ssyncset.done $0x0  }
0xd8: {  	[sflag:s14] =	ssyncadd.s32 $0xFFFFFE00  }
0xd9: {  	_ =	swait.ge [sflag:s14], $0x200  }
0xda: {  	[sflag:s14] =	ssyncset.done $0x0  }
0xdb: {  	[sflag:s14] =	ssyncadd.s32 $0xFFFFFE00  }
0xdc: {  	_ =	swait.ge [sflag:s14], $0x200  }
0xdd: {  	[sflag:s14] =	ssyncset.done $0x0  }
0xde: {  	[sflag:s14] =	ssyncadd.s32 $0xFFFFFE00  }
0xdf: {  	_ =	swait.ge [sflag:s14], $0x200  }
0xe0: {  	s17 =	sld [smem:$0x7F0]  }
0xe1: {  	[sflag:s14] =	ssyncset.done $0x0  }
0xe2: {  	s18 =	simm.s32 $0x2400;
	[sflag:s14] =	ssyncadd.s32 $0xFFFFFE00  }
0xe3: {  	[tilespmem:s18], [sflag:$0x1] =	stream.indirect.gather [hbm4b:s17+s13], $0x1, s2, s13, $0xb8;
	[tilespmem:$0x8600] =	vst v63  }
0xe4: {  	s17 =	sld [smem:$0x7F1];
	_ =	sdelay $0x1  }
0xe5: {  	s18 =	simm.s32 $0x6400  }
0xe6: {  	[tilespmem:s18], [sflag:$0x1] =	stream.indirect.gather [hbm4b:s17+s13], $0x1, s13, s13, $0xb8;
	[tilespmem:$0x8600] =	vst v63  }
0xe7: {  	s17 =	sld [smem:$0x7F2];
	_ =	sdelay $0x1  }
0xe8: {  	s18 =	simm.s32 $0x2600  }
0xe9: {  	[tilespmem:s18], [sflag:$0x1] =	stream.indirect.gather [hbm4b:s17+s13], $0x1, s2, s13, $0xb8;
	[tilespmem:$0x8600] =	vst v63  }
0xea: {  	s17 =	sld [smem:$0x7F3];
	_ =	sdelay $0x1  }
0xeb: {  	s18 =	simm.s32 $0x6600  }
0xec: {  	[tilespmem:s18], [sflag:$0x1] =	stream.indirect.gather [hbm4b:s17+s13], $0x1, s13, s13, $0xb8;
	[tilespmem:$0x8600] =	vst v63  }
0xed: {  	s17 =	sld [smem:$0x7F4];
	_ =	sdelay $0x1  }
0xee: {  	s18 =	simm.s32 $0x2800  }
0xef: {  	[tilespmem:s18], [sflag:$0x1] =	stream.indirect.gather [hbm4b:s17+s13], $0x1, s2, s13, $0xb8;
	[tilespmem:$0x8600] =	vst v63  }
0xf0: {  	s17 =	sld [smem:$0x7F5];
	_ =	sdelay $0x1  }
0xf1: {  	s18 =	simm.s32 $0x6800  }
0xf2: {  	[tilespmem:s18], [sflag:$0x1] =	stream.indirect.gather [hbm4b:s17+s13], $0x1, s13, s13, $0xb8;
	[tilespmem:$0x8600] =	vst v63  }
0xf3: {  	s17 =	sld [smem:$0x7F6];
	_ =	sdelay $0x1  }
0xf4: {  	s18 =	simm.s32 $0x2A00  }
0xf5: {  	[tilespmem:s18], [sflag:$0x1] =	stream.indirect.gather [hbm4b:s17+s13], $0x1, s2, s13, $0xb8;
	[tilespmem:$0x8600] =	vst v63  }
0xf6: {  	s17 =	sld [smem:$0x7F7];
	_ =	sdelay $0x1  }
0xf7: {  	s18 =	simm.s32 $0x6A00  }
0xf8: {  	[tilespmem:s18], [sflag:$0x1] =	stream.indirect.gather [hbm4b:s17+s13], $0x1, s13, s13, $0xb8;
	[tilespmem:$0x8600] =	vst v63  }
0xf9: {  	s17 =	sld [smem:$0x7F8];
	_ =	sdelay $0x1  }
0xfa: {  	s18 =	simm.s32 $0x2C00  }
0xfb: {  	[tilespmem:s18], [sflag:$0x1] =	stream.indirect.gather [hbm4b:s17+s13], $0x1, s2, s13, $0xb8;
	[tilespmem:$0x8600] =	vst v63  }
0xfc: {  	s17 =	sld [smem:$0x7F9];
	_ =	sdelay $0x1  }
0xfd: {  	s18 =	simm.s32 $0x6C00  }
0xfe: {  	[tilespmem:s18], [sflag:$0x1] =	stream.indirect.gather [hbm4b:s17+s13], $0x1, s13, s13, $0xb8;
	[tilespmem:$0x8600] =	vst v63  }
0xff: {  	s17 =	sld [smem:$0x7FA];
	_ =	sdelay $0x1  }
0x100: {  	s18 =	simm.s32 $0x2E00  }
0x101: {  	[tilespmem:s18], [sflag:$0x1] =	stream.indirect.gather [hbm4b:s17+s13], $0x1, s2, s13, $0xb8;
	[tilespmem:$0x8600] =	vst v63  }
0x102: {  	s17 =	sld [smem:$0x7FB];
	_ =	sdelay $0x1  }
0x103: {  	s18 =	simm.s32 $0x6E00  }
0x104: {  	[tilespmem:s18], [sflag:$0x1] =	stream.indirect.gather [hbm4b:s17+s13], $0x1, s13, s13, $0xb8;
	[tilespmem:$0x8600] =	vst v63  }
0x105: {  	s17 =	sld [smem:$0x7FC];
	_ =	sdelay $0x1  }
0x106: {  	s18 =	simm.s32 $0x3000  }
0x107: {  	[tilespmem:s18], [sflag:$0x1] =	stream.indirect.gather [hbm4b:s17+s13], $0x1, s2, s13, $0xb8;
	[tilespmem:$0x8600] =	vst v63  }
0x108: {  	s17 =	sld [smem:$0x7FD];
	_ =	sdelay $0x1  }
0x109: {  	s18 =	simm.s32 $0x7000  }
0x10a: {  	[tilespmem:s18], [sflag:$0x1] =	stream.indirect.gather [hbm4b:s17+s13], $0x1, s13, s13, $0xb8;
	[tilespmem:$0x8600] =	vst v63  }
0x10b: {  	s17 =	simm.s32 $0x3200  }
0x10c: {  	[tilespmem:s17], [sflag:$0x1] =	stream.indirect.gather [hbm4b:s19+s13], $0x1, s2, s13, $0xb8;
	[tilespmem:$0x8600] =	vst v63  }
0x10d: {  	s18 =	simm.s32 $0x7200  }
0x10e: {  	[tilespmem:s18], [sflag:$0x1] =	stream.indirect.gather [hbm4b:s20+s13], $0x1, s13, s13, $0xb8;
	[tilespmem:$0x8600] =	vst v63  }
0x10f: {  	_ =	swait.ge [sflag:s14], $0x200  }
0x110: {  	[sflag:s14] =	ssyncset.done $0x0  }
0x111: {  	[sflag:s14] =	ssyncadd.s32 $0xFFFFFE00  }
0x112: {  	_ =	swait.ge [sflag:s14], $0x200  }
0x113: {  	[sflag:s14] =	ssyncset.done $0x0  }
0x114: {  	[sflag:s14] =	ssyncadd.s32 $0xFFFFFE00  }
0x115: {  	_ =	swait.ge [sflag:s14], $0x200  }
0x116: {  	[sflag:s14] =	ssyncset.done $0x0  }
0x117: {  	[sflag:s14] =	ssyncadd.s32 $0xFFFFFE00  }
0x118: {  	_ =	swait.ge [sflag:s14], $0x200  }
0x119: {  	[sflag:s14] =	ssyncset.done $0x0  }
0x11a: {  	[sflag:s14] =	ssyncadd.s32 $0xFFFFFE00  }
0x11b: {  	_ =	swait.ge [sflag:s14], $0x200  }
0x11c: {  	[sflag:s14] =	ssyncset.done $0x0  }
0x11d: {  	[sflag:s14] =	ssyncadd.s32 $0xFFFFFE00  }
0x11e: {  	_ =	swait.ge [sflag:s14], $0x200  }
0x11f: {  	[sflag:s14] =	ssyncset.done $0x0  }
0x120: {  	[sflag:s14] =	ssyncadd.s32 $0xFFFFFE00  }
0x121: {  	_ =	swait.ge [sflag:s14], $0x200  }
0x122: {  	[sflag:s14] =	ssyncset.done $0x0  }
0x123: {  	[sflag:s14] =	ssyncadd.s32 $0xFFFFFE00  }
0x124: {  	_ =	swait.ge [sflag:s14], $0x200  }
0x125: {  	[sflag:s14] =	ssyncset.done $0x0  }
0x126: {  	[sflag:s14] =	ssyncadd.s32 $0xFFFFFE00  }
0x127: {  	_ =	swait.ge [sflag:s14], $0x200  }
0x128: {  	[sflag:s14] =	ssyncset.done $0x0  }
0x129: {  	[sflag:s14] =	ssyncadd.s32 $0xFFFFFE00  }
0x12a: {  	_ =	swait.ge [sflag:s14], $0x200  }
0x12b: {  	[sflag:s14] =	ssyncset.done $0x0  }
0x12c: {  	[sflag:s14] =	ssyncadd.s32 $0xFFFFFE00  }
0x12d: {  	_ =	swait.ge [sflag:s14], $0x200  }
0x12e: {  	[sflag:s14] =	ssyncset.done $0x0  }
0x12f: {  	[sflag:s14] =	ssyncadd.s32 $0xFFFFFE00  }
0x130: {  	_ =	swait.ge [sflag:s14], $0x200  }
0x131: {  	[sflag:s14] =	ssyncset.done $0x0  }
0x132: {  	[sflag:s14] =	ssyncadd.s32 $0xFFFFFE00  }
0x133: {  	_ =	swait.ge [sflag:s14], $0x200  }
0x134: {  	[sflag:s14] =	ssyncset.done $0x0  }
0x135: {  	[sflag:s14] =	ssyncadd.s32 $0xFFFFFE00  }
0x136: {  	_ =	swait.ge [sflag:s14], $0x200  }
0x137: {  	[sflag:s14] =	ssyncset.done $0x0  }
0x138: {  	[sflag:s14] =	ssyncadd.s32 $0xFFFFFE00  }
0x139: {  	_ =	swait.ge [sflag:s14], $0x200  }
0x13a: {  	[sflag:s14] =	ssyncset.done $0x0  }
0x13b: {  	[sflag:s14] =	ssyncadd.s32 $0xFFFFFE00  }
0x13c: {  	_ =	swait.ge [sflag:s14], $0x200  }
0x13d: {  	[sflag:s14] =	ssyncset.done $0x0  }
0x13e: {  	s17 =	simm.s32 $0x3400;
	[sflag:s14] =	ssyncadd.s32 $0xFFFFFE00  }
0x13f: {  	[tilespmem:s17], [sflag:$0x1] =	stream.indirect.gather [hbm4b:s21+s13], $0x1, s2, s13, $0xb8;
	[tilespmem:$0x8600] =	vst v63  }
0x140: {  	s18 =	simm.s32 $0x7400  }
0x141: {  	[tilespmem:s18], [sflag:$0x1] =	stream.indirect.gather [hbm4b:s22+s13], $0x1, s13, s13, $0xb8;
	[tilespmem:$0x8600] =	vst v63  }
0x142: {  	s17 =	simm.s32 $0x3600  }
0x143: {  	[tilespmem:s17], [sflag:$0x1] =	stream.indirect.gather [hbm4b:s23+s13], $0x1, s2, s13, $0xb8;
	[tilespmem:$0x8600] =	vst v63  }
0x144: {  	s18 =	simm.s32 $0x7600  }
0x145: {  	[tilespmem:s18], [sflag:$0x1] =	stream.indirect.gather [hbm4b:s24+s13], $0x1, s13, s13, $0xb8;
	[tilespmem:$0x8600] =	vst v63  }
0x146: {  	s17 =	simm.s32 $0x3800  }
0x147: {  	[tilespmem:s17], [sflag:$0x1] =	stream.indirect.gather [hbm4b:s25+s13], $0x1, s2, s13, $0xb8;
	[tilespmem:$0x8600] =	vst v63  }
0x148: {  	s18 =	simm.s32 $0x7800  }
0x149: {  	[tilespmem:s18], [sflag:$0x1] =	stream.indirect.gather [hbm4b:s26+s13], $0x1, s13, s13, $0xb8;
	[tilespmem:$0x8600] =	vst v63  }
0x14a: {  	s17 =	simm.s32 $0x3A00  }
0x14b: {  	[tilespmem:s17], [sflag:$0x1] =	stream.indirect.gather [hbm4b:s28+s13], $0x1, s2, s13, $0xb8;
	[tilespmem:$0x8600] =	vst v63  }
0x14c: {  	s18 =	simm.s32 $0x7A00  }
0x14d: {  	[tilespmem:s18], [sflag:$0x1] =	stream.indirect.gather [hbm4b:s29+s13], $0x1, s13, s13, $0xb8;
	[tilespmem:$0x8600] =	vst v63  }
0x14e: {  	s17 =	simm.s32 $0x3C00  }
0x14f: {  	[tilespmem:s17], [sflag:$0x1] =	stream.indirect.gather [hbm4b:s31+s13], $0x1, s2, s13, $0xb8;
	[tilespmem:$0x8600] =	vst v63  }
0x150: {  	s18 =	simm.s32 $0x7C00  }
0x151: {  	[tilespmem:s18], [sflag:$0x1] =	stream.indirect.gather [hbm4b:s0+s13], $0x1, s13, s13, $0xb8;
	[tilespmem:$0x8600] =	vst v63  }
0x152: {  	s17 =	simm.s32 $0x3E00  }
0x153: {  	[tilespmem:s17], [sflag:$0x1] =	stream.indirect.gather [hbm4b:s4+s13], $0x1, s2, s13, $0xb8;
	[tilespmem:$0x8600] =	vst v63  }
0x154: {  	s18 =	simm.s32 $0x7E00  }
0x155: {  	[tilespmem:s18], [sflag:$0x1] =	stream.indirect.gather [hbm4b:s5+s13], $0x1, s13, s13, $0xb8;
	[tilespmem:$0x8600] =	vst v63  }
0x156: {  	s17 =	simm.s32 $0x4000  }
0x157: {  	[tilespmem:s17], [sflag:$0x1] =	stream.indirect.gather [hbm4b:s7+s13], $0x1, s2, s13, $0xb8;
	[tilespmem:$0x8600] =	vst v63  }
0x158: {  	s18 =	simm.s32 $0x8000  }
0x159: {  	[tilespmem:s18], [sflag:$0x1] =	stream.indirect.gather [hbm4b:s8+s13], $0x1, s13, s13, $0xb8;
	[tilespmem:$0x8600] =	vst v63  }
0x15a: {  	s17 =	simm.s32 $0x4200  }
0x15b: {  	[tilespmem:s17], [sflag:$0x1] =	stream.indirect.gather [hbm4b:s10+s13], $0x1, s2, s13, $0xb8;
	[tilespmem:$0x8600] =	vst v63  }
0x15c: {  	s18 =	simm.s32 $0x8200  }
0x15d: {  	[tilespmem:s18], [sflag:$0x1] =	stream.indirect.gather [hbm4b:s11+s13], $0x1, s13, s13, $0xb8;
	[tilespmem:$0x8600] =	vst v63  }
0x15e: {  	_ =	swait.ge [sflag:s14], $0x200  }
0x15f: {  	[sflag:s14] =	ssyncset.done $0x0  }
0x160: {  	[sflag:s14] =	ssyncadd.s32 $0xFFFFFE00  }
0x161: {  	_ =	swait.ge [sflag:s14], $0x200  }
0x162: {  	[sflag:s14] =	ssyncset.done $0x0  }
0x163: {  	[sflag:s14] =	ssyncadd.s32 $0xFFFFFE00  }
0x164: {  	_ =	swait.ge [sflag:s14], $0x200  }
0x165: {  	[sflag:s14] =	ssyncset.done $0x0  }
0x166: {  	[sflag:s14] =	ssyncadd.s32 $0xFFFFFE00  }
0x167: {  	_ =	swait.ge [sflag:s14], $0x200  }
0x168: {  	[sflag:s14] =	ssyncset.done $0x0  }
0x169: {  	[sflag:s14] =	ssyncadd.s32 $0xFFFFFE00  }
0x16a: {  	_ =	swait.ge [sflag:s14], $0x200  }
0x16b: {  	[sflag:s14] =	ssyncset.done $0x0  }
0x16c: {  	[sflag:s14] =	ssyncadd.s32 $0xFFFFFE00  }
0x16d: {  	_ =	swait.ge [sflag:s14], $0x200  }
0x16e: {  	[sflag:s14] =	ssyncset.done $0x0  }
0x16f: {  	[sflag:s14] =	ssyncadd.s32 $0xFFFFFE00  }
0x170: {  	_ =	swait.ge [sflag:s14], $0x200  }
0x171: {  	[sflag:s14] =	ssyncset.done $0x0  }
0x172: {  	[sflag:s14] =	ssyncadd.s32 $0xFFFFFE00  }
0x173: {  	_ =	swait.ge [sflag:s14], $0x200  }
0x174: {  	[sflag:s14] =	ssyncset.done $0x0  }
0x175: {  	[sflag:s14] =	ssyncadd.s32 $0xFFFFFE00  }
0x176: {  	_ =	swait.ge [sflag:s14], $0x200  }
0x177: {  	[sflag:s14] =	ssyncset.done $0x0  }
0x178: {  	[sflag:s14] =	ssyncadd.s32 $0xFFFFFE00  }
0x179: {  	_ =	swait.ge [sflag:s14], $0x200  }
0x17a: {  	[sflag:s14] =	ssyncset.done $0x0  }
0x17b: {  	[sflag:s14] =	ssyncadd.s32 $0xFFFFFE00  }
0x17c: {  	_ =	swait.ge [sflag:s14], $0x200  }
0x17d: {  	[sflag:s14] =	ssyncset.done $0x0  }
0x17e: {  	[sflag:s14] =	ssyncadd.s32 $0xFFFFFE00  }
0x17f: {  	_ =	swait.ge [sflag:s14], $0x200  }
0x180: {  	[sflag:s14] =	ssyncset.done $0x0  }
0x181: {  	[sflag:s14] =	ssyncadd.s32 $0xFFFFFE00  }
0x182: {  	_ =	swait.ge [sflag:s14], $0x200  }
0x183: {  	[sflag:s14] =	ssyncset.done $0x0  }
0x184: {  	[sflag:s14] =	ssyncadd.s32 $0xFFFFFE00  }
0x185: {  	_ =	swait.ge [sflag:s14], $0x200  }
0x186: {  	[sflag:s14] =	ssyncset.done $0x0  }
0x187: {  	[sflag:s14] =	ssyncadd.s32 $0xFFFFFE00  }
0x188: {  	_ =	swait.ge [sflag:s14], $0x200  }
0x189: {  	[sflag:s14] =	ssyncset.done $0x0  }
0x18a: {  	[sflag:s14] =	ssyncadd.s32 $0xFFFFFE00  }
0x18b: {  	_ =	swait.ge [sflag:s14], $0x200  }
0x18c: {  	[sflag:s14] =	ssyncset.done $0x0  }
0x18d: {  	s16 =	simm.s32 $0x0;
	[sflag:s14] =	ssyncadd.s32 $0xFFFFFE00  }
0x18e: {  	v0 =	vld [tilespmem:s16+$0x400]  }
0x18f: {  	v1 =	vld [tilespmem:s16+$0x4400]  }
0x190: {  	v2 =	vld [tilespmem:s16+$0x600]  }
0x191: {  	v3 =	vld [tilespmem:s16+$0x4600]  }
0x192: {  	v4 =	vld [tilespmem:s16+$0x800]  }
0x193: {  	v5 =	vld [tilespmem:s16+$0x4800]  }
0x194: {  	v6 =	vld [tilespmem:s16+$0xA00]  }
0x195: {  	v7 =	vld [tilespmem:s16+$0x4A00]  }
0x196: {  	v0 =	vmul.f32 v1, v0;
	v1 =	vmul.f32 v3, v2;
	v2 =	vld [tilespmem:s16+$0xC00]  }
0x197: {  	v3 =	vld [tilespmem:s16+$0x4C00]  }
0x198: {  	v0 =	vadd.f32 v1, v0;
	v1 =	vmul.f32 v5, v4;
	v4 =	vld [tilespmem:s16+$0xE00]  }
0x199: {  	v5 =	vld [tilespmem:s16+$0x4E00]  }
0x19a: {  	v0 =	vadd.f32 v1, v0;
	v1 =	vmul.f32 v7, v6;
	v6 =	vld [tilespmem:s16+$0x1000]  }
0x19b: {  	v7 =	vld [tilespmem:s16+$0x5000]  }
0x19c: {  	v0 =	vadd.f32 v1, v0;
	v1 =	vmul.f32 v3, v2;
	v2 =	vld [tilespmem:s16+$0x1200]  }
0x19d: {  	v3 =	vld [tilespmem:s16+$0x5200]  }
0x19e: {  	v0 =	vadd.f32 v1, v0;
	v1 =	vmul.f32 v5, v4;
	v4 =	vld [tilespmem:s16+$0x1400]  }
0x19f: {  	v5 =	vld [tilespmem:s16+$0x5400]  }
0x1a0: {  	v0 =	vadd.f32 v1, v0;
	v1 =	vmul.f32 v7, v6;
	v6 =	vld [tilespmem:s16+$0x1600]  }
0x1a1: {  	v7 =	vld [tilespmem:s16+$0x5600]  }
0x1a2: {  	v0 =	vadd.f32 v1, v0;
	v1 =	vmul.f32 v3, v2;
	v2 =	vld [tilespmem:s16+$0x1800]  }
0x1a3: {  	v3 =	vld [tilespmem:s16+$0x5800]  }
0x1a4: {  	v0 =	vadd.f32 v1, v0;
	v1 =	vmul.f32 v5, v4;
	v4 =	vld [tilespmem:s16+$0x1A00]  }
0x1a5: {  	v5 =	vld [tilespmem:s16+$0x5A00]  }
0x1a6: {  	v0 =	vadd.f32 v1, v0;
	v1 =	vmul.f32 v7, v6;
	v6 =	vld [tilespmem:s16+$0x1C00]  }
0x1a7: {  	v7 =	vld [tilespmem:s16+$0x5C00]  }
0x1a8: {  	v0 =	vadd.f32 v1, v0;
	v1 =	vmul.f32 v3, v2;
	v2 =	vld [tilespmem:s16+$0x1E00]  }
0x1a9: {  	v3 =	vld [tilespmem:s16+$0x5E00]  }
0x1aa: {  	v0 =	vadd.f32 v1, v0;
	v1 =	vmul.f32 v5, v4;
	v4 =	vld [tilespmem:s16+$0x2000]  }
0x1ab: {  	v5 =	vld [tilespmem:s16+$0x6000]  }
0x1ac: {  	v0 =	vadd.f32 v1, v0;
	v1 =	vmul.f32 v7, v6;
	v6 =	vld [tilespmem:s16+$0x2200]  }
0x1ad: {  	v7 =	vld [tilespmem:s16+$0x6200]  }
0x1ae: {  	v0 =	vadd.f32 v1, v0;
	v1 =	vmul.f32 v3, v2;
	v2 =	vld [tilespmem:s16+$0x2400]  }
0x1af: {  	v3 =	vld [tilespmem:s16+$0x6400]  }
0x1b0: {  	v0 =	vadd.f32 v1, v0;
	v1 =	vmul.f32 v5, v4;
	v4 =	vld [tilespmem:s16+$0x2600]  }
0x1b1: {  	v5 =	vld [tilespmem:s16+$0x6600]  }
0x1b2: {  	v0 =	vadd.f32 v1, v0;
	v1 =	vmul.f32 v7, v6;
	v6 =	vld [tilespmem:s16+$0x2800]  }
0x1b3: {  	v7 =	vld [tilespmem:s16+$0x6800]  }
0x1b4: {  	v0 =	vadd.f32 v1, v0;
	v1 =	vmul.f32 v3, v2;
	v2 =	vld [tilespmem:s16+$0x2A00]  }
0x1b5: {  	v3 =	vld [tilespmem:s16+$0x6A00]  }
0x1b6: {  	v0 =	vadd.f32 v1, v0;
	v1 =	vmul.f32 v5, v4;
	v4 =	vld [tilespmem:s16+$0x2C00]  }
0x1b7: {  	v5 =	vld [tilespmem:s16+$0x6C00]  }
0x1b8: {  	v0 =	vadd.f32 v1, v0;
	v1 =	vmul.f32 v7, v6;
	v6 =	vld [tilespmem:s16+$0x2E00]  }
0x1b9: {  	v7 =	vld [tilespmem:s16+$0x6E00]  }
0x1ba: {  	v0 =	vadd.f32 v1, v0;
	v1 =	vmul.f32 v3, v2;
	v2 =	vld [tilespmem:s16+$0x3000]  }
0x1bb: {  	v3 =	vld [tilespmem:s16+$0x7000]  }
0x1bc: {  	v0 =	vadd.f32 v1, v0;
	v1 =	vmul.f32 v5, v4;
	v4 =	vld [tilespmem:s16+$0x3200]  }
0x1bd: {  	v5 =	vld [tilespmem:s16+$0x7200]  }
0x1be: {  	v0 =	vadd.f32 v1, v0;
	v1 =	vmul.f32 v7, v6;
	v6 =	vld [tilespmem:s16+$0x3400]  }
0x1bf: {  	v7 =	vld [tilespmem:s16+$0x7400]  }
0x1c0: {  	v0 =	vadd.f32 v1, v0;
	v1 =	vmul.f32 v3, v2;
	v2 =	vld [tilespmem:s16+$0x3600]  }
0x1c1: {  	v3 =	vld [tilespmem:s16+$0x7600]  }
0x1c2: {  	v0 =	vadd.f32 v1, v0;
	v1 =	vmul.f32 v5, v4;
	v4 =	vld [tilespmem:s16+$0x3800]  }
0x1c3: {  	v5 =	vld [tilespmem:s16+$0x7800]  }
0x1c4: {  	v0 =	vadd.f32 v1, v0;
	v1 =	vmul.f32 v7, v6;
	v6 =	vld [tilespmem:s16+$0x3A00]  }
0x1c5: {  	v7 =	vld [tilespmem:s16+$0x7A00]  }
0x1c6: {  	v0 =	vadd.f32 v1, v0;
	v1 =	vmul.f32 v3, v2;
	v2 =	vld [tilespmem:s16+$0x3C00]  }
0x1c7: {  	v3 =	vld [tilespmem:s16+$0x7C00]  }
0x1c8: {  	v8 =	vld [tilespmem:s16+$0x7E00];
	v0 =	vadd.f32 v1, v0;
	v1 =	vmul.f32 v5, v4  }
0x1c9: {  	v5 =	vld [tilespmem:s16+$0x3E00]  }
0x1ca: {  	v0 =	vadd.f32 v1, v0;
	v1 =	vmul.f32 v7, v6;
	v6 =	vld [tilespmem:s16+$0x4000]  }
0x1cb: {  	v7 =	vld [tilespmem:s16+$0x8000]  }
0x1cc: {  	v4 =	vld [tilespmem:s16+$0x8200];
	v2 =	vmul.f32 v3, v2;
	v9 =	vadd.f32 v1, v0  }
0x1cd: {  	s18 =	simm.s32 $0x10;
	v1 =	vld [tilespmem:s16+$0x4200]  }
0x1ce: {  	v3 =	vld [tilespmem:s18+$0x600];
	v5 =	vmul.f32 v8, v5;
	v9 =	vadd.f32 v2, v9  }
0x1cf: {  	v0 =	vld [tilespmem:s18+$0x400]  }
0x1d0: {  	s17 =	simm.s32 $0x80;
	v2 =	vld [tilespmem:s18+$0x4400];
	v6 =	vmul.f32 v7, v6;
	v5 =	vadd.f32 v5, v9  }
.LBB2_2:
0x1d1: {  	p0 =	sne.s32 s17, $0x7C0;
	v7 =	vld [tilespmem:s18+$0x4600]  }
0x1d2: {  	v8 =	vld [tilespmem:s18+$0x800];
	v5 =	vadd.f32 v6, v5;
	v1 =	vmul.f32 v4, v1  }
0x1d3: {  	v4 =	vld [tilespmem:s18+$0x4800]  }
0x1d4: {  	v6 =	vld [tilespmem:s18+$0xA00];
	v1 =	vadd.f32 v1, v5  }
0x1d5: {  	v5 =	vld [tilespmem:s18+$0x4A00]  }
0x1d6: {  	v0 =	vmul.f32 v2, v0;
	v2 =	vmul.f32 v7, v3;
	v3 =	vld [tilespmem:s18+$0xC00];
	[tilespmem:s16+$0x8400] =	vst v1;
	s16 =	smov.u32 s18  }
0x1d7: {  	v1 =	vld [tilespmem:s16+$0x4C00]  }
0x1d8: {  	v0 =	vadd.f32 v2, v0;
	v2 =	vmul.f32 v4, v8;
	v4 =	vld [tilespmem:s16+$0xE00]  }
0x1d9: {  	v7 =	vld [tilespmem:s16+$0x4E00]  }
0x1da: {  	v0 =	vadd.f32 v2, v0;
	v2 =	vmul.f32 v5, v6;
	v5 =	vld [tilespmem:s16+$0x1000]  }
0x1db: {  	v6 =	vld [tilespmem:s16+$0x5000]  }
0x1dc: {  	v0 =	vadd.f32 v2, v0;
	v1 =	vmul.f32 v1, v3;
	v2 =	vld [tilespmem:s16+$0x1200]  }
0x1dd: {  	v3 =	vld [tilespmem:s16+$0x5200]  }
0x1de: {  	v0 =	vadd.f32 v1, v0;
	v1 =	vmul.f32 v7, v4;
	v4 =	vld [tilespmem:s16+$0x1400]  }
0x1df: {  	v7 =	vld [tilespmem:s16+$0x5400]  }
0x1e0: {  	v0 =	vadd.f32 v1, v0;
	v1 =	vmul.f32 v6, v5;
	v5 =	vld [tilespmem:s16+$0x1600]  }
0x1e1: {  	v6 =	vld [tilespmem:s16+$0x5600]  }
0x1e2: {  	v0 =	vadd.f32 v1, v0;
	v1 =	vmul.f32 v3, v2;
	v2 =	vld [tilespmem:s16+$0x1800]  }
0x1e3: {  	v3 =	vld [tilespmem:s16+$0x5800]  }
0x1e4: {  	v0 =	vadd.f32 v1, v0;
	v1 =	vmul.f32 v7, v4;
	v4 =	vld [tilespmem:s16+$0x1A00]  }
0x1e5: {  	v7 =	vld [tilespmem:s16+$0x5A00]  }
0x1e6: {  	v0 =	vadd.f32 v1, v0;
	v1 =	vmul.f32 v6, v5;
	v5 =	vld [tilespmem:s16+$0x1C00]  }
0x1e7: {  	v6 =	vld [tilespmem:s16+$0x5C00]  }
0x1e8: {  	v0 =	vadd.f32 v1, v0;
	v1 =	vmul.f32 v3, v2;
	v2 =	vld [tilespmem:s16+$0x1E00]  }
0x1e9: {  	v3 =	vld [tilespmem:s16+$0x5E00]  }
0x1ea: {  	v0 =	vadd.f32 v1, v0;
	v1 =	vmul.f32 v7, v4;
	v4 =	vld [tilespmem:s16+$0x2000]  }
0x1eb: {  	v7 =	vld [tilespmem:s16+$0x6000]  }
0x1ec: {  	v0 =	vadd.f32 v1, v0;
	v1 =	vmul.f32 v6, v5;
	v5 =	vld [tilespmem:s16+$0x2200]  }
0x1ed: {  	v6 =	vld [tilespmem:s16+$0x6200]  }
0x1ee: {  	v0 =	vadd.f32 v1, v0;
	v1 =	vmul.f32 v3, v2;
	v2 =	vld [tilespmem:s16+$0x2400]  }
0x1ef: {  	v3 =	vld [tilespmem:s16+$0x6400]  }
0x1f0: {  	v0 =	vadd.f32 v1, v0;
	v1 =	vmul.f32 v7, v4;
	v4 =	vld [tilespmem:s16+$0x2600]  }
0x1f1: {  	v7 =	vld [tilespmem:s16+$0x6600]  }
0x1f2: {  	v0 =	vadd.f32 v1, v0;
	v1 =	vmul.f32 v6, v5;
	v5 =	vld [tilespmem:s16+$0x2800]  }
0x1f3: {  	v6 =	vld [tilespmem:s16+$0x6800]  }
0x1f4: {  	v0 =	vadd.f32 v1, v0;
	v1 =	vmul.f32 v3, v2;
	v2 =	vld [tilespmem:s16+$0x2A00]  }
0x1f5: {  	v3 =	vld [tilespmem:s16+$0x6A00]  }
0x1f6: {  	v0 =	vadd.f32 v1, v0;
	v1 =	vmul.f32 v7, v4;
	v4 =	vld [tilespmem:s16+$0x2C00]  }
0x1f7: {  	v7 =	vld [tilespmem:s16+$0x6C00]  }
0x1f8: {  	v0 =	vadd.f32 v1, v0;
	v1 =	vmul.f32 v6, v5;
	v5 =	vld [tilespmem:s16+$0x2E00]  }
0x1f9: {  	v6 =	vld [tilespmem:s16+$0x6E00]  }
0x1fa: {  	v0 =	vadd.f32 v1, v0;
	v1 =	vmul.f32 v3, v2;
	v2 =	vld [tilespmem:s16+$0x3000]  }
0x1fb: {  	v3 =	vld [tilespmem:s16+$0x7000]  }
0x1fc: {  	v0 =	vadd.f32 v1, v0;
	v1 =	vmul.f32 v7, v4;
	v4 =	vld [tilespmem:s16+$0x3200]  }
0x1fd: {  	v7 =	vld [tilespmem:s16+$0x7200]  }
0x1fe: {  	v0 =	vadd.f32 v1, v0;
	v1 =	vmul.f32 v6, v5;
	v5 =	vld [tilespmem:s16+$0x3400]  }
0x1ff: {  	v6 =	vld [tilespmem:s16+$0x7400]  }
0x200: {  	v0 =	vadd.f32 v1, v0;
	v1 =	vmul.f32 v3, v2;
	v2 =	vld [tilespmem:s16+$0x3600]  }
0x201: {  	v3 =	vld [tilespmem:s16+$0x7600]  }
0x202: {  	v0 =	vadd.f32 v1, v0;
	v1 =	vmul.f32 v7, v4;
	v4 =	vld [tilespmem:s16+$0x3800]  }
0x203: {  	v7 =	vld [tilespmem:s16+$0x7800]  }
0x204: {  	v0 =	vadd.f32 v1, v0;
	v1 =	vmul.f32 v6, v5;
	v5 =	vld [tilespmem:s16+$0x3A00]  }
0x205: {  	v6 =	vld [tilespmem:s16+$0x7A00]  }
0x206: {  	v0 =	vadd.f32 v1, v0;
	v1 =	vmul.f32 v3, v2;
	v2 =	vld [tilespmem:s16+$0x3C00]  }
0x207: {  	v3 =	vld [tilespmem:s16+$0x7C00]  }
0x208: {  	v0 =	vadd.f32 v1, v0;
	v1 =	vmul.f32 v7, v4;
	v7 =	vld [tilespmem:s16+$0x3E00]  }
0x209: {  	v8 =	vld [tilespmem:s16+$0x7E00]  }
0x20a: {  	v0 =	vadd.f32 v1, v0;
	v1 =	vmul.f32 v6, v5;
	v6 =	vld [tilespmem:s16+$0x4000]  }
0x20b: {  	v9 =	vld [tilespmem:s16+$0x8000]  }
.Ltmp0:
0x20c: {  	v5 =	vadd.f32 v1, v0;
	v2 =	vmul.f32 v3, v2;
	v1 =	vld [tilespmem:s16+$0x4200];
	(pc) =	sbr.rel @p0 .LBB2_2-.Ltmp0, $4  }
0x20d: {  	s18 =	sshra.s32 s17, $0x2;
	v4 =	vld [tilespmem:s16+$0x8200]  }
0x20e: {  	v0 =	vld [tilespmem:s18+$0x400];
	v5 =	vadd.f32 v2, v5;
	v7 =	vmul.f32 v8, v7  }
0x20f: {  	v2 =	vld [tilespmem:s18+$0x4400]  }
0x210: {  	s17 =	sadd.s32 $0x40, s17;
	v3 =	vld [tilespmem:s18+$0x600];
	v5 =	vadd.f32 v7, v5;
	v6 =	vmul.f32 v9, v6  }
0x211: {  	v7 =	vld [tilespmem:s18+$0x4600]  }
0x212: {  	v8 =	vld [tilespmem:s18+$0x800];
	v5 =	vadd.f32 v6, v5;
	v1 =	vmul.f32 v4, v1  }
0x213: {  	v32 =	vld [tilespmem:s18+$0x4800]  }
0x214: {  	v33 =	vld [tilespmem:s18+$0xA00];
	v1 =	vadd.f32 v1, v5  }
0x215: {  	v34 =	vld [tilespmem:s18+$0x4A00]  }
0x216: {  	v9 =	vld [tilespmem:s18+$0xC00];
	v0 =	vmul.f32 v2, v0;
	v35 =	vmul.f32 v7, v3;
	[tilespmem:s16+$0x8400] =	vst v1  }
0x217: {  	v1 =	vld [tilespmem:s18+$0x4C00]  }
0x218: {  	v36 =	vmul.f32 v32, v8;
	v37 =	vld [tilespmem:s18+$0xE00];
	v0 =	vadd.f32 v35, v0  }
0x219: {  	v38 =	vld [tilespmem:s18+$0x4E00]  }
0x21a: {  	v39 =	vmul.f32 v34, v33;
	v40 =	vld [tilespmem:s18+$0x1000];
	v0 =	vadd.f32 v36, v0  }
0x21b: {  	v41 =	vld [tilespmem:s18+$0x5000]  }
0x21c: {  	v42 =	vld [tilespmem:s18+$0x1200];
	v0 =	vadd.f32 v39, v0;
	v1 =	vmul.f32 v1, v9  }
0x21d: {  	v43 =	vld [tilespmem:s18+$0x5200]  }
0x21e: {  	v45 =	vld [tilespmem:s18+$0x1400];
	v44 =	vmul.f32 v38, v37;
	v0 =	vadd.f32 v1, v0  }
0x21f: {  	v46 =	vld [tilespmem:s18+$0x5400]  }
0x220: {  	v48 =	vld [tilespmem:s18+$0x1600];
	v47 =	vmul.f32 v41, v40;
	v0 =	vadd.f32 v44, v0  }
0x221: {  	v49 =	vld [tilespmem:s18+$0x5600]  }
0x222: {  	v51 =	vld [tilespmem:s18+$0x1800];
	v50 =	vmul.f32 v43, v42;
	v0 =	vadd.f32 v47, v0  }
0x223: {  	v52 =	vld [tilespmem:s18+$0x5800]  }
0x224: {  	v54 =	vld [tilespmem:s18+$0x1A00];
	v53 =	vmul.f32 v46, v45;
	v0 =	vadd.f32 v50, v0  }
0x225: {  	v55 =	vld [tilespmem:s18+$0x5A00]  }
0x226: {  	v57 =	vld [tilespmem:s18+$0x1C00];
	v56 =	vmul.f32 v49, v48;
	v0 =	vadd.f32 v53, v0  }
0x227: {  	v58 =	vld [tilespmem:s18+$0x5C00]  }
0x228: {  	v60 =	vld [tilespmem:s18+$0x1E00];
	v59 =	vmul.f32 v52, v51;
	v0 =	vadd.f32 v56, v0  }
0x229: {  	v61 =	vld [tilespmem:s18+$0x5E00]  }
0x22a: {  	v63 =	vld [tilespmem:s18+$0x2000];
	v62 =	vmul.f32 v55, v54;
	v0 =	vadd.f32 v59, v0  }
0x22b: {  	v9 =	vld [tilespmem:s18+$0x6000]  }
0x22c: {  	v11 =	vld [tilespmem:s18+$0x2200];
	v10 =	vmul.f32 v58, v57;
	v0 =	vadd.f32 v62, v0  }
0x22d: {  	v12 =	vld [tilespmem:s18+$0x6200]  }
0x22e: {  	v14 =	vld [tilespmem:s18+$0x2400];
	v13 =	vmul.f32 v61, v60;
	v0 =	vadd.f32 v10, v0  }
0x22f: {  	v15 =	vld [tilespmem:s18+$0x6400]  }
0x230: {  	v17 =	vld [tilespmem:s18+$0x2600];
	v16 =	vmul.f32 v9, v63;
	v0 =	vadd.f32 v13, v0  }
0x231: {  	v18 =	vld [tilespmem:s18+$0x6600]  }
0x232: {  	v20 =	vld [tilespmem:s18+$0x2800];
	v19 =	vmul.f32 v12, v11;
	v0 =	vadd.f32 v16, v0  }
0x233: {  	v21 =	vld [tilespmem:s18+$0x6800]  }
0x234: {  	v23 =	vld [tilespmem:s18+$0x2A00];
	v22 =	vmul.f32 v15, v14;
	v0 =	vadd.f32 v19, v0  }
0x235: {  	v24 =	vld [tilespmem:s18+$0x6A00]  }
0x236: {  	v26 =	vld [tilespmem:s18+$0x2C00];
	v25 =	vmul.f32 v18, v17;
	v0 =	vadd.f32 v22, v0  }
0x237: {  	v27 =	vld [tilespmem:s18+$0x6C00]  }
0x238: {  	v29 =	vld [tilespmem:s18+$0x2E00];
	v28 =	vmul.f32 v21, v20;
	v0 =	vadd.f32 v25, v0  }
0x239: {  	v30 =	vld [tilespmem:s18+$0x6E00]  }
0x23a: {  	v32 =	vld [tilespmem:s18+$0x3000];
	v31 =	vmul.f32 v24, v23;
	v0 =	vadd.f32 v28, v0  }
0x23b: {  	v33 =	vld [tilespmem:s18+$0x7000]  }
0x23c: {  	v35 =	vld [tilespmem:s18+$0x3200];
	v34 =	vmul.f32 v27, v26;
	v0 =	vadd.f32 v31, v0  }
0x23d: {  	v36 =	vld [tilespmem:s18+$0x7200]  }
0x23e: {  	v37 =	vmul.f32 v30, v29;
	v38 =	vld [tilespmem:s18+$0x3400];
	v0 =	vadd.f32 v34, v0  }
0x23f: {  	v39 =	vld [tilespmem:s18+$0x7400]  }
0x240: {  	v40 =	vmul.f32 v33, v32;
	v41 =	vld [tilespmem:s18+$0x3600];
	v0 =	vadd.f32 v37, v0  }
0x241: {  	v42 =	vld [tilespmem:s18+$0x7600]  }
0x242: {  	v45 =	vld [tilespmem:s18+$0x7800];
	v43 =	vmul.f32 v36, v35;
	v0 =	vadd.f32 v40, v0  }
0x243: {  	v44 =	vld [tilespmem:s18+$0x3800]  }
0x244: {  	v48 =	vld [tilespmem:s18+$0x7A00];
	v46 =	vmul.f32 v39, v38;
	v0 =	vadd.f32 v43, v0  }
0x245: {  	v47 =	vld [tilespmem:s18+$0x3A00]  }
0x246: {  	v51 =	vld [tilespmem:s18+$0x7C00];
	v49 =	vmul.f32 v42, v41;
	v0 =	vadd.f32 v46, v0  }
0x247: {  	v50 =	vld [tilespmem:s18+$0x3C00]  }
0x248: {  	v54 =	vld [tilespmem:s18+$0x7E00];
	v52 =	vmul.f32 v45, v44;
	v0 =	vadd.f32 v49, v0  }
0x249: {  	v53 =	vld [tilespmem:s18+$0x3E00]  }
0x24a: {  	v57 =	vld [tilespmem:s18+$0x8000];
	v55 =	vmul.f32 v48, v47;
	v0 =	vadd.f32 v52, v0  }
0x24b: {  	v56 =	vld [tilespmem:s18+$0x4000]  }
0x24c: {  	v60 =	vld [tilespmem:s18+$0x8200];
	v58 =	vmul.f32 v51, v50;
	v0 =	vadd.f32 v55, v0  }
0x24d: {  	v59 =	vld [tilespmem:s18+$0x4200]  }
0x24e: {  	v61 =	vmul.f32 v54, v53;
	v0 =	vadd.f32 v58, v0;
	_ =	sdelay $0x1  }
0x24f: {  	v62 =	vmul.f32 v57, v56;
	v0 =	vadd.f32 v61, v0;
	_ =	sdelay $0x1  }
0x250: {  	v63 =	vmul.f32 v60, v59;
	v0 =	vadd.f32 v62, v0;
	_ =	sdelay $0x1  }
0x251: {  	s15 =	sadd.s32 $0x1, s15;
	v0 =	vadd.f32 v63, v0  }
0x252: {  	p0 =	sne.s32 s15, s9  }
.Ltmp1:
0x253: {  	[tilespmem:s18+$0x8400] =	vst v0;
	s18 =	simm.s32 $0x8400;
	(pc) =	sbr.rel @p0 .LBB2_1-.Ltmp1, $4  }
0x254: {  	[hbm4b:s6+s2] =	stream.linear.scatter [tilespmem:s18], [sflag:$0x2], $0x200, $0x38;
	[tilespmem:$0x8600] =	vst v63  }
0x255: {  	_ =	swait.ge [sflag:s12], $0x200  }
0x256: {  	[sflag:s12] =	ssyncset.done $0x0  }
0x257: {  	[sflag:s12] =	ssyncadd.s32 $0xFFFFFE00  }
0x258: {  	_ =	sfence.sel $0x180000  }
0x259: {  	[bflag:$0x0] =	sbarrier.arrive $0xFFFF  }
0x25a: {  	_ =	strace $0x90000047  }
0x25b: {  	s0 =	stileid.u32;
	[bflag:$0x2] =	sbarrier.arrive $0xFFFF  }
0x25c: {  	p0 =	sne.s32 s0, $0x0;
	s0 =	rddreg [dreg:$0x4]  }
0x25d: {  	s0 =	sadd.s32 @!p0 $0x100000, s0  }
0x25e: {  	[sflag:s0] =	ssyncadd.tile.s32 @!p0 $0x1;
	_ =	shalt  }
.Lfunc_end2:
_tile_overlayer_lowered:
.L_overlay_start_2:
0x25f: {  	(tag) =	ssettag $0x2  }
0x260: {  	s0 =	rddreg [dreg:$0x0];
	s2 =	stileid.u32  }
0x261: {  	s1 =	rddreg [dreg:$0x1];
	p0 =	sne.s32 s2, $0x0  }
0x262: {  	s3 =	rddreg [dreg:$0x2];
	[bflag:$0x3] =	sbarrier.arrive $0xFFFF;
	s2 =	simm.s32 @!p0 $0x1C02  }
0x263: {  	[timem:s3], [sflag:s2] =	dma.local @!p0 [hbm:s0], s1  }
0x264: {  	s0 =	simm.s32 @!p0 $0x2  }
0x265: {  	_ =	swait.ge @!p0 [sflag:s0], s1  }
0x266: {  	s1 =	ssub.s32 @!p0 $0x0, s1;
	[sflag:s0] =	ssyncset.done @!p0 $0x0  }
0x267: {  	[sflag:s0] =	ssyncadd.s32 @!p0 s1  }
0x268: {  	[bflag:$0x3] =	sbarrier.arrive $0xFFFF  }
0x269: {  	_ =	shalt  }

</sc_bundles>
